<compile_context>
chip_gen: v7x
topology: tpu7x:2x2x1
jax: 0.10.2.dev20260603
libtpu: 0.0.44.dev20260713+nightly
codegen_flags: <defaults>
</compile_context>

<pallas_src>
import functools

import jax
import jax.numpy as jnp
from jax import lax
from jax.experimental import pallas as pl
from jax.experimental.pallas import tpu as pltpu
from jax.experimental.pallas import tpu_sc as plsc

_NS, _N = 16384, 1024
_L = 16
_NC, _NSUB = 2, 16
_NW = _NC * _NSUB
_RPW = _NS // _NW
_CH = 16
_NCHUNK = _RPW // _CH
_NVEC = _N // _L

_LN2 = 0.6931471805599453
_SQRT2 = 1.4142135623730951


def _log16(v):
    bits = plsc.bitcast(v, jnp.int32)
    e = ((bits >> 23) & 0xFF) - 127
    m = plsc.bitcast((bits & 0x007FFFFF) | 0x3F800000, jnp.float32)
    big = m >= _SQRT2
    e = e + big.astype(jnp.int32)
    m = jnp.where(big, m * 0.5, m)
    t = m - 1.0
    s = t / (t + 2.0)
    s2 = s * s
    p = 2.0 + s2 * (0.66666667 + s2 * (0.4 + s2 * 0.28571429))
    return e.astype(jnp.float32) * _LN2 + s * p


def _sc_body(x_hbm, phi_hbm, out_hbm, xbuf, phi_v, dh_v, out_v, tr_v,
             sem0, sem1):
    wid = lax.axis_index("s") * _NC + lax.axis_index("c")
    base = wid * _RPW
    sems = (sem0, sem1)

    def start(g, b):
        pltpu.async_copy(
            x_hbm.at[pl.ds(base + g * _CH, _CH), :], xbuf.at[b], sems[b])

    def wait(b):
        pltpu.make_async_copy(
            x_hbm.at[pl.ds(base, _CH), :], xbuf.at[b], sems[b]).wait()

    start(0, 0)
    start(1, 1)

    pltpu.sync_copy(phi_hbm, phi_v)

    lane = lax.iota(jnp.int32, _L)

    def prep(j, csum):
        idx2 = (j * _L + lane) * 2
        la = _log16(plsc.load_gather(phi_v, [idx2]))
        lb = _log16(plsc.load_gather(phi_v, [idx2 + 1]))
        dh_v[pl.ds(j * _L, _L)] = 0.5 * (lb - la)
        return csum + 0.5 * (la + lb)

    csum = lax.fori_loop(0, _NVEC, prep, jnp.zeros((_L,), jnp.float32))

    for r in range(_L):
        tr_v[r, :] = csum
    c0vec = jnp.zeros((_L,), jnp.float32)
    for k in range(_L):
        c0vec = c0vec + plsc.load_gather(
            tr_v, [lane, jnp.full((_L,), k, jnp.int32)])

    def compute_chunk(g, b):
        wait(b)

        @plsc.parallel_loop(
            0, _NVEC, unroll=4,
            carry=tuple(jnp.zeros((_L,), jnp.float32) for _ in range(_CH)))
        def accs(j, accs):
            dv = dh_v[pl.ds(j * _L, _L)]
            return tuple(
                accs[r] + dv * xbuf[b, r, pl.ds(j * _L, _L)].astype(jnp.float32)
                for r in range(_CH))

        @pl.when(g + 2 < _NCHUNK)
        def _():
            start(g + 2, b)

        for r in range(_L):
            tr_v[r, :] = accs[r]
        res = c0vec
        for k in range(_L):
            res = res + plsc.load_gather(
                tr_v, [lane, jnp.full((_L,), k, jnp.int32)])
        out_v[pl.ds(g * _CH, _L)] = res

    def outer(t, carry):
        compute_chunk(2 * t, 0)
        compute_chunk(2 * t + 1, 1)
        return carry

    lax.fori_loop(0, _NCHUNK // 2, outer, 0)

    pltpu.sync_copy(out_v, out_hbm.at[pl.ds(base, _RPW)])


@functools.cache
def _sc():
    return functools.partial(
        pl.kernel,
        out_type=jax.ShapeDtypeStruct((_NS,), jnp.float32),
        mesh=plsc.VectorSubcoreMesh(
            core_axis_name="c", subcore_axis_name="s",
            num_cores=_NC, num_subcores=_NSUB),
        scratch_types=[
            pltpu.VMEM((2, _CH, _N), jnp.int32),
            pltpu.VMEM((2 * _N,), jnp.float32),
            pltpu.VMEM((_N,), jnp.float32),
            pltpu.VMEM((_RPW,), jnp.float32),
            pltpu.VMEM((_L, _L), jnp.float32),
            pltpu.SemaphoreType.DMA,
            pltpu.SemaphoreType.DMA,
        ],
        compiler_params=pltpu.CompilerParams(needs_layout_passes=False),
    )(_sc_body)


def kernel(x, phi):
    return _sc()(x, phi.reshape(-1))

# --- scband reference (transcript-rebuilt; emitter-appended) ---
"""Pipeline reference for scband-mf-9337258901896 (READ-ONLY COPY).

The authoritative reference and input builder live on the scoring server;
editing this copy changes nothing except your own understanding.
"""

import jax, jax.numpy as jnp
import numpy as np

Ns, N = 16384, 1024

def setup_inputs(seed: int = 0) -> dict:
    key = jax.random.key(seed)
    k1, k2 = jax.random.split(key)
    # spin configurations in {-1, +1}
    x = (jax.random.randint(k1, (Ns, N), 0, 2) * 2 - 1).astype(jnp.int32)
    # mean-field parameters phi (N, 2); positive so log is finite
    # (original flax param is constant(1) complex128; we use a positive float32
    #  random table so the gather/log math is non-trivial but faithful)
    phi = jax.random.uniform(k2, (N, 2), dtype=jnp.float32, minval=0.5, maxval=1.5)
    return {"x": x, "phi": phi}

def reference(x, phi):
    # log psi(z) = sum_i log( phi[i, (1+z_i)/2] )
    N_ = x.shape[-1]
    indices = jnp.asarray((1 + x) / 2, dtype=jnp.int32)          # (Ns, N) in {0,1}
    mf = phi[jnp.arange(N_)[None, :], indices]                    # gather: (Ns, N)
    return jnp.sum(jnp.log(mf), axis=-1)                          # (Ns,)

if __name__ == "__main__":
    import jax
    _d = setup_inputs()
    print(jax.jit(kernel)(*tuple(_d.values())))

</pallas_src>

<mosaic_0001>
#map = affine_map<(d0, d1) -> (0, 0)>
#map1 = affine_map<(d0, d1) -> (0)>
module attributes {stable_mosaic.version = 14 : i64} {
  func.func @_sc_body(%arg0: i32, %arg1: i32, %arg2: memref<16384x1024xi32, #tpu.memory_space<hbm>>, %arg3: memref<2048xf32, #tpu.memory_space<hbm>>, %arg4: memref<16384xf32, #tpu.memory_space<hbm>>, %arg5: memref<2x16x1024xi32, #tpu.memory_space<vmem>>, %arg6: memref<2048xf32, #tpu.memory_space<vmem>>, %arg7: memref<1024xf32, #tpu.memory_space<vmem>>, %arg8: memref<512xf32, #tpu.memory_space<vmem>>, %arg9: memref<16x16xf32, #tpu.memory_space<vmem>>, %arg10: memref<!tpu.dma_semaphore, #tpu.memory_space<semaphore_mem>>, %arg11: memref<!tpu.dma_semaphore, #tpu.memory_space<semaphore_mem>>) attributes {dimension_semantics = [#tpu.dimension_semantics<core_parallel>, #tpu.dimension_semantics<subcore_parallel>], iteration_bounds = array<i64: 2, 16>, scalar_prefetch = 0 : i64, scratch_operands = 7 : i64, tpu.core_type = #tpu.core_type<sc_vector_subcore>, window_params = [{transform_indices = #map}, {transform_indices = #map1}, {transform_indices = #map1}]} {
    %mul3A = arith.constant 2 : i32
    %mul3A_0 = arith.muli %arg1, %mul3A : i32
    %add3A = arith.addi %mul3A_0, %arg0 : i32
    %mul3A_1 = arith.constant 512 : i32
    %mul3A_2 = arith.muli %add3A, %mul3A_1 : i32
    %add3A_3 = arith.constant 0 : i32
    %add3A_4 = arith.addi %mul3A_2, %add3A_3 : i32
    %dma_start3A = arith.constant 0 : i32
    %dma_start3A_5 = arith.constant 0 : i32
    %dma_start3A_6 = arith.constant 0 : i32
    %dma_start3A_7 = tpu.memref_slice %arg5[%dma_start3A, %dma_start3A_5, %dma_start3A_6] : memref<2x16x1024xi32, #tpu.memory_space<vmem>> -> memref<1x16x1024xi32, #tpu.memory_space<vmem>>
    %dma_start3A_8 = tpu.memref_squeeze %dma_start3A_7 : memref<1x16x1024xi32, #tpu.memory_space<vmem>> -> memref<16x1024xi32, #tpu.memory_space<vmem>>
    %dma_start3A_9 = arith.constant 0 : i32
    %dma_start3A_10 = tpu.memref_slice %arg2[%add3A_4, %dma_start3A_9] : memref<16384x1024xi32, #tpu.memory_space<hbm>> -> memref<16x1024xi32, #tpu.memory_space<hbm>>
    %dma_start3A_11 = arith.constant 0 : i32
    %dma_start3A_12 = arith.constant 0 : i32
    %dma_start3A_13 = tpu.memref_slice %arg5[%dma_start3A, %dma_start3A_11, %dma_start3A_12] : memref<2x16x1024xi32, #tpu.memory_space<vmem>> -> memref<1x16x1024xi32, #tpu.memory_space<vmem>>
    %dma_start3A_14 = tpu.memref_squeeze %dma_start3A_13 : memref<1x16x1024xi32, #tpu.memory_space<vmem>> -> memref<16x1024xi32, #tpu.memory_space<vmem>>
    %dma_start3A_15 = arith.constant 0 : i32
    %dma_start3A_16 = tpu.memref_slice %arg2[%add3A_4, %dma_start3A_15] : memref<16384x1024xi32, #tpu.memory_space<hbm>> -> memref<16x1024xi32, #tpu.memory_space<hbm>>
    tpu.enqueue_dma source(%dma_start3A_16 : memref<16x1024xi32, #tpu.memory_space<hbm>>) target(%dma_start3A_14 : memref<16x1024xi32, #tpu.memory_space<vmem>>) target_semaphore(%arg10 : memref<!tpu.dma_semaphore, #tpu.memory_space<semaphore_mem>>)
    %add3A_17 = arith.constant 16 : i32
    %add3A_18 = arith.addi %mul3A_2, %add3A_17 : i32
    %dma_start3A_19 = arith.constant 1 : i32
    %dma_start3A_20 = arith.constant 0 : i32
    %dma_start3A_21 = arith.constant 0 : i32
    %dma_start3A_22 = tpu.memref_slice %arg5[%dma_start3A_19, %dma_start3A_20, %dma_start3A_21] : memref<2x16x1024xi32, #tpu.memory_space<vmem>> -> memref<1x16x1024xi32, #tpu.memory_space<vmem>>
    %dma_start3A_23 = tpu.memref_squeeze %dma_start3A_22 : memref<1x16x1024xi32, #tpu.memory_space<vmem>> -> memref<16x1024xi32, #tpu.memory_space<vmem>>
    %dma_start3A_24 = arith.constant 0 : i32
    %dma_start3A_25 = tpu.memref_slice %arg2[%add3A_18, %dma_start3A_24] : memref<16384x1024xi32, #tpu.memory_space<hbm>> -> memref<16x1024xi32, #tpu.memory_space<hbm>>
    %dma_start3A_26 = arith.constant 0 : i32
    %dma_start3A_27 = arith.constant 0 : i32
    %dma_start3A_28 = tpu.memref_slice %arg5[%dma_start3A_19, %dma_start3A_26, %dma_start3A_27] : memref<2x16x1024xi32, #tpu.memory_space<vmem>> -> memref<1x16x1024xi32, #tpu.memory_space<vmem>>
    %dma_start3A_29 = tpu.memref_squeeze %dma_start3A_28 : memref<1x16x1024xi32, #tpu.memory_space<vmem>> -> memref<16x1024xi32, #tpu.memory_space<vmem>>
    %dma_start3A_30 = arith.constant 0 : i32
    %dma_start3A_31 = tpu.memref_slice %arg2[%add3A_18, %dma_start3A_30] : memref<16384x1024xi32, #tpu.memory_space<hbm>> -> memref<16x1024xi32, #tpu.memory_space<hbm>>
    tpu.enqueue_dma source(%dma_start3A_31 : memref<16x1024xi32, #tpu.memory_space<hbm>>) target(%dma_start3A_29 : memref<16x1024xi32, #tpu.memory_space<vmem>>) target_semaphore(%arg11 : memref<!tpu.dma_semaphore, #tpu.memory_space<semaphore_mem>>)
    "tpu.region"() ({
      %run_scoped3A = tpu.sem_alloc : memref<!tpu.dma_semaphore, #tpu.memory_space<semaphore_mem>>
      tpu.enqueue_dma source(%arg3 : memref<2048xf32, #tpu.memory_space<hbm>>) target(%arg6 : memref<2048xf32, #tpu.memory_space<vmem>>) target_semaphore(%run_scoped3A : memref<!tpu.dma_semaphore, #tpu.memory_space<semaphore_mem>>)
      tpu.wait_dma2 semaphore(%run_scoped3A : memref<!tpu.dma_semaphore, #tpu.memory_space<semaphore_mem>>) src(%arg3 : memref<2048xf32, #tpu.memory_space<hbm>>) dst(%arg6 : memref<2048xf32, #tpu.memory_space<vmem>>)
      tpu.yield
    }) : () -> ()
    %iota3A = tpu.iota {dimensions = array<i32: 0>} : vector<16xi32>
    %broadcast_in_dim3A = arith.constant 0.000000e+00 : f32
    %broadcast_in_dim3A_32 = vector.broadcast %broadcast_in_dim3A : f32 to vector<16xf32>
    %scan3A = arith.constant 0 : i32
    %scan3A_33 = arith.constant 64 : i32
    %scan3A_34 = arith.addi %scan3A, %scan3A_33 : i32
    %scan3A_35 = arith.constant 1 : i32
    %scan3A_36 = scf.for %scan3A_172 = %scan3A to %scan3A_34 step %scan3A_35 iter_args(%scan3A_173 = %broadcast_in_dim3A_32) -> (vector<16xf32>)  : i32 {
      %mul3A_174 = arith.constant 16 : i32
      %mul3A_175 = arith.muli %scan3A_172, %mul3A_174 : i32
      %add3A_176 = vector.broadcast %mul3A_175 : i32 to vector<16xi32>
      %add3A_177 = arith.addi %add3A_176, %iota3A : vector<16xi32>
      %mul3A_178 = arith.constant 2 : i32
      %mul3A_179 = vector.broadcast %mul3A_178 : i32 to vector<16xi32>
      %mul3A_180 = arith.muli %add3A_177, %mul3A_179 : vector<16xi32>
      %gather3A_181 = tpu.vector_load_idx %arg6[%mul3A_180] : memref<2048xf32, #tpu.memory_space<vmem>>[vector<16xi32>], vector<16xf32>,
      %bitcast3A = vector.bitcast %gather3A_181 : vector<16xf32> to vector<16xi32>
      %shift_right_arithmetic3A = arith.constant 23 : i32
      %shift_right_arithmetic3A_182 = vector.broadcast %shift_right_arithmetic3A : i32 to vector<16xi32>
      %shift_right_arithmetic3A_183 = arith.shrsi %bitcast3A, %shift_right_arithmetic3A_182 : vector<16xi32>
      %and3A = arith.constant 255 : i32
      %and3A_184 = vector.broadcast %and3A : i32 to vector<16xi32>
      %and3A_185 = arith.andi %shift_right_arithmetic3A_183, %and3A_184 : vector<16xi32>
      %sub3A = arith.constant 127 : i32
      %sub3A_186 = vector.broadcast %sub3A : i32 to vector<16xi32>
      %sub3A_187 = arith.subi %and3A_185, %sub3A_186 : vector<16xi32>
      %and3A_188 = arith.constant 8388607 : i32
      %and3A_189 = vector.broadcast %and3A_188 : i32 to vector<16xi32>
      %and3A_190 = arith.andi %bitcast3A, %and3A_189 : vector<16xi32>
      %or3A = arith.constant 1065353216 : i32
      %or3A_191 = vector.broadcast %or3A : i32 to vector<16xi32>
      %or3A_192 = arith.ori %and3A_190, %or3A_191 : vector<16xi32>
      %bitcast3A_193 = vector.bitcast %or3A_192 : vector<16xi32> to vector<16xf32>
      %ge3A = arith.constant 1.41421354 : f32
      %ge3A_194 = vector.broadcast %ge3A : f32 to vector<16xf32>
      %ge3A_195 = arith.cmpf oge, %bitcast3A_193, %ge3A_194 : vector<16xf32>
      %convert_element_type3A = arith.extui %ge3A_195 : vector<16xi1> to vector<16xi32>
      %add3A_196 = arith.addi %sub3A_187, %convert_element_type3A : vector<16xi32>
      %mul3A_197 = arith.constant 5.000000e-01 : f32
      %mul3A_198 = vector.broadcast %mul3A_197 : f32 to vector<16xf32>
      %mul3A_199 = arith.mulf %bitcast3A_193, %mul3A_198 : vector<16xf32>
      %select_n3A = arith.select %ge3A_195, %mul3A_199, %bitcast3A_193 : vector<16xi1>, vector<16xf32>
      %sub3A_200 = arith.constant 1.000000e+00 : f32
      %sub3A_201 = vector.broadcast %sub3A_200 : f32 to vector<16xf32>
      %sub3A_202 = arith.subf %select_n3A, %sub3A_201 : vector<16xf32>
      %add3A_203 = arith.constant 2.000000e+00 : f32
      %add3A_204 = vector.broadcast %add3A_203 : f32 to vector<16xf32>
      %add3A_205 = arith.addf %sub3A_202, %add3A_204 : vector<16xf32>
      %div3A = arith.divf %sub3A_202, %add3A_205 : vector<16xf32>
      %mul3A_206 = arith.mulf %div3A, %div3A : vector<16xf32>
      %mul3A_207 = arith.constant 0.285714298 : f32
      %mul3A_208 = vector.broadcast %mul3A_207 : f32 to vector<16xf32>
      %mul3A_209 = arith.mulf %mul3A_206, %mul3A_208 : vector<16xf32>
      %add3A_210 = arith.constant 4.000000e-01 : f32
      %add3A_211 = vector.broadcast %add3A_210 : f32 to vector<16xf32>
      %add3A_212 = arith.addf %add3A_211, %mul3A_209 : vector<16xf32>
      %mul3A_213 = arith.mulf %mul3A_206, %add3A_212 : vector<16xf32>
      %add3A_214 = arith.constant 0.666666686 : f32
      %add3A_215 = vector.broadcast %add3A_214 : f32 to vector<16xf32>
      %add3A_216 = arith.addf %add3A_215, %mul3A_213 : vector<16xf32>
      %mul3A_217 = arith.mulf %mul3A_206, %add3A_216 : vector<16xf32>
      %add3A_218 = arith.constant 2.000000e+00 : f32
      %add3A_219 = vector.broadcast %add3A_218 : f32 to vector<16xf32>
      %add3A_220 = arith.addf %add3A_219, %mul3A_217 : vector<16xf32>
      %convert_element_type3A_221 = arith.sitofp %add3A_196 : vector<16xi32> to vector<16xf32>
      %mul3A_222 = arith.constant 0.693147182 : f32
      %mul3A_223 = vector.broadcast %mul3A_222 : f32 to vector<16xf32>
      %mul3A_224 = arith.mulf %convert_element_type3A_221, %mul3A_223 : vector<16xf32>
      %mul3A_225 = arith.mulf %div3A, %add3A_220 : vector<16xf32>
      %add3A_226 = arith.addf %mul3A_224, %mul3A_225 : vector<16xf32>
      %add3A_227 = arith.constant 1 : i32
      %add3A_228 = vector.broadcast %add3A_227 : i32 to vector<16xi32>
      %add3A_229 = arith.addi %mul3A_180, %add3A_228 : vector<16xi32>
      %gather3A_230 = tpu.vector_load_idx %arg6[%add3A_229] : memref<2048xf32, #tpu.memory_space<vmem>>[vector<16xi32>], vector<16xf32>,
      %bitcast3A_231 = vector.bitcast %gather3A_230 : vector<16xf32> to vector<16xi32>
      %shift_right_arithmetic3A_232 = arith.constant 23 : i32
      %shift_right_arithmetic3A_233 = vector.broadcast %shift_right_arithmetic3A_232 : i32 to vector<16xi32>
      %shift_right_arithmetic3A_234 = arith.shrsi %bitcast3A_231, %shift_right_arithmetic3A_233 : vector<16xi32>
      %and3A_235 = arith.constant 255 : i32
      %and3A_236 = vector.broadcast %and3A_235 : i32 to vector<16xi32>
      %and3A_237 = arith.andi %shift_right_arithmetic3A_234, %and3A_236 : vector<16xi32>
      %sub3A_238 = arith.constant 127 : i32
      %sub3A_239 = vector.broadcast %sub3A_238 : i32 to vector<16xi32>
      %sub3A_240 = arith.subi %and3A_237, %sub3A_239 : vector<16xi32>
      %and3A_241 = arith.constant 8388607 : i32
      %and3A_242 = vector.broadcast %and3A_241 : i32 to vector<16xi32>
      %and3A_243 = arith.andi %bitcast3A_231, %and3A_242 : vector<16xi32>
      %or3A_244 = arith.constant 1065353216 : i32
      %or3A_245 = vector.broadcast %or3A_244 : i32 to vector<16xi32>
      %or3A_246 = arith.ori %and3A_243, %or3A_245 : vector<16xi32>
      %bitcast3A_247 = vector.bitcast %or3A_246 : vector<16xi32> to vector<16xf32>
      %ge3A_248 = arith.constant 1.41421354 : f32
      %ge3A_249 = vector.broadcast %ge3A_248 : f32 to vector<16xf32>
      %ge3A_250 = arith.cmpf oge, %bitcast3A_247, %ge3A_249 : vector<16xf32>
      %convert_element_type3A_251 = arith.extui %ge3A_250 : vector<16xi1> to vector<16xi32>
      %add3A_252 = arith.addi %sub3A_240, %convert_element_type3A_251 : vector<16xi32>
      %mul3A_253 = arith.constant 5.000000e-01 : f32
      %mul3A_254 = vector.broadcast %mul3A_253 : f32 to vector<16xf32>
      %mul3A_255 = arith.mulf %bitcast3A_247, %mul3A_254 : vector<16xf32>
      %select_n3A_256 = arith.select %ge3A_250, %mul3A_255, %bitcast3A_247 : vector<16xi1>, vector<16xf32>
      %sub3A_257 = arith.constant 1.000000e+00 : f32
      %sub3A_258 = vector.broadcast %sub3A_257 : f32 to vector<16xf32>
      %sub3A_259 = arith.subf %select_n3A_256, %sub3A_258 : vector<16xf32>
      %add3A_260 = arith.constant 2.000000e+00 : f32
      %add3A_261 = vector.broadcast %add3A_260 : f32 to vector<16xf32>
      %add3A_262 = arith.addf %sub3A_259, %add3A_261 : vector<16xf32>
      %div3A_263 = arith.divf %sub3A_259, %add3A_262 : vector<16xf32>
      %mul3A_264 = arith.mulf %div3A_263, %div3A_263 : vector<16xf32>
      %mul3A_265 = arith.constant 0.285714298 : f32
      %mul3A_266 = vector.broadcast %mul3A_265 : f32 to vector<16xf32>
      %mul3A_267 = arith.mulf %mul3A_264, %mul3A_266 : vector<16xf32>
      %add3A_268 = arith.constant 4.000000e-01 : f32
      %add3A_269 = vector.broadcast %add3A_268 : f32 to vector<16xf32>
      %add3A_270 = arith.addf %add3A_269, %mul3A_267 : vector<16xf32>
      %mul3A_271 = arith.mulf %mul3A_264, %add3A_270 : vector<16xf32>
      %add3A_272 = arith.constant 0.666666686 : f32
      %add3A_273 = vector.broadcast %add3A_272 : f32 to vector<16xf32>
      %add3A_274 = arith.addf %add3A_273, %mul3A_271 : vector<16xf32>
      %mul3A_275 = arith.mulf %mul3A_264, %add3A_274 : vector<16xf32>
      %add3A_276 = arith.constant 2.000000e+00 : f32
      %add3A_277 = vector.broadcast %add3A_276 : f32 to vector<16xf32>
      %add3A_278 = arith.addf %add3A_277, %mul3A_275 : vector<16xf32>
      %convert_element_type3A_279 = arith.sitofp %add3A_252 : vector<16xi32> to vector<16xf32>
      %mul3A_280 = arith.constant 0.693147182 : f32
      %mul3A_281 = vector.broadcast %mul3A_280 : f32 to vector<16xf32>
      %mul3A_282 = arith.mulf %convert_element_type3A_279, %mul3A_281 : vector<16xf32>
      %mul3A_283 = arith.mulf %div3A_263, %add3A_278 : vector<16xf32>
      %add3A_284 = arith.addf %mul3A_282, %mul3A_283 : vector<16xf32>
      %sub3A_285 = arith.subf %add3A_284, %add3A_226 : vector<16xf32>
      %mul3A_286 = arith.constant 5.000000e-01 : f32
      %mul3A_287 = vector.broadcast %mul3A_286 : f32 to vector<16xf32>
      %mul3A_288 = arith.mulf %mul3A_287, %sub3A_285 : vector<16xf32>
      %mul3A_289 = arith.constant 16 : i32
      %mul3A_290 = arith.muli %scan3A_172, %mul3A_289 : i32
      %swap3A_291 = arith.index_cast %mul3A_290 : i32 to index
      %swap3A_292 = tpu.vector_load %arg7[%swap3A_291] {strides = array<i32>} : memref<1024xf32, #tpu.memory_space<vmem>>, vector<16xf32>,
      tpu.vector_store %arg7[%swap3A_291], %mul3A_288 {strides = array<i32>} : memref<1024xf32, #tpu.memory_space<vmem>>, vector<16xf32>,
      %add3A_293 = arith.addf %add3A_226, %add3A_284 : vector<16xf32>
      %mul3A_294 = arith.constant 5.000000e-01 : f32
      %mul3A_295 = vector.broadcast %mul3A_294 : f32 to vector<16xf32>
      %mul3A_296 = arith.mulf %mul3A_295, %add3A_293 : vector<16xf32>
      %add3A_297 = arith.addf %scan3A_173, %mul3A_296 : vector<16xf32>
      scf.yield %add3A_297 : vector<16xf32>
    }
    %scan3A_37 = arith.constant 64 : i32
    %swap3A = arith.constant 0 : i32
    %swap3A_38 = arith.index_cast %swap3A : i32 to index
    %swap3A_39 = arith.constant 0 : index
    %swap3A_40 = tpu.vector_load %arg9[%swap3A_38, %swap3A_39] {strides = array<i32>} : memref<16x16xf32, #tpu.memory_space<vmem>>, vector<16xf32>,
    tpu.vector_store %arg9[%swap3A_38, %swap3A_39], %scan3A_36 {strides = array<i32>} : memref<16x16xf32, #tpu.memory_space<vmem>>, vector<16xf32>,
    %swap3A_41 = arith.constant 1 : i32
    %swap3A_42 = arith.index_cast %swap3A_41 : i32 to index
    %swap3A_43 = arith.constant 0 : index
    %swap3A_44 = tpu.vector_load %arg9[%swap3A_42, %swap3A_43] {strides = array<i32>} : memref<16x16xf32, #tpu.memory_space<vmem>>, vector<16xf32>,
    tpu.vector_store %arg9[%swap3A_42, %swap3A_43], %scan3A_36 {strides = array<i32>} : memref<16x16xf32, #tpu.memory_space<vmem>>, vector<16xf32>,
    %swap3A_45 = arith.constant 2 : i32
    %swap3A_46 = arith.index_cast %swap3A_45 : i32 to index
    %swap3A_47 = arith.constant 0 : index
    %swap3A_48 = tpu.vector_load %arg9[%swap3A_46, %swap3A_47] {strides = array<i32>} : memref<16x16xf32, #tpu.memory_space<vmem>>, vector<16xf32>,
    tpu.vector_store %arg9[%swap3A_46, %swap3A_47], %scan3A_36 {strides = array<i32>} : memref<16x16xf32, #tpu.memory_space<vmem>>, vector<16xf32>,
    %swap3A_49 = arith.constant 3 : i32
    %swap3A_50 = arith.index_cast %swap3A_49 : i32 to index
    %swap3A_51 = arith.constant 0 : index
    %swap3A_52 = tpu.vector_load %arg9[%swap3A_50, %swap3A_51] {strides = array<i32>} : memref<16x16xf32, #tpu.memory_space<vmem>>, vector<16xf32>,
    tpu.vector_store %arg9[%swap3A_50, %swap3A_51], %scan3A_36 {strides = array<i32>} : memref<16x16xf32, #tpu.memory_space<vmem>>, vector<16xf32>,
    %swap3A_53 = arith.constant 4 : i32
    %swap3A_54 = arith.index_cast %swap3A_53 : i32 to index
    %swap3A_55 = arith.constant 0 : index
    %swap3A_56 = tpu.vector_load %arg9[%swap3A_54, %swap3A_55] {strides = array<i32>} : memref<16x16xf32, #tpu.memory_space<vmem>>, vector<16xf32>,
    tpu.vector_store %arg9[%swap3A_54, %swap3A_55], %scan3A_36 {strides = array<i32>} : memref<16x16xf32, #tpu.memory_space<vmem>>, vector<16xf32>,
    %swap3A_57 = arith.constant 5 : i32
    %swap3A_58 = arith.index_cast %swap3A_57 : i32 to index
    %swap3A_59 = arith.constant 0 : index
    %swap3A_60 = tpu.vector_load %arg9[%swap3A_58, %swap3A_59] {strides = array<i32>} : memref<16x16xf32, #tpu.memory_space<vmem>>, vector<16xf32>,
    tpu.vector_store %arg9[%swap3A_58, %swap3A_59], %scan3A_36 {strides = array<i32>} : memref<16x16xf32, #tpu.memory_space<vmem>>, vector<16xf32>,
    %swap3A_61 = arith.constant 6 : i32
    %swap3A_62 = arith.index_cast %swap3A_61 : i32 to index
    %swap3A_63 = arith.constant 0 : index
    %swap3A_64 = tpu.vector_load %arg9[%swap3A_62, %swap3A_63] {strides = array<i32>} : memref<16x16xf32, #tpu.memory_space<vmem>>, vector<16xf32>,
    tpu.vector_store %arg9[%swap3A_62, %swap3A_63], %scan3A_36 {strides = array<i32>} : memref<16x16xf32, #tpu.memory_space<vmem>>, vector<16xf32>,
    %swap3A_65 = arith.constant 7 : i32
    %swap3A_66 = arith.index_cast %swap3A_65 : i32 to index
    %swap3A_67 = arith.constant 0 : index
    %swap3A_68 = tpu.vector_load %arg9[%swap3A_66, %swap3A_67] {strides = array<i32>} : memref<16x16xf32, #tpu.memory_space<vmem>>, vector<16xf32>,
    tpu.vector_store %arg9[%swap3A_66, %swap3A_67], %scan3A_36 {strides = array<i32>} : memref<16x16xf32, #tpu.memory_space<vmem>>, vector<16xf32>,
    %swap3A_69 = arith.constant 8 : i32
    %swap3A_70 = arith.index_cast %swap3A_69 : i32 to index
    %swap3A_71 = arith.constant 0 : index
    %swap3A_72 = tpu.vector_load %arg9[%swap3A_70, %swap3A_71] {strides = array<i32>} : memref<16x16xf32, #tpu.memory_space<vmem>>, vector<16xf32>,
    tpu.vector_store %arg9[%swap3A_70, %swap3A_71], %scan3A_36 {strides = array<i32>} : memref<16x16xf32, #tpu.memory_space<vmem>>, vector<16xf32>,
    %swap3A_73 = arith.constant 9 : i32
    %swap3A_74 = arith.index_cast %swap3A_73 : i32 to index
    %swap3A_75 = arith.constant 0 : index
    %swap3A_76 = tpu.vector_load %arg9[%swap3A_74, %swap3A_75] {strides = array<i32>} : memref<16x16xf32, #tpu.memory_space<vmem>>, vector<16xf32>,
    tpu.vector_store %arg9[%swap3A_74, %swap3A_75], %scan3A_36 {strides = array<i32>} : memref<16x16xf32, #tpu.memory_space<vmem>>, vector<16xf32>,
    %swap3A_77 = arith.constant 10 : i32
    %swap3A_78 = arith.index_cast %swap3A_77 : i32 to index
    %swap3A_79 = arith.constant 0 : index
    %swap3A_80 = tpu.vector_load %arg9[%swap3A_78, %swap3A_79] {strides = array<i32>} : memref<16x16xf32, #tpu.memory_space<vmem>>, vector<16xf32>,
    tpu.vector_store %arg9[%swap3A_78, %swap3A_79], %scan3A_36 {strides = array<i32>} : memref<16x16xf32, #tpu.memory_space<vmem>>, vector<16xf32>,
    %swap3A_81 = arith.constant 11 : i32
    %swap3A_82 = arith.index_cast %swap3A_81 : i32 to index
    %swap3A_83 = arith.constant 0 : index
    %swap3A_84 = tpu.vector_load %arg9[%swap3A_82, %swap3A_83] {strides = array<i32>} : memref<16x16xf32, #tpu.memory_space<vmem>>, vector<16xf32>,
    tpu.vector_store %arg9[%swap3A_82, %swap3A_83], %scan3A_36 {strides = array<i32>} : memref<16x16xf32, #tpu.memory_space<vmem>>, vector<16xf32>,
    %swap3A_85 = arith.constant 12 : i32
    %swap3A_86 = arith.index_cast %swap3A_85 : i32 to index
    %swap3A_87 = arith.constant 0 : index
    %swap3A_88 = tpu.vector_load %arg9[%swap3A_86, %swap3A_87] {strides = array<i32>} : memref<16x16xf32, #tpu.memory_space<vmem>>, vector<16xf32>,
    tpu.vector_store %arg9[%swap3A_86, %swap3A_87], %scan3A_36 {strides = array<i32>} : memref<16x16xf32, #tpu.memory_space<vmem>>, vector<16xf32>,
    %swap3A_89 = arith.constant 13 : i32
    %swap3A_90 = arith.index_cast %swap3A_89 : i32 to index
    %swap3A_91 = arith.constant 0 : index
    %swap3A_92 = tpu.vector_load %arg9[%swap3A_90, %swap3A_91] {strides = array<i32>} : memref<16x16xf32, #tpu.memory_space<vmem>>, vector<16xf32>,
    tpu.vector_store %arg9[%swap3A_90, %swap3A_91], %scan3A_36 {strides = array<i32>} : memref<16x16xf32, #tpu.memory_space<vmem>>, vector<16xf32>,
    %swap3A_93 = arith.constant 14 : i32
    %swap3A_94 = arith.index_cast %swap3A_93 : i32 to index
    %swap3A_95 = arith.constant 0 : index
    %swap3A_96 = tpu.vector_load %arg9[%swap3A_94, %swap3A_95] {strides = array<i32>} : memref<16x16xf32, #tpu.memory_space<vmem>>, vector<16xf32>,
    tpu.vector_store %arg9[%swap3A_94, %swap3A_95], %scan3A_36 {strides = array<i32>} : memref<16x16xf32, #tpu.memory_space<vmem>>, vector<16xf32>,
    %swap3A_97 = arith.constant 15 : i32
    %swap3A_98 = arith.index_cast %swap3A_97 : i32 to index
    %swap3A_99 = arith.constant 0 : index
    %swap3A_100 = tpu.vector_load %arg9[%swap3A_98, %swap3A_99] {strides = array<i32>} : memref<16x16xf32, #tpu.memory_space<vmem>>, vector<16xf32>,
    tpu.vector_store %arg9[%swap3A_98, %swap3A_99], %scan3A_36 {strides = array<i32>} : memref<16x16xf32, #tpu.memory_space<vmem>>, vector<16xf32>,
    %broadcast_in_dim3A_101 = arith.constant 0.000000e+00 : f32
    %broadcast_in_dim3A_102 = vector.broadcast %broadcast_in_dim3A_101 : f32 to vector<16xf32>
    %broadcast_in_dim3A_103 = arith.constant 0 : i32
    %broadcast_in_dim3A_104 = vector.broadcast %broadcast_in_dim3A_103 : i32 to vector<16xi32>
    %gather3A = tpu.vector_load_idx %arg9[%iota3A, %broadcast_in_dim3A_104] : memref<16x16xf32, #tpu.memory_space<vmem>>[vector<16xi32>, vector<16xi32>], vector<16xf32>,
    %add3A_105 = arith.addf %broadcast_in_dim3A_102, %gather3A : vector<16xf32>
    %broadcast_in_dim3A_106 = arith.constant 1 : i32
    %broadcast_in_dim3A_107 = vector.broadcast %broadcast_in_dim3A_106 : i32 to vector<16xi32>
    %gather3A_108 = tpu.vector_load_idx %arg9[%iota3A, %broadcast_in_dim3A_107] : memref<16x16xf32, #tpu.memory_space<vmem>>[vector<16xi32>, vector<16xi32>], vector<16xf32>,
    %add3A_109 = arith.addf %add3A_105, %gather3A_108 : vector<16xf32>
    %broadcast_in_dim3A_110 = arith.constant 2 : i32
    %broadcast_in_dim3A_111 = vector.broadcast %broadcast_in_dim3A_110 : i32 to vector<16xi32>
    %gather3A_112 = tpu.vector_load_idx %arg9[%iota3A, %broadcast_in_dim3A_111] : memref<16x16xf32, #tpu.memory_space<vmem>>[vector<16xi32>, vector<16xi32>], vector<16xf32>,
    %add3A_113 = arith.addf %add3A_109, %gather3A_112 : vector<16xf32>
    %broadcast_in_dim3A_114 = arith.constant 3 : i32
    %broadcast_in_dim3A_115 = vector.broadcast %broadcast_in_dim3A_114 : i32 to vector<16xi32>
    %gather3A_116 = tpu.vector_load_idx %arg9[%iota3A, %broadcast_in_dim3A_115] : memref<16x16xf32, #tpu.memory_space<vmem>>[vector<16xi32>, vector<16xi32>], vector<16xf32>,
    %add3A_117 = arith.addf %add3A_113, %gather3A_116 : vector<16xf32>
    %broadcast_in_dim3A_118 = arith.constant 4 : i32
    %broadcast_in_dim3A_119 = vector.broadcast %broadcast_in_dim3A_118 : i32 to vector<16xi32>
    %gather3A_120 = tpu.vector_load_idx %arg9[%iota3A, %broadcast_in_dim3A_119] : memref<16x16xf32, #tpu.memory_space<vmem>>[vector<16xi32>, vector<16xi32>], vector<16xf32>,
    %add3A_121 = arith.addf %add3A_117, %gather3A_120 : vector<16xf32>
    %broadcast_in_dim3A_122 = arith.constant 5 : i32
    %broadcast_in_dim3A_123 = vector.broadcast %broadcast_in_dim3A_122 : i32 to vector<16xi32>
    %gather3A_124 = tpu.vector_load_idx %arg9[%iota3A, %broadcast_in_dim3A_123] : memref<16x16xf32, #tpu.memory_space<vmem>>[vector<16xi32>, vector<16xi32>], vector<16xf32>,
    %add3A_125 = arith.addf %add3A_121, %gather3A_124 : vector<16xf32>
    %broadcast_in_dim3A_126 = arith.constant 6 : i32
    %broadcast_in_dim3A_127 = vector.broadcast %broadcast_in_dim3A_126 : i32 to vector<16xi32>
    %gather3A_128 = tpu.vector_load_idx %arg9[%iota3A, %broadcast_in_dim3A_127] : memref<16x16xf32, #tpu.memory_space<vmem>>[vector<16xi32>, vector<16xi32>], vector<16xf32>,
    %add3A_129 = arith.addf %add3A_125, %gather3A_128 : vector<16xf32>
    %broadcast_in_dim3A_130 = arith.constant 7 : i32
    %broadcast_in_dim3A_131 = vector.broadcast %broadcast_in_dim3A_130 : i32 to vector<16xi32>
    %gather3A_132 = tpu.vector_load_idx %arg9[%iota3A, %broadcast_in_dim3A_131] : memref<16x16xf32, #tpu.memory_space<vmem>>[vector<16xi32>, vector<16xi32>], vector<16xf32>,
    %add3A_133 = arith.addf %add3A_129, %gather3A_132 : vector<16xf32>
    %broadcast_in_dim3A_134 = arith.constant 8 : i32
    %broadcast_in_dim3A_135 = vector.broadcast %broadcast_in_dim3A_134 : i32 to vector<16xi32>
    %gather3A_136 = tpu.vector_load_idx %arg9[%iota3A, %broadcast_in_dim3A_135] : memref<16x16xf32, #tpu.memory_space<vmem>>[vector<16xi32>, vector<16xi32>], vector<16xf32>,
    %add3A_137 = arith.addf %add3A_133, %gather3A_136 : vector<16xf32>
    %broadcast_in_dim3A_138 = arith.constant 9 : i32
    %broadcast_in_dim3A_139 = vector.broadcast %broadcast_in_dim3A_138 : i32 to vector<16xi32>
    %gather3A_140 = tpu.vector_load_idx %arg9[%iota3A, %broadcast_in_dim3A_139] : memref<16x16xf32, #tpu.memory_space<vmem>>[vector<16xi32>, vector<16xi32>], vector<16xf32>,
    %add3A_141 = arith.addf %add3A_137, %gather3A_140 : vector<16xf32>
    %broadcast_in_dim3A_142 = arith.constant 10 : i32
    %broadcast_in_dim3A_143 = vector.broadcast %broadcast_in_dim3A_142 : i32 to vector<16xi32>
    %gather3A_144 = tpu.vector_load_idx %arg9[%iota3A, %broadcast_in_dim3A_143] : memref<16x16xf32, #tpu.memory_space<vmem>>[vector<16xi32>, vector<16xi32>], vector<16xf32>,
    %add3A_145 = arith.addf %add3A_141, %gather3A_144 : vector<16xf32>
    %broadcast_in_dim3A_146 = arith.constant 11 : i32
    %broadcast_in_dim3A_147 = vector.broadcast %broadcast_in_dim3A_146 : i32 to vector<16xi32>
    %gather3A_148 = tpu.vector_load_idx %arg9[%iota3A, %broadcast_in_dim3A_147] : memref<16x16xf32, #tpu.memory_space<vmem>>[vector<16xi32>, vector<16xi32>], vector<16xf32>,
    %add3A_149 = arith.addf %add3A_145, %gather3A_148 : vector<16xf32>
    %broadcast_in_dim3A_150 = arith.constant 12 : i32
    %broadcast_in_dim3A_151 = vector.broadcast %broadcast_in_dim3A_150 : i32 to vector<16xi32>
    %gather3A_152 = tpu.vector_load_idx %arg9[%iota3A, %broadcast_in_dim3A_151] : memref<16x16xf32, #tpu.memory_space<vmem>>[vector<16xi32>, vector<16xi32>], vector<16xf32>,
    %add3A_153 = arith.addf %add3A_149, %gather3A_152 : vector<16xf32>
    %broadcast_in_dim3A_154 = arith.constant 13 : i32
    %broadcast_in_dim3A_155 = vector.broadcast %broadcast_in_dim3A_154 : i32 to vector<16xi32>
    %gather3A_156 = tpu.vector_load_idx %arg9[%iota3A, %broadcast_in_dim3A_155] : memref<16x16xf32, #tpu.memory_space<vmem>>[vector<16xi32>, vector<16xi32>], vector<16xf32>,
    %add3A_157 = arith.addf %add3A_153, %gather3A_156 : vector<16xf32>
    %broadcast_in_dim3A_158 = arith.constant 14 : i32
    %broadcast_in_dim3A_159 = vector.broadcast %broadcast_in_dim3A_158 : i32 to vector<16xi32>
    %gather3A_160 = tpu.vector_load_idx %arg9[%iota3A, %broadcast_in_dim3A_159] : memref<16x16xf32, #tpu.memory_space<vmem>>[vector<16xi32>, vector<16xi32>], vector<16xf32>,
    %add3A_161 = arith.addf %add3A_157, %gather3A_160 : vector<16xf32>
    %broadcast_in_dim3A_162 = arith.constant 15 : i32
    %broadcast_in_dim3A_163 = vector.broadcast %broadcast_in_dim3A_162 : i32 to vector<16xi32>
    %gather3A_164 = tpu.vector_load_idx %arg9[%iota3A, %broadcast_in_dim3A_163] : memref<16x16xf32, #tpu.memory_space<vmem>>[vector<16xi32>, vector<16xi32>], vector<16xf32>,
    %add3A_165 = arith.addf %add3A_161, %gather3A_164 : vector<16xf32>
    %scan3A_166 = arith.constant 0 : i32
    %scan3A_167 = arith.constant 0 : i32
    %scan3A_168 = arith.constant 16 : i32
    %scan3A_169 = arith.addi %scan3A_167, %scan3A_168 : i32
    %scan3A_170 = arith.constant 1 : i32
    scf.for %scan3A_172 = %scan3A_167 to %scan3A_169 step %scan3A_170  : i32 {
      %mul3A_173 = arith.constant 2 : i32
      %mul3A_174 = arith.muli %mul3A_173, %scan3A_172 : i32
      %dma_wait3A = arith.constant 0 : i32
      %dma_wait3A_175 = arith.constant 0 : i32
      %dma_wait3A_176 = arith.constant 0 : i32
      %dma_wait3A_177 = tpu.memref_slice %arg5[%dma_wait3A, %dma_wait3A_175, %dma_wait3A_176] : memref<2x16x1024xi32, #tpu.memory_space<vmem>> -> memref<1x16x1024xi32, #tpu.memory_space<vmem>>
      %dma_wait3A_178 = tpu.memref_squeeze %dma_wait3A_177 : memref<1x16x1024xi32, #tpu.memory_space<vmem>> -> memref<16x1024xi32, #tpu.memory_space<vmem>>
      %dma_wait3A_179 = arith.constant 0 : i32
      %dma_wait3A_180 = tpu.memref_slice %arg2[%mul3A_2, %dma_wait3A_179] : memref<16384x1024xi32, #tpu.memory_space<hbm>> -> memref<16x1024xi32, #tpu.memory_space<hbm>>
      %dma_wait3A_181 = arith.constant 0 : i32
      %dma_wait3A_182 = arith.constant 0 : i32
      %dma_wait3A_183 = tpu.memref_slice %arg5[%dma_wait3A, %dma_wait3A_181, %dma_wait3A_182] : memref<2x16x1024xi32, #tpu.memory_space<vmem>> -> memref<1x16x1024xi32, #tpu.memory_space<vmem>>
      %dma_wait3A_184 = tpu.memref_squeeze %dma_wait3A_183 : memref<1x16x1024xi32, #tpu.memory_space<vmem>> -> memref<16x1024xi32, #tpu.memory_space<vmem>>
      %dma_wait3A_185 = arith.constant 0 : i32
      %dma_wait3A_186 = tpu.memref_slice %arg2[%mul3A_2, %dma_wait3A_185] : memref<16384x1024xi32, #tpu.memory_space<hbm>> -> memref<16x1024xi32, #tpu.memory_space<hbm>>
      tpu.wait_dma2 semaphore(%arg10 : memref<!tpu.dma_semaphore, #tpu.memory_space<semaphore_mem>>) src(%dma_wait3A_186 : memref<16x1024xi32, #tpu.memory_space<hbm>>) dst(%dma_wait3A_184 : memref<16x1024xi32, #tpu.memory_space<vmem>>)
      %broadcast_in_dim3A_187 = arith.constant 0.000000e+00 : f32
      %broadcast_in_dim3A_188 = vector.broadcast %broadcast_in_dim3A_187 : f32 to vector<16xf32>
      %broadcast_in_dim3A_189 = arith.constant 0.000000e+00 : f32
      %broadcast_in_dim3A_190 = vector.broadcast %broadcast_in_dim3A_189 : f32 to vector<16xf32>
      %broadcast_in_dim3A_191 = arith.constant 0.000000e+00 : f32
      %broadcast_in_dim3A_192 = vector.broadcast %broadcast_in_dim3A_191 : f32 to vector<16xf32>
      %broadcast_in_dim3A_193 = arith.constant 0.000000e+00 : f32
      %broadcast_in_dim3A_194 = vector.broadcast %broadcast_in_dim3A_193 : f32 to vector<16xf32>
      %broadcast_in_dim3A_195 = arith.constant 0.000000e+00 : f32
      %broadcast_in_dim3A_196 = vector.broadcast %broadcast_in_dim3A_195 : f32 to vector<16xf32>
      %broadcast_in_dim3A_197 = arith.constant 0.000000e+00 : f32
      %broadcast_in_dim3A_198 = vector.broadcast %broadcast_in_dim3A_197 : f32 to vector<16xf32>
      %broadcast_in_dim3A_199 = arith.constant 0.000000e+00 : f32
      %broadcast_in_dim3A_200 = vector.broadcast %broadcast_in_dim3A_199 : f32 to vector<16xf32>
      %broadcast_in_dim3A_201 = arith.constant 0.000000e+00 : f32
      %broadcast_in_dim3A_202 = vector.broadcast %broadcast_in_dim3A_201 : f32 to vector<16xf32>
      %broadcast_in_dim3A_203 = arith.constant 0.000000e+00 : f32
      %broadcast_in_dim3A_204 = vector.broadcast %broadcast_in_dim3A_203 : f32 to vector<16xf32>
      %broadcast_in_dim3A_205 = arith.constant 0.000000e+00 : f32
      %broadcast_in_dim3A_206 = vector.broadcast %broadcast_in_dim3A_205 : f32 to vector<16xf32>
      %broadcast_in_dim3A_207 = arith.constant 0.000000e+00 : f32
      %broadcast_in_dim3A_208 = vector.broadcast %broadcast_in_dim3A_207 : f32 to vector<16xf32>
      %broadcast_in_dim3A_209 = arith.constant 0.000000e+00 : f32
      %broadcast_in_dim3A_210 = vector.broadcast %broadcast_in_dim3A_209 : f32 to vector<16xf32>
      %broadcast_in_dim3A_211 = arith.constant 0.000000e+00 : f32
      %broadcast_in_dim3A_212 = vector.broadcast %broadcast_in_dim3A_211 : f32 to vector<16xf32>
      %broadcast_in_dim3A_213 = arith.constant 0.000000e+00 : f32
      %broadcast_in_dim3A_214 = vector.broadcast %broadcast_in_dim3A_213 : f32 to vector<16xf32>
      %broadcast_in_dim3A_215 = arith.constant 0.000000e+00 : f32
      %broadcast_in_dim3A_216 = vector.broadcast %broadcast_in_dim3A_215 : f32 to vector<16xf32>
      %broadcast_in_dim3A_217 = arith.constant 0.000000e+00 : f32
      %broadcast_in_dim3A_218 = vector.broadcast %broadcast_in_dim3A_217 : f32 to vector<16xf32>
      %parallel_loop3A = arith.constant 0 : i32
      %parallel_loop3A_219 = arith.constant 64 : i32
      %parallel_loop3A_220 = arith.constant 1 : i32
      %parallel_loop3A_221:16 = scf.for %parallel_loop3A_550 = %parallel_loop3A to %parallel_loop3A_219 step %parallel_loop3A_220 iter_args(%parallel_loop3A_551 = %broadcast_in_dim3A_188, %parallel_loop3A_552 = %broadcast_in_dim3A_190, %parallel_loop3A_553 = %broadcast_in_dim3A_192, %parallel_loop3A_554 = %broadcast_in_dim3A_194, %parallel_loop3A_555 = %broadcast_in_dim3A_196, %parallel_loop3A_556 = %broadcast_in_dim3A_198, %parallel_loop3A_557 = %broadcast_in_dim3A_200, %parallel_loop3A_558 = %broadcast_in_dim3A_202, %parallel_loop3A_559 = %broadcast_in_dim3A_204, %parallel_loop3A_560 = %broadcast_in_dim3A_206, %parallel_loop3A_561 = %broadcast_in_dim3A_208, %parallel_loop3A_562 = %broadcast_in_dim3A_210, %parallel_loop3A_563 = %broadcast_in_dim3A_212, %parallel_loop3A_564 = %broadcast_in_dim3A_214, %parallel_loop3A_565 = %broadcast_in_dim3A_216, %parallel_loop3A_566 = %broadcast_in_dim3A_218) -> (vector<16xf32>, vector<16xf32>, vector<16xf32>, vector<16xf32>, vector<16xf32>, vector<16xf32>, vector<16xf32>, vector<16xf32>, vector<16xf32>, vector<16xf32>, vector<16xf32>, vector<16xf32>, vector<16xf32>, vector<16xf32>, vector<16xf32>, vector<16xf32>)  : i32 {
        %parallel_loop3A_567 = arith.constant 16 : i32
        %parallel_loop3A_568 = arith.muli %parallel_loop3A_550, %parallel_loop3A_567 : i32
        %parallel_loop3A_569 = arith.index_cast %parallel_loop3A_568 : i32 to index
        %parallel_loop3A_570 = tpu.vector_load %arg7[%parallel_loop3A_569] {strides = array<i32>} : memref<1024xf32, #tpu.memory_space<vmem>>, vector<16xf32>,
        %parallel_loop3A_571 = arith.constant 16 : i32
        %parallel_loop3A_572 = arith.muli %parallel_loop3A_550, %parallel_loop3A_571 : i32
        %parallel_loop3A_573 = arith.constant 0 : i32
        %parallel_loop3A_574 = arith.constant 0 : i32
        %parallel_loop3A_575 = arith.index_cast %parallel_loop3A_573 : i32 to index
        %parallel_loop3A_576 = arith.index_cast %parallel_loop3A_574 : i32 to index
        %parallel_loop3A_577 = arith.index_cast %parallel_loop3A_572 : i32 to index
        %parallel_loop3A_578 = tpu.vector_load %arg5[%parallel_loop3A_575, %parallel_loop3A_576, %parallel_loop3A_577] {strides = array<i32>} : memref<2x16x1024xi32, #tpu.memory_space<vmem>>, vector<16xi32>,
        %parallel_loop3A_579 = arith.sitofp %parallel_loop3A_578 : vector<16xi32> to vector<16xf32>
        %parallel_loop3A_580 = arith.mulf %parallel_loop3A_570, %parallel_loop3A_579 : vector<16xf32>
        %parallel_loop3A_581 = arith.addf %parallel_loop3A_551, %parallel_loop3A_580 : vector<16xf32>
        %parallel_loop3A_582 = arith.constant 16 : i32
        %parallel_loop3A_583 = arith.muli %parallel_loop3A_550, %parallel_loop3A_582 : i32
        %parallel_loop3A_584 = arith.constant 0 : i32
        %parallel_loop3A_585 = arith.constant 1 : i32
        %parallel_loop3A_586 = arith.index_cast %parallel_loop3A_584 : i32 to index
        %parallel_loop3A_587 = arith.index_cast %parallel_loop3A_585 : i32 to index
        %parallel_loop3A_588 = arith.index_cast %parallel_loop3A_583 : i32 to index
        %parallel_loop3A_589 = tpu.vector_load %arg5[%parallel_loop3A_586, %parallel_loop3A_587, %parallel_loop3A_588] {strides = array<i32>} : memref<2x16x1024xi32, #tpu.memory_space<vmem>>, vector<16xi32>,
        %parallel_loop3A_590 = arith.sitofp %parallel_loop3A_589 : vector<16xi32> to vector<16xf32>
        %parallel_loop3A_591 = arith.mulf %parallel_loop3A_570, %parallel_loop3A_590 : vector<16xf32>
        %parallel_loop3A_592 = arith.addf %parallel_loop3A_552, %parallel_loop3A_591 : vector<16xf32>
        %parallel_loop3A_593 = arith.constant 16 : i32
        %parallel_loop3A_594 = arith.muli %parallel_loop3A_550, %parallel_loop3A_593 : i32
        %parallel_loop3A_595 = arith.constant 0 : i32
        %parallel_loop3A_596 = arith.constant 2 : i32
        %parallel_loop3A_597 = arith.index_cast %parallel_loop3A_595 : i32 to index
        %parallel_loop3A_598 = arith.index_cast %parallel_loop3A_596 : i32 to index
        %parallel_loop3A_599 = arith.index_cast %parallel_loop3A_594 : i32 to index
        %parallel_loop3A_600 = tpu.vector_load %arg5[%parallel_loop3A_597, %parallel_loop3A_598, %parallel_loop3A_599] {strides = array<i32>} : memref<2x16x1024xi32, #tpu.memory_space<vmem>>, vector<16xi32>,
        %parallel_loop3A_601 = arith.sitofp %parallel_loop3A_600 : vector<16xi32> to vector<16xf32>
        %parallel_loop3A_602 = arith.mulf %parallel_loop3A_570, %parallel_loop3A_601 : vector<16xf32>
        %parallel_loop3A_603 = arith.addf %parallel_loop3A_553, %parallel_loop3A_602 : vector<16xf32>
        %parallel_loop3A_604 = arith.constant 16 : i32
        %parallel_loop3A_605 = arith.muli %parallel_loop3A_550, %parallel_loop3A_604 : i32
        %parallel_loop3A_606 = arith.constant 0 : i32
        %parallel_loop3A_607 = arith.constant 3 : i32
        %parallel_loop3A_608 = arith.index_cast %parallel_loop3A_606 : i32 to index
        %parallel_loop3A_609 = arith.index_cast %parallel_loop3A_607 : i32 to index
        %parallel_loop3A_610 = arith.index_cast %parallel_loop3A_605 : i32 to index
        %parallel_loop3A_611 = tpu.vector_load %arg5[%parallel_loop3A_608, %parallel_loop3A_609, %parallel_loop3A_610] {strides = array<i32>} : memref<2x16x1024xi32, #tpu.memory_space<vmem>>, vector<16xi32>,
        %parallel_loop3A_612 = arith.sitofp %parallel_loop3A_611 : vector<16xi32> to vector<16xf32>
        %parallel_loop3A_613 = arith.mulf %parallel_loop3A_570, %parallel_loop3A_612 : vector<16xf32>
        %parallel_loop3A_614 = arith.addf %parallel_loop3A_554, %parallel_loop3A_613 : vector<16xf32>
        %parallel_loop3A_615 = arith.constant 16 : i32
        %parallel_loop3A_616 = arith.muli %parallel_loop3A_550, %parallel_loop3A_615 : i32
        %parallel_loop3A_617 = arith.constant 0 : i32
        %parallel_loop3A_618 = arith.constant 4 : i32
        %parallel_loop3A_619 = arith.index_cast %parallel_loop3A_617 : i32 to index
        %parallel_loop3A_620 = arith.index_cast %parallel_loop3A_618 : i32 to index
        %parallel_loop3A_621 = arith.index_cast %parallel_loop3A_616 : i32 to index
        %parallel_loop3A_622 = tpu.vector_load %arg5[%parallel_loop3A_619, %parallel_loop3A_620, %parallel_loop3A_621] {strides = array<i32>} : memref<2x16x1024xi32, #tpu.memory_space<vmem>>, vector<16xi32>,
        %parallel_loop3A_623 = arith.sitofp %parallel_loop3A_622 : vector<16xi32> to vector<16xf32>
        %parallel_loop3A_624 = arith.mulf %parallel_loop3A_570, %parallel_loop3A_623 : vector<16xf32>
        %parallel_loop3A_625 = arith.addf %parallel_loop3A_555, %parallel_loop3A_624 : vector<16xf32>
        %parallel_loop3A_626 = arith.constant 16 : i32
        %parallel_loop3A_627 = arith.muli %parallel_loop3A_550, %parallel_loop3A_626 : i32
        %parallel_loop3A_628 = arith.constant 0 : i32
        %parallel_loop3A_629 = arith.constant 5 : i32
        %parallel_loop3A_630 = arith.index_cast %parallel_loop3A_628 : i32 to index
        %parallel_loop3A_631 = arith.index_cast %parallel_loop3A_629 : i32 to index
        %parallel_loop3A_632 = arith.index_cast %parallel_loop3A_627 : i32 to index
        %parallel_loop3A_633 = tpu.vector_load %arg5[%parallel_loop3A_630, %parallel_loop3A_631, %parallel_loop3A_632] {strides = array<i32>} : memref<2x16x1024xi32, #tpu.memory_space<vmem>>, vector<16xi32>,
        %parallel_loop3A_634 = arith.sitofp %parallel_loop3A_633 : vector<16xi32> to vector<16xf32>
        %parallel_loop3A_635 = arith.mulf %parallel_loop3A_570, %parallel_loop3A_634 : vector<16xf32>
        %parallel_loop3A_636 = arith.addf %parallel_loop3A_556, %parallel_loop3A_635 : vector<16xf32>
        %parallel_loop3A_637 = arith.constant 16 : i32
        %parallel_loop3A_638 = arith.muli %parallel_loop3A_550, %parallel_loop3A_637 : i32
        %parallel_loop3A_639 = arith.constant 0 : i32
        %parallel_loop3A_640 = arith.constant 6 : i32
        %parallel_loop3A_641 = arith.index_cast %parallel_loop3A_639 : i32 to index
        %parallel_loop3A_642 = arith.index_cast %parallel_loop3A_640 : i32 to index
        %parallel_loop3A_643 = arith.index_cast %parallel_loop3A_638 : i32 to index
        %parallel_loop3A_644 = tpu.vector_load %arg5[%parallel_loop3A_641, %parallel_loop3A_642, %parallel_loop3A_643] {strides = array<i32>} : memref<2x16x1024xi32, #tpu.memory_space<vmem>>, vector<16xi32>,
        %parallel_loop3A_645 = arith.sitofp %parallel_loop3A_644 : vector<16xi32> to vector<16xf32>
        %parallel_loop3A_646 = arith.mulf %parallel_loop3A_570, %parallel_loop3A_645 : vector<16xf32>
        %parallel_loop3A_647 = arith.addf %parallel_loop3A_557, %parallel_loop3A_646 : vector<16xf32>
        %parallel_loop3A_648 = arith.constant 16 : i32
        %parallel_loop3A_649 = arith.muli %parallel_loop3A_550, %parallel_loop3A_648 : i32
        %parallel_loop3A_650 = arith.constant 0 : i32
        %parallel_loop3A_651 = arith.constant 7 : i32
        %parallel_loop3A_652 = arith.index_cast %parallel_loop3A_650 : i32 to index
        %parallel_loop3A_653 = arith.index_cast %parallel_loop3A_651 : i32 to index
        %parallel_loop3A_654 = arith.index_cast %parallel_loop3A_649 : i32 to index
        %parallel_loop3A_655 = tpu.vector_load %arg5[%parallel_loop3A_652, %parallel_loop3A_653, %parallel_loop3A_654] {strides = array<i32>} : memref<2x16x1024xi32, #tpu.memory_space<vmem>>, vector<16xi32>,
        %parallel_loop3A_656 = arith.sitofp %parallel_loop3A_655 : vector<16xi32> to vector<16xf32>
        %parallel_loop3A_657 = arith.mulf %parallel_loop3A_570, %parallel_loop3A_656 : vector<16xf32>
        %parallel_loop3A_658 = arith.addf %parallel_loop3A_558, %parallel_loop3A_657 : vector<16xf32>
        %parallel_loop3A_659 = arith.constant 16 : i32
        %parallel_loop3A_660 = arith.muli %parallel_loop3A_550, %parallel_loop3A_659 : i32
        %parallel_loop3A_661 = arith.constant 0 : i32
        %parallel_loop3A_662 = arith.constant 8 : i32
        %parallel_loop3A_663 = arith.index_cast %parallel_loop3A_661 : i32 to index
        %parallel_loop3A_664 = arith.index_cast %parallel_loop3A_662 : i32 to index
        %parallel_loop3A_665 = arith.index_cast %parallel_loop3A_660 : i32 to index
        %parallel_loop3A_666 = tpu.vector_load %arg5[%parallel_loop3A_663, %parallel_loop3A_664, %parallel_loop3A_665] {strides = array<i32>} : memref<2x16x1024xi32, #tpu.memory_space<vmem>>, vector<16xi32>,
        %parallel_loop3A_667 = arith.sitofp %parallel_loop3A_666 : vector<16xi32> to vector<16xf32>
        %parallel_loop3A_668 = arith.mulf %parallel_loop3A_570, %parallel_loop3A_667 : vector<16xf32>
        %parallel_loop3A_669 = arith.addf %parallel_loop3A_559, %parallel_loop3A_668 : vector<16xf32>
        %parallel_loop3A_670 = arith.constant 16 : i32
        %parallel_loop3A_671 = arith.muli %parallel_loop3A_550, %parallel_loop3A_670 : i32
        %parallel_loop3A_672 = arith.constant 0 : i32
        %parallel_loop3A_673 = arith.constant 9 : i32
        %parallel_loop3A_674 = arith.index_cast %parallel_loop3A_672 : i32 to index
        %parallel_loop3A_675 = arith.index_cast %parallel_loop3A_673 : i32 to index
        %parallel_loop3A_676 = arith.index_cast %parallel_loop3A_671 : i32 to index
        %parallel_loop3A_677 = tpu.vector_load %arg5[%parallel_loop3A_674, %parallel_loop3A_675, %parallel_loop3A_676] {strides = array<i32>} : memref<2x16x1024xi32, #tpu.memory_space<vmem>>, vector<16xi32>,
        %parallel_loop3A_678 = arith.sitofp %parallel_loop3A_677 : vector<16xi32> to vector<16xf32>
        %parallel_loop3A_679 = arith.mulf %parallel_loop3A_570, %parallel_loop3A_678 : vector<16xf32>
        %parallel_loop3A_680 = arith.addf %parallel_loop3A_560, %parallel_loop3A_679 : vector<16xf32>
        %parallel_loop3A_681 = arith.constant 16 : i32
        %parallel_loop3A_682 = arith.muli %parallel_loop3A_550, %parallel_loop3A_681 : i32
        %parallel_loop3A_683 = arith.constant 0 : i32
        %parallel_loop3A_684 = arith.constant 10 : i32
        %parallel_loop3A_685 = arith.index_cast %parallel_loop3A_683 : i32 to index
        %parallel_loop3A_686 = arith.index_cast %parallel_loop3A_684 : i32 to index
        %parallel_loop3A_687 = arith.index_cast %parallel_loop3A_682 : i32 to index
        %parallel_loop3A_688 = tpu.vector_load %arg5[%parallel_loop3A_685, %parallel_loop3A_686, %parallel_loop3A_687] {strides = array<i32>} : memref<2x16x1024xi32, #tpu.memory_space<vmem>>, vector<16xi32>,
        %parallel_loop3A_689 = arith.sitofp %parallel_loop3A_688 : vector<16xi32> to vector<16xf32>
        %parallel_loop3A_690 = arith.mulf %parallel_loop3A_570, %parallel_loop3A_689 : vector<16xf32>
        %parallel_loop3A_691 = arith.addf %parallel_loop3A_561, %parallel_loop3A_690 : vector<16xf32>
        %parallel_loop3A_692 = arith.constant 16 : i32
        %parallel_loop3A_693 = arith.muli %parallel_loop3A_550, %parallel_loop3A_692 : i32
        %parallel_loop3A_694 = arith.constant 0 : i32
        %parallel_loop3A_695 = arith.constant 11 : i32
        %parallel_loop3A_696 = arith.index_cast %parallel_loop3A_694 : i32 to index
        %parallel_loop3A_697 = arith.index_cast %parallel_loop3A_695 : i32 to index
        %parallel_loop3A_698 = arith.index_cast %parallel_loop3A_693 : i32 to index
        %parallel_loop3A_699 = tpu.vector_load %arg5[%parallel_loop3A_696, %parallel_loop3A_697, %parallel_loop3A_698] {strides = array<i32>} : memref<2x16x1024xi32, #tpu.memory_space<vmem>>, vector<16xi32>,
        %parallel_loop3A_700 = arith.sitofp %parallel_loop3A_699 : vector<16xi32> to vector<16xf32>
        %parallel_loop3A_701 = arith.mulf %parallel_loop3A_570, %parallel_loop3A_700 : vector<16xf32>
        %parallel_loop3A_702 = arith.addf %parallel_loop3A_562, %parallel_loop3A_701 : vector<16xf32>
        %parallel_loop3A_703 = arith.constant 16 : i32
        %parallel_loop3A_704 = arith.muli %parallel_loop3A_550, %parallel_loop3A_703 : i32
        %parallel_loop3A_705 = arith.constant 0 : i32
        %parallel_loop3A_706 = arith.constant 12 : i32
        %parallel_loop3A_707 = arith.index_cast %parallel_loop3A_705 : i32 to index
        %parallel_loop3A_708 = arith.index_cast %parallel_loop3A_706 : i32 to index
        %parallel_loop3A_709 = arith.index_cast %parallel_loop3A_704 : i32 to index
        %parallel_loop3A_710 = tpu.vector_load %arg5[%parallel_loop3A_707, %parallel_loop3A_708, %parallel_loop3A_709] {strides = array<i32>} : memref<2x16x1024xi32, #tpu.memory_space<vmem>>, vector<16xi32>,
        %parallel_loop3A_711 = arith.sitofp %parallel_loop3A_710 : vector<16xi32> to vector<16xf32>
        %parallel_loop3A_712 = arith.mulf %parallel_loop3A_570, %parallel_loop3A_711 : vector<16xf32>
        %parallel_loop3A_713 = arith.addf %parallel_loop3A_563, %parallel_loop3A_712 : vector<16xf32>
        %parallel_loop3A_714 = arith.constant 16 : i32
        %parallel_loop3A_715 = arith.muli %parallel_loop3A_550, %parallel_loop3A_714 : i32
        %parallel_loop3A_716 = arith.constant 0 : i32
        %parallel_loop3A_717 = arith.constant 13 : i32
        %parallel_loop3A_718 = arith.index_cast %parallel_loop3A_716 : i32 to index
        %parallel_loop3A_719 = arith.index_cast %parallel_loop3A_717 : i32 to index
        %parallel_loop3A_720 = arith.index_cast %parallel_loop3A_715 : i32 to index
        %parallel_loop3A_721 = tpu.vector_load %arg5[%parallel_loop3A_718, %parallel_loop3A_719, %parallel_loop3A_720] {strides = array<i32>} : memref<2x16x1024xi32, #tpu.memory_space<vmem>>, vector<16xi32>,
        %parallel_loop3A_722 = arith.sitofp %parallel_loop3A_721 : vector<16xi32> to vector<16xf32>
        %parallel_loop3A_723 = arith.mulf %parallel_loop3A_570, %parallel_loop3A_722 : vector<16xf32>
        %parallel_loop3A_724 = arith.addf %parallel_loop3A_564, %parallel_loop3A_723 : vector<16xf32>
        %parallel_loop3A_725 = arith.constant 16 : i32
        %parallel_loop3A_726 = arith.muli %parallel_loop3A_550, %parallel_loop3A_725 : i32
        %parallel_loop3A_727 = arith.constant 0 : i32
        %parallel_loop3A_728 = arith.constant 14 : i32
        %parallel_loop3A_729 = arith.index_cast %parallel_loop3A_727 : i32 to index
        %parallel_loop3A_730 = arith.index_cast %parallel_loop3A_728 : i32 to index
        %parallel_loop3A_731 = arith.index_cast %parallel_loop3A_726 : i32 to index
        %parallel_loop3A_732 = tpu.vector_load %arg5[%parallel_loop3A_729, %parallel_loop3A_730, %parallel_loop3A_731] {strides = array<i32>} : memref<2x16x1024xi32, #tpu.memory_space<vmem>>, vector<16xi32>,
        %parallel_loop3A_733 = arith.sitofp %parallel_loop3A_732 : vector<16xi32> to vector<16xf32>
        %parallel_loop3A_734 = arith.mulf %parallel_loop3A_570, %parallel_loop3A_733 : vector<16xf32>
        %parallel_loop3A_735 = arith.addf %parallel_loop3A_565, %parallel_loop3A_734 : vector<16xf32>
        %parallel_loop3A_736 = arith.constant 16 : i32
        %parallel_loop3A_737 = arith.muli %parallel_loop3A_550, %parallel_loop3A_736 : i32
        %parallel_loop3A_738 = arith.constant 0 : i32
        %parallel_loop3A_739 = arith.constant 15 : i32
        %parallel_loop3A_740 = arith.index_cast %parallel_loop3A_738 : i32 to index
        %parallel_loop3A_741 = arith.index_cast %parallel_loop3A_739 : i32 to index
        %parallel_loop3A_742 = arith.index_cast %parallel_loop3A_737 : i32 to index
        %parallel_loop3A_743 = tpu.vector_load %arg5[%parallel_loop3A_740, %parallel_loop3A_741, %parallel_loop3A_742] {strides = array<i32>} : memref<2x16x1024xi32, #tpu.memory_space<vmem>>, vector<16xi32>,
        %parallel_loop3A_744 = arith.sitofp %parallel_loop3A_743 : vector<16xi32> to vector<16xf32>
        %parallel_loop3A_745 = arith.mulf %parallel_loop3A_570, %parallel_loop3A_744 : vector<16xf32>
        %parallel_loop3A_746 = arith.addf %parallel_loop3A_566, %parallel_loop3A_745 : vector<16xf32>
        scf.yield %parallel_loop3A_581, %parallel_loop3A_592, %parallel_loop3A_603, %parallel_loop3A_614, %parallel_loop3A_625, %parallel_loop3A_636, %parallel_loop3A_647, %parallel_loop3A_658, %parallel_loop3A_669, %parallel_loop3A_680, %parallel_loop3A_691, %parallel_loop3A_702, %parallel_loop3A_713, %parallel_loop3A_724, %parallel_loop3A_735, %parallel_loop3A_746 : vector<16xf32>, vector<16xf32>, vector<16xf32>, vector<16xf32>, vector<16xf32>, vector<16xf32>, vector<16xf32>, vector<16xf32>, vector<16xf32>, vector<16xf32>, vector<16xf32>, vector<16xf32>, vector<16xf32>, vector<16xf32>, vector<16xf32>, vector<16xf32>
      } {sc.loop_unroll_factor = 4 : i64, sc.parallel_access}
      %add3A_222 = arith.constant 2 : i32
      %add3A_223 = arith.addi %mul3A_174, %add3A_222 : i32
      %lt3A = arith.constant 32 : i32
      %lt3A_224 = arith.cmpi slt, %add3A_223, %lt3A : i32
      %convert_element_type3A = arith.extui %lt3A_224 : i1 to i32
      %cond3A = arith.constant 0 : i32
      %cond3A_225 = arith.cmpi ne, %convert_element_type3A, %cond3A : i32
      scf.if %cond3A_225 {
        %add3A_550 = arith.constant 2 : i32
        %add3A_551 = arith.addi %mul3A_174, %add3A_550 : i32
        %mul3A_552 = arith.constant 16 : i32
        %mul3A_553 = arith.muli %add3A_551, %mul3A_552 : i32
        %add3A_554 = arith.addi %mul3A_2, %mul3A_553 : i32
        %dma_start3A_555 = arith.constant 0 : i32
        %dma_start3A_556 = arith.constant 0 : i32
        %dma_start3A_557 = arith.constant 0 : i32
        %dma_start3A_558 = tpu.memref_slice %arg5[%dma_start3A_555, %dma_start3A_556, %dma_start3A_557] : memref<2x16x1024xi32, #tpu.memory_space<vmem>> -> memref<1x16x1024xi32, #tpu.memory_space<vmem>>
        %dma_start3A_559 = tpu.memref_squeeze %dma_start3A_558 : memref<1x16x1024xi32, #tpu.memory_space<vmem>> -> memref<16x1024xi32, #tpu.memory_space<vmem>>
        %dma_start3A_560 = arith.constant 0 : i32
        %dma_start3A_561 = tpu.memref_slice %arg2[%add3A_554, %dma_start3A_560] : memref<16384x1024xi32, #tpu.memory_space<hbm>> -> memref<16x1024xi32, #tpu.memory_space<hbm>>
        %dma_start3A_562 = arith.constant 0 : i32
        %dma_start3A_563 = arith.constant 0 : i32
        %dma_start3A_564 = tpu.memref_slice %arg5[%dma_start3A_555, %dma_start3A_562, %dma_start3A_563] : memref<2x16x1024xi32, #tpu.memory_space<vmem>> -> memref<1x16x1024xi32, #tpu.memory_space<vmem>>
        %dma_start3A_565 = tpu.memref_squeeze %dma_start3A_564 : memref<1x16x1024xi32, #tpu.memory_space<vmem>> -> memref<16x1024xi32, #tpu.memory_space<vmem>>
        %dma_start3A_566 = arith.constant 0 : i32
        %dma_start3A_567 = tpu.memref_slice %arg2[%add3A_554, %dma_start3A_566] : memref<16384x1024xi32, #tpu.memory_space<hbm>> -> memref<16x1024xi32, #tpu.memory_space<hbm>>
        tpu.enqueue_dma source(%dma_start3A_567 : memref<16x1024xi32, #tpu.memory_space<hbm>>) target(%dma_start3A_565 : memref<16x1024xi32, #tpu.memory_space<vmem>>) target_semaphore(%arg10 : memref<!tpu.dma_semaphore, #tpu.memory_space<semaphore_mem>>)
      } else {
      }
      %swap3A_226 = arith.constant 0 : i32
      %swap3A_227 = arith.index_cast %swap3A_226 : i32 to index
      %swap3A_228 = arith.constant 0 : index
      %swap3A_229 = tpu.vector_load %arg9[%swap3A_227, %swap3A_228] {strides = array<i32>} : memref<16x16xf32, #tpu.memory_space<vmem>>, vector<16xf32>,
      tpu.vector_store %arg9[%swap3A_227, %swap3A_228], %parallel_loop3A_221#0 {strides = array<i32>} : memref<16x16xf32, #tpu.memory_space<vmem>>, vector<16xf32>,
      %swap3A_230 = arith.constant 1 : i32
      %swap3A_231 = arith.index_cast %swap3A_230 : i32 to index
      %swap3A_232 = arith.constant 0 : index
      %swap3A_233 = tpu.vector_load %arg9[%swap3A_231, %swap3A_232] {strides = array<i32>} : memref<16x16xf32, #tpu.memory_space<vmem>>, vector<16xf32>,
      tpu.vector_store %arg9[%swap3A_231, %swap3A_232], %parallel_loop3A_221#1 {strides = array<i32>} : memref<16x16xf32, #tpu.memory_space<vmem>>, vector<16xf32>,
      %swap3A_234 = arith.constant 2 : i32
      %swap3A_235 = arith.index_cast %swap3A_234 : i32 to index
      %swap3A_236 = arith.constant 0 : index
      %swap3A_237 = tpu.vector_load %arg9[%swap3A_235, %swap3A_236] {strides = array<i32>} : memref<16x16xf32, #tpu.memory_space<vmem>>, vector<16xf32>,
      tpu.vector_store %arg9[%swap3A_235, %swap3A_236], %parallel_loop3A_221#2 {strides = array<i32>} : memref<16x16xf32, #tpu.memory_space<vmem>>, vector<16xf32>,
      %swap3A_238 = arith.constant 3 : i32
      %swap3A_239 = arith.index_cast %swap3A_238 : i32 to index
      %swap3A_240 = arith.constant 0 : index
      %swap3A_241 = tpu.vector_load %arg9[%swap3A_239, %swap3A_240] {strides = array<i32>} : memref<16x16xf32, #tpu.memory_space<vmem>>, vector<16xf32>,
      tpu.vector_store %arg9[%swap3A_239, %swap3A_240], %parallel_loop3A_221#3 {strides = array<i32>} : memref<16x16xf32, #tpu.memory_space<vmem>>, vector<16xf32>,
      %swap3A_242 = arith.constant 4 : i32
      %swap3A_243 = arith.index_cast %swap3A_242 : i32 to index
      %swap3A_244 = arith.constant 0 : index
      %swap3A_245 = tpu.vector_load %arg9[%swap3A_243, %swap3A_244] {strides = array<i32>} : memref<16x16xf32, #tpu.memory_space<vmem>>, vector<16xf32>,
      tpu.vector_store %arg9[%swap3A_243, %swap3A_244], %parallel_loop3A_221#4 {strides = array<i32>} : memref<16x16xf32, #tpu.memory_space<vmem>>, vector<16xf32>,
      %swap3A_246 = arith.constant 5 : i32
      %swap3A_247 = arith.index_cast %swap3A_246 : i32 to index
      %swap3A_248 = arith.constant 0 : index
      %swap3A_249 = tpu.vector_load %arg9[%swap3A_247, %swap3A_248] {strides = array<i32>} : memref<16x16xf32, #tpu.memory_space<vmem>>, vector<16xf32>,
      tpu.vector_store %arg9[%swap3A_247, %swap3A_248], %parallel_loop3A_221#5 {strides = array<i32>} : memref<16x16xf32, #tpu.memory_space<vmem>>, vector<16xf32>,
      %swap3A_250 = arith.constant 6 : i32
      %swap3A_251 = arith.index_cast %swap3A_250 : i32 to index
      %swap3A_252 = arith.constant 0 : index
      %swap3A_253 = tpu.vector_load %arg9[%swap3A_251, %swap3A_252] {strides = array<i32>} : memref<16x16xf32, #tpu.memory_space<vmem>>, vector<16xf32>,
      tpu.vector_store %arg9[%swap3A_251, %swap3A_252], %parallel_loop3A_221#6 {strides = array<i32>} : memref<16x16xf32, #tpu.memory_space<vmem>>, vector<16xf32>,
      %swap3A_254 = arith.constant 7 : i32
      %swap3A_255 = arith.index_cast %swap3A_254 : i32 to index
      %swap3A_256 = arith.constant 0 : index
      %swap3A_257 = tpu.vector_load %arg9[%swap3A_255, %swap3A_256] {strides = array<i32>} : memref<16x16xf32, #tpu.memory_space<vmem>>, vector<16xf32>,
      tpu.vector_store %arg9[%swap3A_255, %swap3A_256], %parallel_loop3A_221#7 {strides = array<i32>} : memref<16x16xf32, #tpu.memory_space<vmem>>, vector<16xf32>,
      %swap3A_258 = arith.constant 8 : i32
      %swap3A_259 = arith.index_cast %swap3A_258 : i32 to index
      %swap3A_260 = arith.constant 0 : index
      %swap3A_261 = tpu.vector_load %arg9[%swap3A_259, %swap3A_260] {strides = array<i32>} : memref<16x16xf32, #tpu.memory_space<vmem>>, vector<16xf32>,
      tpu.vector_store %arg9[%swap3A_259, %swap3A_260], %parallel_loop3A_221#8 {strides = array<i32>} : memref<16x16xf32, #tpu.memory_space<vmem>>, vector<16xf32>,
      %swap3A_262 = arith.constant 9 : i32
      %swap3A_263 = arith.index_cast %swap3A_262 : i32 to index
      %swap3A_264 = arith.constant 0 : index
      %swap3A_265 = tpu.vector_load %arg9[%swap3A_263, %swap3A_264] {strides = array<i32>} : memref<16x16xf32, #tpu.memory_space<vmem>>, vector<16xf32>,
      tpu.vector_store %arg9[%swap3A_263, %swap3A_264], %parallel_loop3A_221#9 {strides = array<i32>} : memref<16x16xf32, #tpu.memory_space<vmem>>, vector<16xf32>,
      %swap3A_266 = arith.constant 10 : i32
      %swap3A_267 = arith.index_cast %swap3A_266 : i32 to index
      %swap3A_268 = arith.constant 0 : index
      %swap3A_269 = tpu.vector_load %arg9[%swap3A_267, %swap3A_268] {strides = array<i32>} : memref<16x16xf32, #tpu.memory_space<vmem>>, vector<16xf32>,
      tpu.vector_store %arg9[%swap3A_267, %swap3A_268], %parallel_loop3A_221#10 {strides = array<i32>} : memref<16x16xf32, #tpu.memory_space<vmem>>, vector<16xf32>,
      %swap3A_270 = arith.constant 11 : i32
      %swap3A_271 = arith.index_cast %swap3A_270 : i32 to index
      %swap3A_272 = arith.constant 0 : index
      %swap3A_273 = tpu.vector_load %arg9[%swap3A_271, %swap3A_272] {strides = array<i32>} : memref<16x16xf32, #tpu.memory_space<vmem>>, vector<16xf32>,
      tpu.vector_store %arg9[%swap3A_271, %swap3A_272], %parallel_loop3A_221#11 {strides = array<i32>} : memref<16x16xf32, #tpu.memory_space<vmem>>, vector<16xf32>,
      %swap3A_274 = arith.constant 12 : i32
      %swap3A_275 = arith.index_cast %swap3A_274 : i32 to index
      %swap3A_276 = arith.constant 0 : index
      %swap3A_277 = tpu.vector_load %arg9[%swap3A_275, %swap3A_276] {strides = array<i32>} : memref<16x16xf32, #tpu.memory_space<vmem>>, vector<16xf32>,
      tpu.vector_store %arg9[%swap3A_275, %swap3A_276], %parallel_loop3A_221#12 {strides = array<i32>} : memref<16x16xf32, #tpu.memory_space<vmem>>, vector<16xf32>,
      %swap3A_278 = arith.constant 13 : i32
      %swap3A_279 = arith.index_cast %swap3A_278 : i32 to index
      %swap3A_280 = arith.constant 0 : index
      %swap3A_281 = tpu.vector_load %arg9[%swap3A_279, %swap3A_280] {strides = array<i32>} : memref<16x16xf32, #tpu.memory_space<vmem>>, vector<16xf32>,
      tpu.vector_store %arg9[%swap3A_279, %swap3A_280], %parallel_loop3A_221#13 {strides = array<i32>} : memref<16x16xf32, #tpu.memory_space<vmem>>, vector<16xf32>,
      %swap3A_282 = arith.constant 14 : i32
      %swap3A_283 = arith.index_cast %swap3A_282 : i32 to index
      %swap3A_284 = arith.constant 0 : index
      %swap3A_285 = tpu.vector_load %arg9[%swap3A_283, %swap3A_284] {strides = array<i32>} : memref<16x16xf32, #tpu.memory_space<vmem>>, vector<16xf32>,
      tpu.vector_store %arg9[%swap3A_283, %swap3A_284], %parallel_loop3A_221#14 {strides = array<i32>} : memref<16x16xf32, #tpu.memory_space<vmem>>, vector<16xf32>,
      %swap3A_286 = arith.constant 15 : i32
      %swap3A_287 = arith.index_cast %swap3A_286 : i32 to index
      %swap3A_288 = arith.constant 0 : index
      %swap3A_289 = tpu.vector_load %arg9[%swap3A_287, %swap3A_288] {strides = array<i32>} : memref<16x16xf32, #tpu.memory_space<vmem>>, vector<16xf32>,
      tpu.vector_store %arg9[%swap3A_287, %swap3A_288], %parallel_loop3A_221#15 {strides = array<i32>} : memref<16x16xf32, #tpu.memory_space<vmem>>, vector<16xf32>,
      %broadcast_in_dim3A_290 = arith.constant 0 : i32
      %broadcast_in_dim3A_291 = vector.broadcast %broadcast_in_dim3A_290 : i32 to vector<16xi32>
      %gather3A_292 = tpu.vector_load_idx %arg9[%iota3A, %broadcast_in_dim3A_291] : memref<16x16xf32, #tpu.memory_space<vmem>>[vector<16xi32>, vector<16xi32>], vector<16xf32>,
      %add3A_293 = arith.addf %add3A_165, %gather3A_292 : vector<16xf32>
      %broadcast_in_dim3A_294 = arith.constant 1 : i32
      %broadcast_in_dim3A_295 = vector.broadcast %broadcast_in_dim3A_294 : i32 to vector<16xi32>
      %gather3A_296 = tpu.vector_load_idx %arg9[%iota3A, %broadcast_in_dim3A_295] : memref<16x16xf32, #tpu.memory_space<vmem>>[vector<16xi32>, vector<16xi32>], vector<16xf32>,
      %add3A_297 = arith.addf %add3A_293, %gather3A_296 : vector<16xf32>
      %broadcast_in_dim3A_298 = arith.constant 2 : i32
      %broadcast_in_dim3A_299 = vector.broadcast %broadcast_in_dim3A_298 : i32 to vector<16xi32>
      %gather3A_300 = tpu.vector_load_idx %arg9[%iota3A, %broadcast_in_dim3A_299] : memref<16x16xf32, #tpu.memory_space<vmem>>[vector<16xi32>, vector<16xi32>], vector<16xf32>,
      %add3A_301 = arith.addf %add3A_297, %gather3A_300 : vector<16xf32>
      %broadcast_in_dim3A_302 = arith.constant 3 : i32
      %broadcast_in_dim3A_303 = vector.broadcast %broadcast_in_dim3A_302 : i32 to vector<16xi32>
      %gather3A_304 = tpu.vector_load_idx %arg9[%iota3A, %broadcast_in_dim3A_303] : memref<16x16xf32, #tpu.memory_space<vmem>>[vector<16xi32>, vector<16xi32>], vector<16xf32>,
      %add3A_305 = arith.addf %add3A_301, %gather3A_304 : vector<16xf32>
      %broadcast_in_dim3A_306 = arith.constant 4 : i32
      %broadcast_in_dim3A_307 = vector.broadcast %broadcast_in_dim3A_306 : i32 to vector<16xi32>
      %gather3A_308 = tpu.vector_load_idx %arg9[%iota3A, %broadcast_in_dim3A_307] : memref<16x16xf32, #tpu.memory_space<vmem>>[vector<16xi32>, vector<16xi32>], vector<16xf32>,
      %add3A_309 = arith.addf %add3A_305, %gather3A_308 : vector<16xf32>
      %broadcast_in_dim3A_310 = arith.constant 5 : i32
      %broadcast_in_dim3A_311 = vector.broadcast %broadcast_in_dim3A_310 : i32 to vector<16xi32>
      %gather3A_312 = tpu.vector_load_idx %arg9[%iota3A, %broadcast_in_dim3A_311] : memref<16x16xf32, #tpu.memory_space<vmem>>[vector<16xi32>, vector<16xi32>], vector<16xf32>,
      %add3A_313 = arith.addf %add3A_309, %gather3A_312 : vector<16xf32>
      %broadcast_in_dim3A_314 = arith.constant 6 : i32
      %broadcast_in_dim3A_315 = vector.broadcast %broadcast_in_dim3A_314 : i32 to vector<16xi32>
      %gather3A_316 = tpu.vector_load_idx %arg9[%iota3A, %broadcast_in_dim3A_315] : memref<16x16xf32, #tpu.memory_space<vmem>>[vector<16xi32>, vector<16xi32>], vector<16xf32>,
      %add3A_317 = arith.addf %add3A_313, %gather3A_316 : vector<16xf32>
      %broadcast_in_dim3A_318 = arith.constant 7 : i32
      %broadcast_in_dim3A_319 = vector.broadcast %broadcast_in_dim3A_318 : i32 to vector<16xi32>
      %gather3A_320 = tpu.vector_load_idx %arg9[%iota3A, %broadcast_in_dim3A_319] : memref<16x16xf32, #tpu.memory_space<vmem>>[vector<16xi32>, vector<16xi32>], vector<16xf32>,
      %add3A_321 = arith.addf %add3A_317, %gather3A_320 : vector<16xf32>
      %broadcast_in_dim3A_322 = arith.constant 8 : i32
      %broadcast_in_dim3A_323 = vector.broadcast %broadcast_in_dim3A_322 : i32 to vector<16xi32>
      %gather3A_324 = tpu.vector_load_idx %arg9[%iota3A, %broadcast_in_dim3A_323] : memref<16x16xf32, #tpu.memory_space<vmem>>[vector<16xi32>, vector<16xi32>], vector<16xf32>,
      %add3A_325 = arith.addf %add3A_321, %gather3A_324 : vector<16xf32>
      %broadcast_in_dim3A_326 = arith.constant 9 : i32
      %broadcast_in_dim3A_327 = vector.broadcast %broadcast_in_dim3A_326 : i32 to vector<16xi32>
      %gather3A_328 = tpu.vector_load_idx %arg9[%iota3A, %broadcast_in_dim3A_327] : memref<16x16xf32, #tpu.memory_space<vmem>>[vector<16xi32>, vector<16xi32>], vector<16xf32>,
      %add3A_329 = arith.addf %add3A_325, %gather3A_328 : vector<16xf32>
      %broadcast_in_dim3A_330 = arith.constant 10 : i32
      %broadcast_in_dim3A_331 = vector.broadcast %broadcast_in_dim3A_330 : i32 to vector<16xi32>
      %gather3A_332 = tpu.vector_load_idx %arg9[%iota3A, %broadcast_in_dim3A_331] : memref<16x16xf32, #tpu.memory_space<vmem>>[vector<16xi32>, vector<16xi32>], vector<16xf32>,
      %add3A_333 = arith.addf %add3A_329, %gather3A_332 : vector<16xf32>
      %broadcast_in_dim3A_334 = arith.constant 11 : i32
      %broadcast_in_dim3A_335 = vector.broadcast %broadcast_in_dim3A_334 : i32 to vector<16xi32>
      %gather3A_336 = tpu.vector_load_idx %arg9[%iota3A, %broadcast_in_dim3A_335] : memref<16x16xf32, #tpu.memory_space<vmem>>[vector<16xi32>, vector<16xi32>], vector<16xf32>,
      %add3A_337 = arith.addf %add3A_333, %gather3A_336 : vector<16xf32>
      %broadcast_in_dim3A_338 = arith.constant 12 : i32
      %broadcast_in_dim3A_339 = vector.broadcast %broadcast_in_dim3A_338 : i32 to vector<16xi32>
      %gather3A_340 = tpu.vector_load_idx %arg9[%iota3A, %broadcast_in_dim3A_339] : memref<16x16xf32, #tpu.memory_space<vmem>>[vector<16xi32>, vector<16xi32>], vector<16xf32>,
      %add3A_341 = arith.addf %add3A_337, %gather3A_340 : vector<16xf32>
      %broadcast_in_dim3A_342 = arith.constant 13 : i32
      %broadcast_in_dim3A_343 = vector.broadcast %broadcast_in_dim3A_342 : i32 to vector<16xi32>
      %gather3A_344 = tpu.vector_load_idx %arg9[%iota3A, %broadcast_in_dim3A_343] : memref<16x16xf32, #tpu.memory_space<vmem>>[vector<16xi32>, vector<16xi32>], vector<16xf32>,
      %add3A_345 = arith.addf %add3A_341, %gather3A_344 : vector<16xf32>
      %broadcast_in_dim3A_346 = arith.constant 14 : i32
      %broadcast_in_dim3A_347 = vector.broadcast %broadcast_in_dim3A_346 : i32 to vector<16xi32>
      %gather3A_348 = tpu.vector_load_idx %arg9[%iota3A, %broadcast_in_dim3A_347] : memref<16x16xf32, #tpu.memory_space<vmem>>[vector<16xi32>, vector<16xi32>], vector<16xf32>,
      %add3A_349 = arith.addf %add3A_345, %gather3A_348 : vector<16xf32>
      %broadcast_in_dim3A_350 = arith.constant 15 : i32
      %broadcast_in_dim3A_351 = vector.broadcast %broadcast_in_dim3A_350 : i32 to vector<16xi32>
      %gather3A_352 = tpu.vector_load_idx %arg9[%iota3A, %broadcast_in_dim3A_351] : memref<16x16xf32, #tpu.memory_space<vmem>>[vector<16xi32>, vector<16xi32>], vector<16xf32>,
      %add3A_353 = arith.addf %add3A_349, %gather3A_352 : vector<16xf32>
      %mul3A_354 = arith.constant 16 : i32
      %mul3A_355 = arith.muli %mul3A_174, %mul3A_354 : i32
      %swap3A_356 = arith.index_cast %mul3A_355 : i32 to index
      %swap3A_357 = tpu.vector_load %arg8[%swap3A_356] {strides = array<i32>} : memref<512xf32, #tpu.memory_space<vmem>>, vector<16xf32>,
      tpu.vector_store %arg8[%swap3A_356], %add3A_353 {strides = array<i32>} : memref<512xf32, #tpu.memory_space<vmem>>, vector<16xf32>,
      %mul3A_358 = arith.constant 2 : i32
      %mul3A_359 = arith.muli %mul3A_358, %scan3A_172 : i32
      %add3A_360 = arith.constant 1 : i32
      %add3A_361 = arith.addi %mul3A_359, %add3A_360 : i32
      %dma_wait3A_362 = arith.constant 1 : i32
      %dma_wait3A_363 = arith.constant 0 : i32
      %dma_wait3A_364 = arith.constant 0 : i32
      %dma_wait3A_365 = tpu.memref_slice %arg5[%dma_wait3A_362, %dma_wait3A_363, %dma_wait3A_364] : memref<2x16x1024xi32, #tpu.memory_space<vmem>> -> memref<1x16x1024xi32, #tpu.memory_space<vmem>>
      %dma_wait3A_366 = tpu.memref_squeeze %dma_wait3A_365 : memref<1x16x1024xi32, #tpu.memory_space<vmem>> -> memref<16x1024xi32, #tpu.memory_space<vmem>>
      %dma_wait3A_367 = arith.constant 0 : i32
      %dma_wait3A_368 = tpu.memref_slice %arg2[%mul3A_2, %dma_wait3A_367] : memref<16384x1024xi32, #tpu.memory_space<hbm>> -> memref<16x1024xi32, #tpu.memory_space<hbm>>
      %dma_wait3A_369 = arith.constant 0 : i32
      %dma_wait3A_370 = arith.constant 0 : i32
      %dma_wait3A_371 = tpu.memref_slice %arg5[%dma_wait3A_362, %dma_wait3A_369, %dma_wait3A_370] : memref<2x16x1024xi32, #tpu.memory_space<vmem>> -> memref<1x16x1024xi32, #tpu.memory_space<vmem>>
      %dma_wait3A_372 = tpu.memref_squeeze %dma_wait3A_371 : memref<1x16x1024xi32, #tpu.memory_space<vmem>> -> memref<16x1024xi32, #tpu.memory_space<vmem>>
      %dma_wait3A_373 = arith.constant 0 : i32
      %dma_wait3A_374 = tpu.memref_slice %arg2[%mul3A_2, %dma_wait3A_373] : memref<16384x1024xi32, #tpu.memory_space<hbm>> -> memref<16x1024xi32, #tpu.memory_space<hbm>>
      tpu.wait_dma2 semaphore(%arg11 : memref<!tpu.dma_semaphore, #tpu.memory_space<semaphore_mem>>) src(%dma_wait3A_374 : memref<16x1024xi32, #tpu.memory_space<hbm>>) dst(%dma_wait3A_372 : memref<16x1024xi32, #tpu.memory_space<vmem>>)
      %broadcast_in_dim3A_375 = arith.constant 0.000000e+00 : f32
      %broadcast_in_dim3A_376 = vector.broadcast %broadcast_in_dim3A_375 : f32 to vector<16xf32>
      %broadcast_in_dim3A_377 = arith.constant 0.000000e+00 : f32
      %broadcast_in_dim3A_378 = vector.broadcast %broadcast_in_dim3A_377 : f32 to vector<16xf32>
      %broadcast_in_dim3A_379 = arith.constant 0.000000e+00 : f32
      %broadcast_in_dim3A_380 = vector.broadcast %broadcast_in_dim3A_379 : f32 to vector<16xf32>
      %broadcast_in_dim3A_381 = arith.constant 0.000000e+00 : f32
      %broadcast_in_dim3A_382 = vector.broadcast %broadcast_in_dim3A_381 : f32 to vector<16xf32>
      %broadcast_in_dim3A_383 = arith.constant 0.000000e+00 : f32
      %broadcast_in_dim3A_384 = vector.broadcast %broadcast_in_dim3A_383 : f32 to vector<16xf32>
      %broadcast_in_dim3A_385 = arith.constant 0.000000e+00 : f32
      %broadcast_in_dim3A_386 = vector.broadcast %broadcast_in_dim3A_385 : f32 to vector<16xf32>
      %broadcast_in_dim3A_387 = arith.constant 0.000000e+00 : f32
      %broadcast_in_dim3A_388 = vector.broadcast %broadcast_in_dim3A_387 : f32 to vector<16xf32>
      %broadcast_in_dim3A_389 = arith.constant 0.000000e+00 : f32
      %broadcast_in_dim3A_390 = vector.broadcast %broadcast_in_dim3A_389 : f32 to vector<16xf32>
      %broadcast_in_dim3A_391 = arith.constant 0.000000e+00 : f32
      %broadcast_in_dim3A_392 = vector.broadcast %broadcast_in_dim3A_391 : f32 to vector<16xf32>
      %broadcast_in_dim3A_393 = arith.constant 0.000000e+00 : f32
      %broadcast_in_dim3A_394 = vector.broadcast %broadcast_in_dim3A_393 : f32 to vector<16xf32>
      %broadcast_in_dim3A_395 = arith.constant 0.000000e+00 : f32
      %broadcast_in_dim3A_396 = vector.broadcast %broadcast_in_dim3A_395 : f32 to vector<16xf32>
      %broadcast_in_dim3A_397 = arith.constant 0.000000e+00 : f32
      %broadcast_in_dim3A_398 = vector.broadcast %broadcast_in_dim3A_397 : f32 to vector<16xf32>
      %broadcast_in_dim3A_399 = arith.constant 0.000000e+00 : f32
      %broadcast_in_dim3A_400 = vector.broadcast %broadcast_in_dim3A_399 : f32 to vector<16xf32>
      %broadcast_in_dim3A_401 = arith.constant 0.000000e+00 : f32
      %broadcast_in_dim3A_402 = vector.broadcast %broadcast_in_dim3A_401 : f32 to vector<16xf32>
      %broadcast_in_dim3A_403 = arith.constant 0.000000e+00 : f32
      %broadcast_in_dim3A_404 = vector.broadcast %broadcast_in_dim3A_403 : f32 to vector<16xf32>
      %broadcast_in_dim3A_405 = arith.constant 0.000000e+00 : f32
      %broadcast_in_dim3A_406 = vector.broadcast %broadcast_in_dim3A_405 : f32 to vector<16xf32>
      %parallel_loop3A_407 = arith.constant 0 : i32
      %parallel_loop3A_408 = arith.constant 64 : i32
      %parallel_loop3A_409 = arith.constant 1 : i32
      %parallel_loop3A_410:16 = scf.for %parallel_loop3A_550 = %parallel_loop3A_407 to %parallel_loop3A_408 step %parallel_loop3A_409 iter_args(%parallel_loop3A_551 = %broadcast_in_dim3A_376, %parallel_loop3A_552 = %broadcast_in_dim3A_378, %parallel_loop3A_553 = %broadcast_in_dim3A_380, %parallel_loop3A_554 = %broadcast_in_dim3A_382, %parallel_loop3A_555 = %broadcast_in_dim3A_384, %parallel_loop3A_556 = %broadcast_in_dim3A_386, %parallel_loop3A_557 = %broadcast_in_dim3A_388, %parallel_loop3A_558 = %broadcast_in_dim3A_390, %parallel_loop3A_559 = %broadcast_in_dim3A_392, %parallel_loop3A_560 = %broadcast_in_dim3A_394, %parallel_loop3A_561 = %broadcast_in_dim3A_396, %parallel_loop3A_562 = %broadcast_in_dim3A_398, %parallel_loop3A_563 = %broadcast_in_dim3A_400, %parallel_loop3A_564 = %broadcast_in_dim3A_402, %parallel_loop3A_565 = %broadcast_in_dim3A_404, %parallel_loop3A_566 = %broadcast_in_dim3A_406) -> (vector<16xf32>, vector<16xf32>, vector<16xf32>, vector<16xf32>, vector<16xf32>, vector<16xf32>, vector<16xf32>, vector<16xf32>, vector<16xf32>, vector<16xf32>, vector<16xf32>, vector<16xf32>, vector<16xf32>, vector<16xf32>, vector<16xf32>, vector<16xf32>)  : i32 {
        %parallel_loop3A_567 = arith.constant 16 : i32
        %parallel_loop3A_568 = arith.muli %parallel_loop3A_550, %parallel_loop3A_567 : i32
        %parallel_loop3A_569 = arith.index_cast %parallel_loop3A_568 : i32 to index
        %parallel_loop3A_570 = tpu.vector_load %arg7[%parallel_loop3A_569] {strides = array<i32>} : memref<1024xf32, #tpu.memory_space<vmem>>, vector<16xf32>,
        %parallel_loop3A_571 = arith.constant 16 : i32
        %parallel_loop3A_572 = arith.muli %parallel_loop3A_550, %parallel_loop3A_571 : i32
        %parallel_loop3A_573 = arith.constant 1 : i32
        %parallel_loop3A_574 = arith.constant 0 : i32
        %parallel_loop3A_575 = arith.index_cast %parallel_loop3A_573 : i32 to index
        %parallel_loop3A_576 = arith.index_cast %parallel_loop3A_574 : i32 to index
        %parallel_loop3A_577 = arith.index_cast %parallel_loop3A_572 : i32 to index
        %parallel_loop3A_578 = tpu.vector_load %arg5[%parallel_loop3A_575, %parallel_loop3A_576, %parallel_loop3A_577] {strides = array<i32>} : memref<2x16x1024xi32, #tpu.memory_space<vmem>>, vector<16xi32>,
        %parallel_loop3A_579 = arith.sitofp %parallel_loop3A_578 : vector<16xi32> to vector<16xf32>
        %parallel_loop3A_580 = arith.mulf %parallel_loop3A_570, %parallel_loop3A_579 : vector<16xf32>
        %parallel_loop3A_581 = arith.addf %parallel_loop3A_551, %parallel_loop3A_580 : vector<16xf32>
        %parallel_loop3A_582 = arith.constant 16 : i32
        %parallel_loop3A_583 = arith.muli %parallel_loop3A_550, %parallel_loop3A_582 : i32
        %parallel_loop3A_584 = arith.constant 1 : i32
        %parallel_loop3A_585 = arith.constant 1 : i32
        %parallel_loop3A_586 = arith.index_cast %parallel_loop3A_584 : i32 to index
        %parallel_loop3A_587 = arith.index_cast %parallel_loop3A_585 : i32 to index
        %parallel_loop3A_588 = arith.index_cast %parallel_loop3A_583 : i32 to index
        %parallel_loop3A_589 = tpu.vector_load %arg5[%parallel_loop3A_586, %parallel_loop3A_587, %parallel_loop3A_588] {strides = array<i32>} : memref<2x16x1024xi32, #tpu.memory_space<vmem>>, vector<16xi32>,
        %parallel_loop3A_590 = arith.sitofp %parallel_loop3A_589 : vector<16xi32> to vector<16xf32>
        %parallel_loop3A_591 = arith.mulf %parallel_loop3A_570, %parallel_loop3A_590 : vector<16xf32>
        %parallel_loop3A_592 = arith.addf %parallel_loop3A_552, %parallel_loop3A_591 : vector<16xf32>
        %parallel_loop3A_593 = arith.constant 16 : i32
        %parallel_loop3A_594 = arith.muli %parallel_loop3A_550, %parallel_loop3A_593 : i32
        %parallel_loop3A_595 = arith.constant 1 : i32
        %parallel_loop3A_596 = arith.constant 2 : i32
        %parallel_loop3A_597 = arith.index_cast %parallel_loop3A_595 : i32 to index
        %parallel_loop3A_598 = arith.index_cast %parallel_loop3A_596 : i32 to index
        %parallel_loop3A_599 = arith.index_cast %parallel_loop3A_594 : i32 to index
        %parallel_loop3A_600 = tpu.vector_load %arg5[%parallel_loop3A_597, %parallel_loop3A_598, %parallel_loop3A_599] {strides = array<i32>} : memref<2x16x1024xi32, #tpu.memory_space<vmem>>, vector<16xi32>,
        %parallel_loop3A_601 = arith.sitofp %parallel_loop3A_600 : vector<16xi32> to vector<16xf32>
        %parallel_loop3A_602 = arith.mulf %parallel_loop3A_570, %parallel_loop3A_601 : vector<16xf32>
        %parallel_loop3A_603 = arith.addf %parallel_loop3A_553, %parallel_loop3A_602 : vector<16xf32>
        %parallel_loop3A_604 = arith.constant 16 : i32
        %parallel_loop3A_605 = arith.muli %parallel_loop3A_550, %parallel_loop3A_604 : i32
        %parallel_loop3A_606 = arith.constant 1 : i32
        %parallel_loop3A_607 = arith.constant 3 : i32
        %parallel_loop3A_608 = arith.index_cast %parallel_loop3A_606 : i32 to index
        %parallel_loop3A_609 = arith.index_cast %parallel_loop3A_607 : i32 to index
        %parallel_loop3A_610 = arith.index_cast %parallel_loop3A_605 : i32 to index
        %parallel_loop3A_611 = tpu.vector_load %arg5[%parallel_loop3A_608, %parallel_loop3A_609, %parallel_loop3A_610] {strides = array<i32>} : memref<2x16x1024xi32, #tpu.memory_space<vmem>>, vector<16xi32>,
        %parallel_loop3A_612 = arith.sitofp %parallel_loop3A_611 : vector<16xi32> to vector<16xf32>
        %parallel_loop3A_613 = arith.mulf %parallel_loop3A_570, %parallel_loop3A_612 : vector<16xf32>
        %parallel_loop3A_614 = arith.addf %parallel_loop3A_554, %parallel_loop3A_613 : vector<16xf32>
        %parallel_loop3A_615 = arith.constant 16 : i32
        %parallel_loop3A_616 = arith.muli %parallel_loop3A_550, %parallel_loop3A_615 : i32
        %parallel_loop3A_617 = arith.constant 1 : i32
        %parallel_loop3A_618 = arith.constant 4 : i32
        %parallel_loop3A_619 = arith.index_cast %parallel_loop3A_617 : i32 to index
        %parallel_loop3A_620 = arith.index_cast %parallel_loop3A_618 : i32 to index
        %parallel_loop3A_621 = arith.index_cast %parallel_loop3A_616 : i32 to index
        %parallel_loop3A_622 = tpu.vector_load %arg5[%parallel_loop3A_619, %parallel_loop3A_620, %parallel_loop3A_621] {strides = array<i32>} : memref<2x16x1024xi32, #tpu.memory_space<vmem>>, vector<16xi32>,
        %parallel_loop3A_623 = arith.sitofp %parallel_loop3A_622 : vector<16xi32> to vector<16xf32>
        %parallel_loop3A_624 = arith.mulf %parallel_loop3A_570, %parallel_loop3A_623 : vector<16xf32>
        %parallel_loop3A_625 = arith.addf %parallel_loop3A_555, %parallel_loop3A_624 : vector<16xf32>
        %parallel_loop3A_626 = arith.constant 16 : i32
        %parallel_loop3A_627 = arith.muli %parallel_loop3A_550, %parallel_loop3A_626 : i32
        %parallel_loop3A_628 = arith.constant 1 : i32
        %parallel_loop3A_629 = arith.constant 5 : i32
        %parallel_loop3A_630 = arith.index_cast %parallel_loop3A_628 : i32 to index
        %parallel_loop3A_631 = arith.index_cast %parallel_loop3A_629 : i32 to index
        %parallel_loop3A_632 = arith.index_cast %parallel_loop3A_627 : i32 to index
        %parallel_loop3A_633 = tpu.vector_load %arg5[%parallel_loop3A_630, %parallel_loop3A_631, %parallel_loop3A_632] {strides = array<i32>} : memref<2x16x1024xi32, #tpu.memory_space<vmem>>, vector<16xi32>,
        %parallel_loop3A_634 = arith.sitofp %parallel_loop3A_633 : vector<16xi32> to vector<16xf32>
        %parallel_loop3A_635 = arith.mulf %parallel_loop3A_570, %parallel_loop3A_634 : vector<16xf32>
        %parallel_loop3A_636 = arith.addf %parallel_loop3A_556, %parallel_loop3A_635 : vector<16xf32>
        %parallel_loop3A_637 = arith.constant 16 : i32
        %parallel_loop3A_638 = arith.muli %parallel_loop3A_550, %parallel_loop3A_637 : i32
        %parallel_loop3A_639 = arith.constant 1 : i32
        %parallel_loop3A_640 = arith.constant 6 : i32
        %parallel_loop3A_641 = arith.index_cast %parallel_loop3A_639 : i32 to index
        %parallel_loop3A_642 = arith.index_cast %parallel_loop3A_640 : i32 to index
        %parallel_loop3A_643 = arith.index_cast %parallel_loop3A_638 : i32 to index
        %parallel_loop3A_644 = tpu.vector_load %arg5[%parallel_loop3A_641, %parallel_loop3A_642, %parallel_loop3A_643] {strides = array<i32>} : memref<2x16x1024xi32, #tpu.memory_space<vmem>>, vector<16xi32>,
        %parallel_loop3A_645 = arith.sitofp %parallel_loop3A_644 : vector<16xi32> to vector<16xf32>
        %parallel_loop3A_646 = arith.mulf %parallel_loop3A_570, %parallel_loop3A_645 : vector<16xf32>
        %parallel_loop3A_647 = arith.addf %parallel_loop3A_557, %parallel_loop3A_646 : vector<16xf32>
        %parallel_loop3A_648 = arith.constant 16 : i32
        %parallel_loop3A_649 = arith.muli %parallel_loop3A_550, %parallel_loop3A_648 : i32
        %parallel_loop3A_650 = arith.constant 1 : i32
        %parallel_loop3A_651 = arith.constant 7 : i32
        %parallel_loop3A_652 = arith.index_cast %parallel_loop3A_650 : i32 to index
        %parallel_loop3A_653 = arith.index_cast %parallel_loop3A_651 : i32 to index
        %parallel_loop3A_654 = arith.index_cast %parallel_loop3A_649 : i32 to index
        %parallel_loop3A_655 = tpu.vector_load %arg5[%parallel_loop3A_652, %parallel_loop3A_653, %parallel_loop3A_654] {strides = array<i32>} : memref<2x16x1024xi32, #tpu.memory_space<vmem>>, vector<16xi32>,
        %parallel_loop3A_656 = arith.sitofp %parallel_loop3A_655 : vector<16xi32> to vector<16xf32>
        %parallel_loop3A_657 = arith.mulf %parallel_loop3A_570, %parallel_loop3A_656 : vector<16xf32>
        %parallel_loop3A_658 = arith.addf %parallel_loop3A_558, %parallel_loop3A_657 : vector<16xf32>
        %parallel_loop3A_659 = arith.constant 16 : i32
        %parallel_loop3A_660 = arith.muli %parallel_loop3A_550, %parallel_loop3A_659 : i32
        %parallel_loop3A_661 = arith.constant 1 : i32
        %parallel_loop3A_662 = arith.constant 8 : i32
        %parallel_loop3A_663 = arith.index_cast %parallel_loop3A_661 : i32 to index
        %parallel_loop3A_664 = arith.index_cast %parallel_loop3A_662 : i32 to index
        %parallel_loop3A_665 = arith.index_cast %parallel_loop3A_660 : i32 to index
        %parallel_loop3A_666 = tpu.vector_load %arg5[%parallel_loop3A_663, %parallel_loop3A_664, %parallel_loop3A_665] {strides = array<i32>} : memref<2x16x1024xi32, #tpu.memory_space<vmem>>, vector<16xi32>,
        %parallel_loop3A_667 = arith.sitofp %parallel_loop3A_666 : vector<16xi32> to vector<16xf32>
        %parallel_loop3A_668 = arith.mulf %parallel_loop3A_570, %parallel_loop3A_667 : vector<16xf32>
        %parallel_loop3A_669 = arith.addf %parallel_loop3A_559, %parallel_loop3A_668 : vector<16xf32>
        %parallel_loop3A_670 = arith.constant 16 : i32
        %parallel_loop3A_671 = arith.muli %parallel_loop3A_550, %parallel_loop3A_670 : i32
        %parallel_loop3A_672 = arith.constant 1 : i32
        %parallel_loop3A_673 = arith.constant 9 : i32
        %parallel_loop3A_674 = arith.index_cast %parallel_loop3A_672 : i32 to index
        %parallel_loop3A_675 = arith.index_cast %parallel_loop3A_673 : i32 to index
        %parallel_loop3A_676 = arith.index_cast %parallel_loop3A_671 : i32 to index
        %parallel_loop3A_677 = tpu.vector_load %arg5[%parallel_loop3A_674, %parallel_loop3A_675, %parallel_loop3A_676] {strides = array<i32>} : memref<2x16x1024xi32, #tpu.memory_space<vmem>>, vector<16xi32>,
        %parallel_loop3A_678 = arith.sitofp %parallel_loop3A_677 : vector<16xi32> to vector<16xf32>
        %parallel_loop3A_679 = arith.mulf %parallel_loop3A_570, %parallel_loop3A_678 : vector<16xf32>
        %parallel_loop3A_680 = arith.addf %parallel_loop3A_560, %parallel_loop3A_679 : vector<16xf32>
        %parallel_loop3A_681 = arith.constant 16 : i32
        %parallel_loop3A_682 = arith.muli %parallel_loop3A_550, %parallel_loop3A_681 : i32
        %parallel_loop3A_683 = arith.constant 1 : i32
        %parallel_loop3A_684 = arith.constant 10 : i32
        %parallel_loop3A_685 = arith.index_cast %parallel_loop3A_683 : i32 to index
        %parallel_loop3A_686 = arith.index_cast %parallel_loop3A_684 : i32 to index
        %parallel_loop3A_687 = arith.index_cast %parallel_loop3A_682 : i32 to index
        %parallel_loop3A_688 = tpu.vector_load %arg5[%parallel_loop3A_685, %parallel_loop3A_686, %parallel_loop3A_687] {strides = array<i32>} : memref<2x16x1024xi32, #tpu.memory_space<vmem>>, vector<16xi32>,
        %parallel_loop3A_689 = arith.sitofp %parallel_loop3A_688 : vector<16xi32> to vector<16xf32>
        %parallel_loop3A_690 = arith.mulf %parallel_loop3A_570, %parallel_loop3A_689 : vector<16xf32>
        %parallel_loop3A_691 = arith.addf %parallel_loop3A_561, %parallel_loop3A_690 : vector<16xf32>
        %parallel_loop3A_692 = arith.constant 16 : i32
        %parallel_loop3A_693 = arith.muli %parallel_loop3A_550, %parallel_loop3A_692 : i32
        %parallel_loop3A_694 = arith.constant 1 : i32
        %parallel_loop3A_695 = arith.constant 11 : i32
        %parallel_loop3A_696 = arith.index_cast %parallel_loop3A_694 : i32 to index
        %parallel_loop3A_697 = arith.index_cast %parallel_loop3A_695 : i32 to index
        %parallel_loop3A_698 = arith.index_cast %parallel_loop3A_693 : i32 to index
        %parallel_loop3A_699 = tpu.vector_load %arg5[%parallel_loop3A_696, %parallel_loop3A_697, %parallel_loop3A_698] {strides = array<i32>} : memref<2x16x1024xi32, #tpu.memory_space<vmem>>, vector<16xi32>,
        %parallel_loop3A_700 = arith.sitofp %parallel_loop3A_699 : vector<16xi32> to vector<16xf32>
        %parallel_loop3A_701 = arith.mulf %parallel_loop3A_570, %parallel_loop3A_700 : vector<16xf32>
        %parallel_loop3A_702 = arith.addf %parallel_loop3A_562, %parallel_loop3A_701 : vector<16xf32>
        %parallel_loop3A_703 = arith.constant 16 : i32
        %parallel_loop3A_704 = arith.muli %parallel_loop3A_550, %parallel_loop3A_703 : i32
        %parallel_loop3A_705 = arith.constant 1 : i32
        %parallel_loop3A_706 = arith.constant 12 : i32
        %parallel_loop3A_707 = arith.index_cast %parallel_loop3A_705 : i32 to index
        %parallel_loop3A_708 = arith.index_cast %parallel_loop3A_706 : i32 to index
        %parallel_loop3A_709 = arith.index_cast %parallel_loop3A_704 : i32 to index
        %parallel_loop3A_710 = tpu.vector_load %arg5[%parallel_loop3A_707, %parallel_loop3A_708, %parallel_loop3A_709] {strides = array<i32>} : memref<2x16x1024xi32, #tpu.memory_space<vmem>>, vector<16xi32>,
        %parallel_loop3A_711 = arith.sitofp %parallel_loop3A_710 : vector<16xi32> to vector<16xf32>
        %parallel_loop3A_712 = arith.mulf %parallel_loop3A_570, %parallel_loop3A_711 : vector<16xf32>
        %parallel_loop3A_713 = arith.addf %parallel_loop3A_563, %parallel_loop3A_712 : vector<16xf32>
        %parallel_loop3A_714 = arith.constant 16 : i32
        %parallel_loop3A_715 = arith.muli %parallel_loop3A_550, %parallel_loop3A_714 : i32
        %parallel_loop3A_716 = arith.constant 1 : i32
        %parallel_loop3A_717 = arith.constant 13 : i32
        %parallel_loop3A_718 = arith.index_cast %parallel_loop3A_716 : i32 to index
        %parallel_loop3A_719 = arith.index_cast %parallel_loop3A_717 : i32 to index
        %parallel_loop3A_720 = arith.index_cast %parallel_loop3A_715 : i32 to index
        %parallel_loop3A_721 = tpu.vector_load %arg5[%parallel_loop3A_718, %parallel_loop3A_719, %parallel_loop3A_720] {strides = array<i32>} : memref<2x16x1024xi32, #tpu.memory_space<vmem>>, vector<16xi32>,
        %parallel_loop3A_722 = arith.sitofp %parallel_loop3A_721 : vector<16xi32> to vector<16xf32>
        %parallel_loop3A_723 = arith.mulf %parallel_loop3A_570, %parallel_loop3A_722 : vector<16xf32>
        %parallel_loop3A_724 = arith.addf %parallel_loop3A_564, %parallel_loop3A_723 : vector<16xf32>
        %parallel_loop3A_725 = arith.constant 16 : i32
        %parallel_loop3A_726 = arith.muli %parallel_loop3A_550, %parallel_loop3A_725 : i32
        %parallel_loop3A_727 = arith.constant 1 : i32
        %parallel_loop3A_728 = arith.constant 14 : i32
        %parallel_loop3A_729 = arith.index_cast %parallel_loop3A_727 : i32 to index
        %parallel_loop3A_730 = arith.index_cast %parallel_loop3A_728 : i32 to index
        %parallel_loop3A_731 = arith.index_cast %parallel_loop3A_726 : i32 to index
        %parallel_loop3A_732 = tpu.vector_load %arg5[%parallel_loop3A_729, %parallel_loop3A_730, %parallel_loop3A_731] {strides = array<i32>} : memref<2x16x1024xi32, #tpu.memory_space<vmem>>, vector<16xi32>,
        %parallel_loop3A_733 = arith.sitofp %parallel_loop3A_732 : vector<16xi32> to vector<16xf32>
        %parallel_loop3A_734 = arith.mulf %parallel_loop3A_570, %parallel_loop3A_733 : vector<16xf32>
        %parallel_loop3A_735 = arith.addf %parallel_loop3A_565, %parallel_loop3A_734 : vector<16xf32>
        %parallel_loop3A_736 = arith.constant 16 : i32
        %parallel_loop3A_737 = arith.muli %parallel_loop3A_550, %parallel_loop3A_736 : i32
        %parallel_loop3A_738 = arith.constant 1 : i32
        %parallel_loop3A_739 = arith.constant 15 : i32
        %parallel_loop3A_740 = arith.index_cast %parallel_loop3A_738 : i32 to index
        %parallel_loop3A_741 = arith.index_cast %parallel_loop3A_739 : i32 to index
        %parallel_loop3A_742 = arith.index_cast %parallel_loop3A_737 : i32 to index
        %parallel_loop3A_743 = tpu.vector_load %arg5[%parallel_loop3A_740, %parallel_loop3A_741, %parallel_loop3A_742] {strides = array<i32>} : memref<2x16x1024xi32, #tpu.memory_space<vmem>>, vector<16xi32>,
        %parallel_loop3A_744 = arith.sitofp %parallel_loop3A_743 : vector<16xi32> to vector<16xf32>
        %parallel_loop3A_745 = arith.mulf %parallel_loop3A_570, %parallel_loop3A_744 : vector<16xf32>
        %parallel_loop3A_746 = arith.addf %parallel_loop3A_566, %parallel_loop3A_745 : vector<16xf32>
        scf.yield %parallel_loop3A_581, %parallel_loop3A_592, %parallel_loop3A_603, %parallel_loop3A_614, %parallel_loop3A_625, %parallel_loop3A_636, %parallel_loop3A_647, %parallel_loop3A_658, %parallel_loop3A_669, %parallel_loop3A_680, %parallel_loop3A_691, %parallel_loop3A_702, %parallel_loop3A_713, %parallel_loop3A_724, %parallel_loop3A_735, %parallel_loop3A_746 : vector<16xf32>, vector<16xf32>, vector<16xf32>, vector<16xf32>, vector<16xf32>, vector<16xf32>, vector<16xf32>, vector<16xf32>, vector<16xf32>, vector<16xf32>, vector<16xf32>, vector<16xf32>, vector<16xf32>, vector<16xf32>, vector<16xf32>, vector<16xf32>
      } {sc.loop_unroll_factor = 4 : i64, sc.parallel_access}
      %add3A_411 = arith.constant 2 : i32
      %add3A_412 = arith.addi %add3A_361, %add3A_411 : i32
      %lt3A_413 = arith.constant 32 : i32
      %lt3A_414 = arith.cmpi slt, %add3A_412, %lt3A_413 : i32
      %convert_element_type3A_415 = arith.extui %lt3A_414 : i1 to i32
      %cond3A_416 = arith.constant 0 : i32
      %cond3A_417 = arith.cmpi ne, %convert_element_type3A_415, %cond3A_416 : i32
      scf.if %cond3A_417 {
        %add3A_550 = arith.constant 2 : i32
        %add3A_551 = arith.addi %add3A_361, %add3A_550 : i32
        %mul3A_552 = arith.constant 16 : i32
        %mul3A_553 = arith.muli %add3A_551, %mul3A_552 : i32
        %add3A_554 = arith.addi %mul3A_2, %mul3A_553 : i32
        %dma_start3A_555 = arith.constant 1 : i32
        %dma_start3A_556 = arith.constant 0 : i32
        %dma_start3A_557 = arith.constant 0 : i32
        %dma_start3A_558 = tpu.memref_slice %arg5[%dma_start3A_555, %dma_start3A_556, %dma_start3A_557] : memref<2x16x1024xi32, #tpu.memory_space<vmem>> -> memref<1x16x1024xi32, #tpu.memory_space<vmem>>
        %dma_start3A_559 = tpu.memref_squeeze %dma_start3A_558 : memref<1x16x1024xi32, #tpu.memory_space<vmem>> -> memref<16x1024xi32, #tpu.memory_space<vmem>>
        %dma_start3A_560 = arith.constant 0 : i32
        %dma_start3A_561 = tpu.memref_slice %arg2[%add3A_554, %dma_start3A_560] : memref<16384x1024xi32, #tpu.memory_space<hbm>> -> memref<16x1024xi32, #tpu.memory_space<hbm>>
        %dma_start3A_562 = arith.constant 0 : i32
        %dma_start3A_563 = arith.constant 0 : i32
        %dma_start3A_564 = tpu.memref_slice %arg5[%dma_start3A_555, %dma_start3A_562, %dma_start3A_563] : memref<2x16x1024xi32, #tpu.memory_space<vmem>> -> memref<1x16x1024xi32, #tpu.memory_space<vmem>>
        %dma_start3A_565 = tpu.memref_squeeze %dma_start3A_564 : memref<1x16x1024xi32, #tpu.memory_space<vmem>> -> memref<16x1024xi32, #tpu.memory_space<vmem>>
        %dma_start3A_566 = arith.constant 0 : i32
        %dma_start3A_567 = tpu.memref_slice %arg2[%add3A_554, %dma_start3A_566] : memref<16384x1024xi32, #tpu.memory_space<hbm>> -> memref<16x1024xi32, #tpu.memory_space<hbm>>
        tpu.enqueue_dma source(%dma_start3A_567 : memref<16x1024xi32, #tpu.memory_space<hbm>>) target(%dma_start3A_565 : memref<16x1024xi32, #tpu.memory_space<vmem>>) target_semaphore(%arg11 : memref<!tpu.dma_semaphore, #tpu.memory_space<semaphore_mem>>)
      } else {
      }
      %swap3A_418 = arith.constant 0 : i32
      %swap3A_419 = arith.index_cast %swap3A_418 : i32 to index
      %swap3A_420 = arith.constant 0 : index
      %swap3A_421 = tpu.vector_load %arg9[%swap3A_419, %swap3A_420] {strides = array<i32>} : memref<16x16xf32, #tpu.memory_space<vmem>>, vector<16xf32>,
      tpu.vector_store %arg9[%swap3A_419, %swap3A_420], %parallel_loop3A_410#0 {strides = array<i32>} : memref<16x16xf32, #tpu.memory_space<vmem>>, vector<16xf32>,
      %swap3A_422 = arith.constant 1 : i32
      %swap3A_423 = arith.index_cast %swap3A_422 : i32 to index
      %swap3A_424 = arith.constant 0 : index
      %swap3A_425 = tpu.vector_load %arg9[%swap3A_423, %swap3A_424] {strides = array<i32>} : memref<16x16xf32, #tpu.memory_space<vmem>>, vector<16xf32>,
      tpu.vector_store %arg9[%swap3A_423, %swap3A_424], %parallel_loop3A_410#1 {strides = array<i32>} : memref<16x16xf32, #tpu.memory_space<vmem>>, vector<16xf32>,
      %swap3A_426 = arith.constant 2 : i32
      %swap3A_427 = arith.index_cast %swap3A_426 : i32 to index
      %swap3A_428 = arith.constant 0 : index
      %swap3A_429 = tpu.vector_load %arg9[%swap3A_427, %swap3A_428] {strides = array<i32>} : memref<16x16xf32, #tpu.memory_space<vmem>>, vector<16xf32>,
      tpu.vector_store %arg9[%swap3A_427, %swap3A_428], %parallel_loop3A_410#2 {strides = array<i32>} : memref<16x16xf32, #tpu.memory_space<vmem>>, vector<16xf32>,
      %swap3A_430 = arith.constant 3 : i32
      %swap3A_431 = arith.index_cast %swap3A_430 : i32 to index
      %swap3A_432 = arith.constant 0 : index
      %swap3A_433 = tpu.vector_load %arg9[%swap3A_431, %swap3A_432] {strides = array<i32>} : memref<16x16xf32, #tpu.memory_space<vmem>>, vector<16xf32>,
      tpu.vector_store %arg9[%swap3A_431, %swap3A_432], %parallel_loop3A_410#3 {strides = array<i32>} : memref<16x16xf32, #tpu.memory_space<vmem>>, vector<16xf32>,
      %swap3A_434 = arith.constant 4 : i32
      %swap3A_435 = arith.index_cast %swap3A_434 : i32 to index
      %swap3A_436 = arith.constant 0 : index
      %swap3A_437 = tpu.vector_load %arg9[%swap3A_435, %swap3A_436] {strides = array<i32>} : memref<16x16xf32, #tpu.memory_space<vmem>>, vector<16xf32>,
      tpu.vector_store %arg9[%swap3A_435, %swap3A_436], %parallel_loop3A_410#4 {strides = array<i32>} : memref<16x16xf32, #tpu.memory_space<vmem>>, vector<16xf32>,
      %swap3A_438 = arith.constant 5 : i32
      %swap3A_439 = arith.index_cast %swap3A_438 : i32 to index
      %swap3A_440 = arith.constant 0 : index
      %swap3A_441 = tpu.vector_load %arg9[%swap3A_439, %swap3A_440] {strides = array<i32>} : memref<16x16xf32, #tpu.memory_space<vmem>>, vector<16xf32>,
      tpu.vector_store %arg9[%swap3A_439, %swap3A_440], %parallel_loop3A_410#5 {strides = array<i32>} : memref<16x16xf32, #tpu.memory_space<vmem>>, vector<16xf32>,
      %swap3A_442 = arith.constant 6 : i32
      %swap3A_443 = arith.index_cast %swap3A_442 : i32 to index
      %swap3A_444 = arith.constant 0 : index
      %swap3A_445 = tpu.vector_load %arg9[%swap3A_443, %swap3A_444] {strides = array<i32>} : memref<16x16xf32, #tpu.memory_space<vmem>>, vector<16xf32>,
      tpu.vector_store %arg9[%swap3A_443, %swap3A_444], %parallel_loop3A_410#6 {strides = array<i32>} : memref<16x16xf32, #tpu.memory_space<vmem>>, vector<16xf32>,
      %swap3A_446 = arith.constant 7 : i32
      %swap3A_447 = arith.index_cast %swap3A_446 : i32 to index
      %swap3A_448 = arith.constant 0 : index
      %swap3A_449 = tpu.vector_load %arg9[%swap3A_447, %swap3A_448] {strides = array<i32>} : memref<16x16xf32, #tpu.memory_space<vmem>>, vector<16xf32>,
      tpu.vector_store %arg9[%swap3A_447, %swap3A_448], %parallel_loop3A_410#7 {strides = array<i32>} : memref<16x16xf32, #tpu.memory_space<vmem>>, vector<16xf32>,
      %swap3A_450 = arith.constant 8 : i32
      %swap3A_451 = arith.index_cast %swap3A_450 : i32 to index
      %swap3A_452 = arith.constant 0 : index
      %swap3A_453 = tpu.vector_load %arg9[%swap3A_451, %swap3A_452] {strides = array<i32>} : memref<16x16xf32, #tpu.memory_space<vmem>>, vector<16xf32>,
      tpu.vector_store %arg9[%swap3A_451, %swap3A_452], %parallel_loop3A_410#8 {strides = array<i32>} : memref<16x16xf32, #tpu.memory_space<vmem>>, vector<16xf32>,
      %swap3A_454 = arith.constant 9 : i32
      %swap3A_455 = arith.index_cast %swap3A_454 : i32 to index
      %swap3A_456 = arith.constant 0 : index
      %swap3A_457 = tpu.vector_load %arg9[%swap3A_455, %swap3A_456] {strides = array<i32>} : memref<16x16xf32, #tpu.memory_space<vmem>>, vector<16xf32>,
      tpu.vector_store %arg9[%swap3A_455, %swap3A_456], %parallel_loop3A_410#9 {strides = array<i32>} : memref<16x16xf32, #tpu.memory_space<vmem>>, vector<16xf32>,
      %swap3A_458 = arith.constant 10 : i32
      %swap3A_459 = arith.index_cast %swap3A_458 : i32 to index
      %swap3A_460 = arith.constant 0 : index
      %swap3A_461 = tpu.vector_load %arg9[%swap3A_459, %swap3A_460] {strides = array<i32>} : memref<16x16xf32, #tpu.memory_space<vmem>>, vector<16xf32>,
      tpu.vector_store %arg9[%swap3A_459, %swap3A_460], %parallel_loop3A_410#10 {strides = array<i32>} : memref<16x16xf32, #tpu.memory_space<vmem>>, vector<16xf32>,
      %swap3A_462 = arith.constant 11 : i32
      %swap3A_463 = arith.index_cast %swap3A_462 : i32 to index
      %swap3A_464 = arith.constant 0 : index
      %swap3A_465 = tpu.vector_load %arg9[%swap3A_463, %swap3A_464] {strides = array<i32>} : memref<16x16xf32, #tpu.memory_space<vmem>>, vector<16xf32>,
      tpu.vector_store %arg9[%swap3A_463, %swap3A_464], %parallel_loop3A_410#11 {strides = array<i32>} : memref<16x16xf32, #tpu.memory_space<vmem>>, vector<16xf32>,
      %swap3A_466 = arith.constant 12 : i32
      %swap3A_467 = arith.index_cast %swap3A_466 : i32 to index
      %swap3A_468 = arith.constant 0 : index
      %swap3A_469 = tpu.vector_load %arg9[%swap3A_467, %swap3A_468] {strides = array<i32>} : memref<16x16xf32, #tpu.memory_space<vmem>>, vector<16xf32>,
      tpu.vector_store %arg9[%swap3A_467, %swap3A_468], %parallel_loop3A_410#12 {strides = array<i32>} : memref<16x16xf32, #tpu.memory_space<vmem>>, vector<16xf32>,
      %swap3A_470 = arith.constant 13 : i32
      %swap3A_471 = arith.index_cast %swap3A_470 : i32 to index
      %swap3A_472 = arith.constant 0 : index
      %swap3A_473 = tpu.vector_load %arg9[%swap3A_471, %swap3A_472] {strides = array<i32>} : memref<16x16xf32, #tpu.memory_space<vmem>>, vector<16xf32>,
      tpu.vector_store %arg9[%swap3A_471, %swap3A_472], %parallel_loop3A_410#13 {strides = array<i32>} : memref<16x16xf32, #tpu.memory_space<vmem>>, vector<16xf32>,
      %swap3A_474 = arith.constant 14 : i32
      %swap3A_475 = arith.index_cast %swap3A_474 : i32 to index
      %swap3A_476 = arith.constant 0 : index
      %swap3A_477 = tpu.vector_load %arg9[%swap3A_475, %swap3A_476] {strides = array<i32>} : memref<16x16xf32, #tpu.memory_space<vmem>>, vector<16xf32>,
      tpu.vector_store %arg9[%swap3A_475, %swap3A_476], %parallel_loop3A_410#14 {strides = array<i32>} : memref<16x16xf32, #tpu.memory_space<vmem>>, vector<16xf32>,
      %swap3A_478 = arith.constant 15 : i32
      %swap3A_479 = arith.index_cast %swap3A_478 : i32 to index
      %swap3A_480 = arith.constant 0 : index
      %swap3A_481 = tpu.vector_load %arg9[%swap3A_479, %swap3A_480] {strides = array<i32>} : memref<16x16xf32, #tpu.memory_space<vmem>>, vector<16xf32>,
      tpu.vector_store %arg9[%swap3A_479, %swap3A_480], %parallel_loop3A_410#15 {strides = array<i32>} : memref<16x16xf32, #tpu.memory_space<vmem>>, vector<16xf32>,
      %broadcast_in_dim3A_482 = arith.constant 0 : i32
      %broadcast_in_dim3A_483 = vector.broadcast %broadcast_in_dim3A_482 : i32 to vector<16xi32>
      %gather3A_484 = tpu.vector_load_idx %arg9[%iota3A, %broadcast_in_dim3A_483] : memref<16x16xf32, #tpu.memory_space<vmem>>[vector<16xi32>, vector<16xi32>], vector<16xf32>,
      %add3A_485 = arith.addf %add3A_165, %gather3A_484 : vector<16xf32>
      %broadcast_in_dim3A_486 = arith.constant 1 : i32
      %broadcast_in_dim3A_487 = vector.broadcast %broadcast_in_dim3A_486 : i32 to vector<16xi32>
      %gather3A_488 = tpu.vector_load_idx %arg9[%iota3A, %broadcast_in_dim3A_487] : memref<16x16xf32, #tpu.memory_space<vmem>>[vector<16xi32>, vector<16xi32>], vector<16xf32>,
      %add3A_489 = arith.addf %add3A_485, %gather3A_488 : vector<16xf32>
      %broadcast_in_dim3A_490 = arith.constant 2 : i32
      %broadcast_in_dim3A_491 = vector.broadcast %broadcast_in_dim3A_490 : i32 to vector<16xi32>
      %gather3A_492 = tpu.vector_load_idx %arg9[%iota3A, %broadcast_in_dim3A_491] : memref<16x16xf32, #tpu.memory_space<vmem>>[vector<16xi32>, vector<16xi32>], vector<16xf32>,
      %add3A_493 = arith.addf %add3A_489, %gather3A_492 : vector<16xf32>
      %broadcast_in_dim3A_494 = arith.constant 3 : i32
      %broadcast_in_dim3A_495 = vector.broadcast %broadcast_in_dim3A_494 : i32 to vector<16xi32>
      %gather3A_496 = tpu.vector_load_idx %arg9[%iota3A, %broadcast_in_dim3A_495] : memref<16x16xf32, #tpu.memory_space<vmem>>[vector<16xi32>, vector<16xi32>], vector<16xf32>,
      %add3A_497 = arith.addf %add3A_493, %gather3A_496 : vector<16xf32>
      %broadcast_in_dim3A_498 = arith.constant 4 : i32
      %broadcast_in_dim3A_499 = vector.broadcast %broadcast_in_dim3A_498 : i32 to vector<16xi32>
      %gather3A_500 = tpu.vector_load_idx %arg9[%iota3A, %broadcast_in_dim3A_499] : memref<16x16xf32, #tpu.memory_space<vmem>>[vector<16xi32>, vector<16xi32>], vector<16xf32>,
      %add3A_501 = arith.addf %add3A_497, %gather3A_500 : vector<16xf32>
      %broadcast_in_dim3A_502 = arith.constant 5 : i32
      %broadcast_in_dim3A_503 = vector.broadcast %broadcast_in_dim3A_502 : i32 to vector<16xi32>
      %gather3A_504 = tpu.vector_load_idx %arg9[%iota3A, %broadcast_in_dim3A_503] : memref<16x16xf32, #tpu.memory_space<vmem>>[vector<16xi32>, vector<16xi32>], vector<16xf32>,
      %add3A_505 = arith.addf %add3A_501, %gather3A_504 : vector<16xf32>
      %broadcast_in_dim3A_506 = arith.constant 6 : i32
      %broadcast_in_dim3A_507 = vector.broadcast %broadcast_in_dim3A_506 : i32 to vector<16xi32>
      %gather3A_508 = tpu.vector_load_idx %arg9[%iota3A, %broadcast_in_dim3A_507] : memref<16x16xf32, #tpu.memory_space<vmem>>[vector<16xi32>, vector<16xi32>], vector<16xf32>,
      %add3A_509 = arith.addf %add3A_505, %gather3A_508 : vector<16xf32>
      %broadcast_in_dim3A_510 = arith.constant 7 : i32
      %broadcast_in_dim3A_511 = vector.broadcast %broadcast_in_dim3A_510 : i32 to vector<16xi32>
      %gather3A_512 = tpu.vector_load_idx %arg9[%iota3A, %broadcast_in_dim3A_511] : memref<16x16xf32, #tpu.memory_space<vmem>>[vector<16xi32>, vector<16xi32>], vector<16xf32>,
      %add3A_513 = arith.addf %add3A_509, %gather3A_512 : vector<16xf32>
      %broadcast_in_dim3A_514 = arith.constant 8 : i32
      %broadcast_in_dim3A_515 = vector.broadcast %broadcast_in_dim3A_514 : i32 to vector<16xi32>
      %gather3A_516 = tpu.vector_load_idx %arg9[%iota3A, %broadcast_in_dim3A_515] : memref<16x16xf32, #tpu.memory_space<vmem>>[vector<16xi32>, vector<16xi32>], vector<16xf32>,
      %add3A_517 = arith.addf %add3A_513, %gather3A_516 : vector<16xf32>
      %broadcast_in_dim3A_518 = arith.constant 9 : i32
      %broadcast_in_dim3A_519 = vector.broadcast %broadcast_in_dim3A_518 : i32 to vector<16xi32>
      %gather3A_520 = tpu.vector_load_idx %arg9[%iota3A, %broadcast_in_dim3A_519] : memref<16x16xf32, #tpu.memory_space<vmem>>[vector<16xi32>, vector<16xi32>], vector<16xf32>,
      %add3A_521 = arith.addf %add3A_517, %gather3A_520 : vector<16xf32>
      %broadcast_in_dim3A_522 = arith.constant 10 : i32
      %broadcast_in_dim3A_523 = vector.broadcast %broadcast_in_dim3A_522 : i32 to vector<16xi32>
      %gather3A_524 = tpu.vector_load_idx %arg9[%iota3A, %broadcast_in_dim3A_523] : memref<16x16xf32, #tpu.memory_space<vmem>>[vector<16xi32>, vector<16xi32>], vector<16xf32>,
      %add3A_525 = arith.addf %add3A_521, %gather3A_524 : vector<16xf32>
      %broadcast_in_dim3A_526 = arith.constant 11 : i32
      %broadcast_in_dim3A_527 = vector.broadcast %broadcast_in_dim3A_526 : i32 to vector<16xi32>
      %gather3A_528 = tpu.vector_load_idx %arg9[%iota3A, %broadcast_in_dim3A_527] : memref<16x16xf32, #tpu.memory_space<vmem>>[vector<16xi32>, vector<16xi32>], vector<16xf32>,
      %add3A_529 = arith.addf %add3A_525, %gather3A_528 : vector<16xf32>
      %broadcast_in_dim3A_530 = arith.constant 12 : i32
      %broadcast_in_dim3A_531 = vector.broadcast %broadcast_in_dim3A_530 : i32 to vector<16xi32>
      %gather3A_532 = tpu.vector_load_idx %arg9[%iota3A, %broadcast_in_dim3A_531] : memref<16x16xf32, #tpu.memory_space<vmem>>[vector<16xi32>, vector<16xi32>], vector<16xf32>,
      %add3A_533 = arith.addf %add3A_529, %gather3A_532 : vector<16xf32>
      %broadcast_in_dim3A_534 = arith.constant 13 : i32
      %broadcast_in_dim3A_535 = vector.broadcast %broadcast_in_dim3A_534 : i32 to vector<16xi32>
      %gather3A_536 = tpu.vector_load_idx %arg9[%iota3A, %broadcast_in_dim3A_535] : memref<16x16xf32, #tpu.memory_space<vmem>>[vector<16xi32>, vector<16xi32>], vector<16xf32>,
      %add3A_537 = arith.addf %add3A_533, %gather3A_536 : vector<16xf32>
      %broadcast_in_dim3A_538 = arith.constant 14 : i32
      %broadcast_in_dim3A_539 = vector.broadcast %broadcast_in_dim3A_538 : i32 to vector<16xi32>
      %gather3A_540 = tpu.vector_load_idx %arg9[%iota3A, %broadcast_in_dim3A_539] : memref<16x16xf32, #tpu.memory_space<vmem>>[vector<16xi32>, vector<16xi32>], vector<16xf32>,
      %add3A_541 = arith.addf %add3A_537, %gather3A_540 : vector<16xf32>
      %broadcast_in_dim3A_542 = arith.constant 15 : i32
      %broadcast_in_dim3A_543 = vector.broadcast %broadcast_in_dim3A_542 : i32 to vector<16xi32>
      %gather3A_544 = tpu.vector_load_idx %arg9[%iota3A, %broadcast_in_dim3A_543] : memref<16x16xf32, #tpu.memory_space<vmem>>[vector<16xi32>, vector<16xi32>], vector<16xf32>,
      %add3A_545 = arith.addf %add3A_541, %gather3A_544 : vector<16xf32>
      %mul3A_546 = arith.constant 16 : i32
      %mul3A_547 = arith.muli %add3A_361, %mul3A_546 : i32
      %swap3A_548 = arith.index_cast %mul3A_547 : i32 to index
      %swap3A_549 = tpu.vector_load %arg8[%swap3A_548] {strides = array<i32>} : memref<512xf32, #tpu.memory_space<vmem>>, vector<16xf32>,
      tpu.vector_store %arg8[%swap3A_548], %add3A_545 {strides = array<i32>} : memref<512xf32, #tpu.memory_space<vmem>>, vector<16xf32>,
    }
    %scan3A_171 = arith.constant 16 : i32
    "tpu.region"() ({
      %run_scoped3A = tpu.sem_alloc : memref<!tpu.dma_semaphore, #tpu.memory_space<semaphore_mem>>
      %dma_start3A_172 = tpu.memref_slice %arg4[%mul3A_2] : memref<16384xf32, #tpu.memory_space<hbm>> -> memref<512xf32, #tpu.memory_space<hbm>>
      %dma_start3A_173 = tpu.memref_slice %arg4[%mul3A_2] : memref<16384xf32, #tpu.memory_space<hbm>> -> memref<512xf32, #tpu.memory_space<hbm>>
      tpu.enqueue_dma source(%arg8 : memref<512xf32, #tpu.memory_space<vmem>>) target(%dma_start3A_173 : memref<512xf32, #tpu.memory_space<hbm>>) target_semaphore(%run_scoped3A : memref<!tpu.dma_semaphore, #tpu.memory_space<semaphore_mem>>)
      %dma_wait3A = tpu.memref_slice %arg4[%mul3A_2] : memref<16384xf32, #tpu.memory_space<hbm>> -> memref<512xf32, #tpu.memory_space<hbm>>
      %dma_wait3A_174 = tpu.memref_slice %arg4[%mul3A_2] : memref<16384xf32, #tpu.memory_space<hbm>> -> memref<512xf32, #tpu.memory_space<hbm>>
      tpu.wait_dma2 semaphore(%run_scoped3A : memref<!tpu.dma_semaphore, #tpu.memory_space<semaphore_mem>>) src(%arg8 : memref<512xf32, #tpu.memory_space<vmem>>) dst(%dma_wait3A_174 : memref<512xf32, #tpu.memory_space<hbm>>)
      tpu.yield
    }) : () -> ()
    return
  }
}

</mosaic_0001>

<sc_bundles>
// kernel: kernel.3.cloned.1.call-start
scs
__scs_entry_jumppad:
0x0: {  	(pc) =	sbr.rel $0x88, $3  }
0x1: {  	(tag) =	ssettag $0x0;
	lr =	simm.s32 $0x1  }
0x2: {  	[smem:$0x3F9F] =	sst lr;
	_ =	strace $0xD0000000  }
0x3: {  	_ = 	snop  }
0x4: {  	_ = 	snop  }
0x5: {  	_ = 	snop  }
0x6: {  	_ = 	snop  }
0x7: {  	_ = 	snop  }
__scs_overlays_trampoline_lowered:
0x8: {  	[smem:$0x3FAE] =	sst s0  }
0x9: {  	[smem:$0x3FAF] =	sst s1  }
0xa: {  	[smem:$0x3FB0] =	sst s2  }
0xb: {  	[smem:$0x3FB1] =	sst s3  }
0xc: {  	[smem:$0x3FB2] =	sst s4  }
0xd: {  	[smem:$0x3FB3] =	sst s5  }
0xe: {  	[smem:$0x3FB4] =	sst s6  }
0xf: {  	[smem:$0x3FB5] =	sst s7  }
0x10: {  	[smem:$0x3FB6] =	sst s8  }
0x11: {  	[smem:$0x3FB7] =	sst s9;
	s0 =	simm.s32 @!p0 $0x0  }
0x12: {  	s1 =	sld [smem:$0x3F9D];
	s0 =	simm.s32 @p0 $0x1  }
0x13: {  	[smem:$0x3FB8] =	sst s0;
	s0 =	simm.s32 @!p1 $0x0  }
0x14: {  	s2 =	sld [smem:$0x3F9C];
	s0 =	simm.s32 @p1 $0x1  }
0x15: {  	[smem:$0x3FB9] =	sst s0;
	s0 =	simm.s32 @!p2 $0x0  }
0x16: {  	s3 =	sld [smem:$0x3FDB];
	s0 =	simm.s32 @p2 $0x1  }
0x17: {  	s4 =	simm.s32 $0x1BF5;
	[smem:$0x3FBB] =	sst s0  }
0x18: {  	s0 =	sld [smem:$0x3F9E];
	_ =	swait.ge [sflag:s4], $0x0  }
0x19: {  	s7 =	sld [smem:$0x3F9F]  }
0x1a: {  	s8 =	sadd.s32 $0xFFFFE003, lr  }
0x1b: {  	s9 =	sadd.s32 $0xFFFFFEF7, lr;
	s5 =	simm.s32 $0xFFFFFFFF;
	p2 =	slt.u32 s8, $0xFFFFF086  }
0x1c: {  	p1 =	slt.u32 s9, $0xF7A;
	s5 =	simm.s32 @!p2 $0x0  }
0x1d: {  	s5 =	simm.s32 @p1 $0x1;
	p0 =	seq.s32 s7, s2  }
0x1e: {  	s7 =	smul.u32 @!p0 $0xF7A, s2;
	p2 =	seq.s32 @!p0 s5, $0x0  }
0x1f: {  	s9 =	smul.u32 $0xF7A, s1;
	s8 =	simm.s32 @!p0 $0x1BF5;
	p2 =	por !p2, p0  }
0x20: {  	[sflag:s8] =	ssyncset.s32 @!p0 $0xFFFFF086;
	s6 =	sadd.s32 @!p0 s3, s7;
	s7 =	simm.s32 @!p0 $0x108  }
0x21: {  	s3 =	sadd.s32 s3, s9;
	s6 =	sadd.s32 @!p0 $0x88, s6;
	s7 =	simm.s32 @p2 $0x1082  }
0x22: {  	[simem:s7], [sflag:s8] =	dma.local @!p0 [hbm:s6], $0xF7A  }
0x23: {  	s9 =	sor.u32 $0xD0000000, s2;
	s6 =	simm.s32 $0x108;
	_ =	swait.ge @!p0 [sflag:s8], $0x0  }
0x24: {  	s3 =	sadd.s32 $0x88, s3;
	s6 =	simm.s32 @!p1 $0x1082;
	[sflag:s4] =	ssyncset.s32 $0xFFFFF086  }
0x25: {  	[simem:s6], [sflag:s4] =	dma.local [hbm:s3], $0xF7A  }
0x26: {  	[smem:$0x3F9F] =	sst s1;
	(tag) =	ssettag s2;
	_ =	strace s9  }
0x27: {  	s1 =	sld [smem:$0x3FAF]  }
0x28: {  	s2 =	sld [smem:$0x3FB0]  }
0x29: {  	s4 =	sld [smem:$0x3FB2]  }
0x2a: {  	p0 =	seq.s32 s5, $0x0;
	s5 =	sld [smem:$0x3FB3]  }
0x2b: {  	s6 =	sld [smem:$0x3FB4]  }
0x2c: {  	s7 =	sld [smem:$0x3FB5]  }
0x2d: {  	s3 =	simm.s32 $0x108;
	s8 =	sld [smem:$0x3FB6]  }
0x2e: {  	s3 =	simm.s32 @!p0 $0x1082;
	s9 =	sld [smem:$0x3FB7]  }
0x2f: {  	lr =	sadd.s32 s0, s3;
	s0 =	sld [smem:$0x3FAE]  }
0x30: {  	s3 =	sld [smem:$0x3FB1]  }
0x31: {  	[smem:$0x3FBA] =	sst s10  }
0x32: {  	s10 =	sld [smem:$0x3FB8];
	_ =	sdelay $0x3  }
0x33: {  	p0 =	seq.s32 s10, $0x1;
	s10 =	sld [smem:$0x3FBA];
	_ =	sdelay $0x3  }
0x34: {  	[smem:$0x3FBA] =	sst s10  }
0x35: {  	s10 =	sld [smem:$0x3FB9];
	_ =	sdelay $0x3  }
0x36: {  	p1 =	seq.s32 s10, $0x1;
	s10 =	sld [smem:$0x3FBA];
	_ =	sdelay $0x3  }
0x37: {  	[smem:$0x3FBA] =	sst s10  }
0x38: {  	s10 =	sld [smem:$0x3FBB]  }
0x39: {  	_ = 	snop;
	(pc) =	sbr.ind lr, $3  }
0x3a: {  	_ = 	snop  }
0x3b: {  	_ = 	snop  }
0x3c: {  	p2 =	seq.s32 s10, $0x1;
	s10 =	sld [smem:$0x3FBA]  }
0x3d: {  	_ =	shalt  }
0x3e: {  	_ =	shalt  }
0x3f: {  	_ =	shalt  }
0x40: {  	_ =	shalt  }
0x41: {  	_ =	shalt  }
0x42: {  	_ =	shalt  }
0x43: {  	_ =	shalt  }
0x44: {  	_ =	shalt  }
0x45: {  	_ =	shalt  }
0x46: {  	_ =	shalt  }
0x47: {  	_ =	shalt  }
0x48: {  	_ =	shalt  }
0x49: {  	_ =	shalt  }
0x4a: {  	_ =	shalt  }
0x4b: {  	_ =	shalt  }
0x4c: {  	_ =	shalt  }
0x4d: {  	_ =	shalt  }
0x4e: {  	_ =	shalt  }
0x4f: {  	_ =	shalt  }
0x50: {  	_ =	shalt  }
0x51: {  	_ =	shalt  }
0x52: {  	_ =	shalt  }
0x53: {  	_ =	shalt  }
0x54: {  	_ =	shalt  }
0x55: {  	_ =	shalt  }
0x56: {  	_ =	shalt  }
0x57: {  	_ =	shalt  }
0x58: {  	_ =	shalt  }
0x59: {  	_ =	shalt  }
0x5a: {  	_ =	shalt  }
0x5b: {  	_ =	shalt  }
0x5c: {  	_ =	shalt  }
0x5d: {  	_ =	shalt  }
0x5e: {  	_ =	shalt  }
0x5f: {  	_ =	shalt  }
0x60: {  	_ =	shalt  }
0x61: {  	_ =	shalt  }
0x62: {  	_ =	shalt  }
0x63: {  	_ =	shalt  }
0x64: {  	_ =	shalt  }
0x65: {  	_ =	shalt  }
0x66: {  	_ =	shalt  }
0x67: {  	_ =	shalt  }
0x68: {  	_ =	shalt  }
0x69: {  	_ =	shalt  }
0x6a: {  	_ =	shalt  }
0x6b: {  	_ =	shalt  }
0x6c: {  	_ =	shalt  }
0x6d: {  	_ =	shalt  }
0x6e: {  	_ =	shalt  }
0x6f: {  	_ =	shalt  }
0x70: {  	_ =	shalt  }
0x71: {  	_ =	shalt  }
0x72: {  	_ =	shalt  }
0x73: {  	_ =	shalt  }
0x74: {  	_ =	shalt  }
0x75: {  	_ =	shalt  }
0x76: {  	_ =	shalt  }
0x77: {  	_ =	shalt  }
0x78: {  	_ =	shalt  }
0x79: {  	_ =	shalt  }
0x7a: {  	_ =	shalt  }
0x7b: {  	_ =	shalt  }
0x7c: {  	_ =	shalt  }
0x7d: {  	_ =	shalt  }
0x7e: {  	_ =	shalt  }
0x7f: {  	_ =	shalt  }
0x80: {  	_ =	shalt  }
0x81: {  	_ =	shalt  }
0x82: {  	_ =	shalt  }
0x83: {  	_ =	shalt  }
0x84: {  	_ =	shalt  }
0x85: {  	_ =	shalt  }
0x86: {  	_ =	shalt  }
0x87: {  	_ =	shalt  }
.Lfunc_end0:
.L_simem_size_0:
called_computation_lowered:
.L_overlay_start_0:
0x88: {  	s2 =	sld [smem:$0x3FD9]  }
0x89: {  	s3 =	sld [smem:$0x3FFE];
	_ =	sdelay $0x1  }
0x8a: {  	s1 =	srdreg.scid  }
0x8b: {  	s0 =	sand.u32 $0x1, s1  }
0x8c: {  	s17 =	sshll.u32 s0, $0xA;
	s2 =	sadd.s32 s3, s2  }
0x8d: {  	s2 =	sadd.s32 s2, s17  }
0x8e: {  	[smem:$0x3FC6] =	sst s2  }
0x8f: {  	_ = 	snop  }
0x90: {  	s2 =	sld [smem:$0x3FC9]  }
0x91: {  	s18 =	sld [smem:$0x3FD0];
	(tm) =	ssettm $0x1  }
0x92: {  	s4 =	sld [smem:$0x3FFB];
	_ =	sdelay $0x3  }
0x93: {  	_ =	strace s4  }
0x94: {  	s4 =	sld [smem:$0x3FFC];
	_ =	sdelay $0x3  }
0x95: {  	_ =	strace s4  }
0x96: {  	s4 =	sld [smem:$0x3FFD];
	_ =	sdelay $0x3  }
0x97: {  	_ =	strace s4  }
0x98: {  	_ =	strace $0x8FFFFFFF  }
0x99: {  	s19 =	sld [smem:$0x3FDB];
	_ =	sdelay $0x1  }
0x9a: {  	s5 =	simm.s32 $_scs_section_size  }
0x9b: {  	s6 =	simm.s32 $_size__tile_overlayer_lowered;
	s7 =	simm.s32 $_tile_overlayer_lowered  }
0x9c: {  	s22 =	simm.s32 $0x1BFF;
	s21 =	sshll.u32 s7, $0x1;
	s4 =	sadd.s32 s5, s19  }
0x9d: {  	s8 =	simm.s32 $0x0;
	s20 =	sshll.u32 s6, $0x1;
	s6 =	sadd.s32 s21, s4  }
0x9e: {  	[timem:s8], [sflag:s22] =	dma.local [hbm:s6], s20  }
0x9f: {  	_ =	swait.ge [sflag:s22], s20  }
0xa0: {  	s5 =	ssub.s32 $0x0, s20;
	[sflag:s22] =	ssyncset.done $0x0  }
0xa1: {  	[sflag:s22] =	ssyncadd.s32 s5;
	_ =	sdelay $0x1  }
0xa2: {  	s23 =	simm.s32 $0x1B8B  }
0xa3: {  	_ =	swait.ge [sflag:s23], $0x1  }
0xa4: {  	[sflag:s23] =	ssyncset.done $0x0  }
0xa5: {  	s25 =	simm.s32 $0x1B8E;
	s24 =	sld [smem:$0x3FFE];
	[sflag:s23] =	ssyncadd.s32 $0xFFFFFFFF  }
0xa6: {  	s26 =	simm.s32 $execute0_lowered;
	[smem:$0x3FD2] =	sst s25  }
0xa7: {  	s6 =	sshll.u32 s26, $0x1;
	_ =	strace $0x80000046;
	[dreg:$0x1] =	wrdreg $0xFFFFFFFF  }
0xa8: {  	s28 =	simm.s32 $_size_execute0_lowered;
	s4 =	sadd.s32 s4, s6;
	[dreg:$0x0] =	wrdreg $0x0  }
0xa9: {  	s6 =	sshll.u32 s28, $0x1;
	[dreg:$0x2] =	wrdreg s4  }
0xaa: {  	[dreg:$0x3] =	wrdreg s6  }
0xab: {  	[dreg:$0x4] =	wrdreg $0xC0  }
0xac: {  	_ =	task [dreg:s8], $0x5FFFF  }
0xad: {  	[dreg:$0x1] =	wrdreg $0xFFFFFFFF  }
0xae: {  	[dreg:$0x0] =	wrdreg $0x60  }
0xaf: {  	[dreg:$0x2] =	wrdreg s2  }
0xb0: {  	[dreg:$0x3] =	wrdreg s24  }
0xb1: {  	[dreg:$0x4] =	wrdreg s18  }
0xb2: {  	[dreg:$0x5] =	wrdreg $0x9  }
0xb3: {  	_ =	task.clear_ibuf [dreg:s8], $0x6FFFF;
	_ =	strace $0x90000046  }
0xb4: {  	s29 =	simm.s32 $0x9;
	_ =	strace $0x80000048  }
0xb5: {  	_ =	swait.ge [sflag:s29], $0x1  }
0xb6: {  	[sflag:s29] =	ssyncadd.s32 $0xFFFFFFFF  }
0xb7: {  	_ =	strace $0x90000048  }
0xb8: {  	_ =	sfence  }
0xb9: {  	s30 =	sld [smem:$0x0];
	_ =	sdelay $0x2  }
0xba: {  	s31 =	sshll.u32 s1, $0xD;
	s1 =	sshrl.u32 s1, $0x2  }
0xbb: {  	s3 =	sand.u32 $0x4000, s31;
	s1 =	sadd.s32 s1, s30  }
0xbc: {  	s0 =	sor.u32 s3, s0;
	s1 =	sshll.u32 s1, $0x11  }
0xbd: {  	s0 =	sor.u32 s1, s0  }
0xbe: {  	s0 =	sadd.s32 $0x8F2B, s0  }
0xbf: {  	[sflag:s0] =	ssyncadd.remote.s32 $0x1  }
0xc0: {  	_ =	sfence.sel $0xFFFF  }
0xc1: {  	[dreg:$0x0] =	wrdreg $0xFFFFFFFF;
	(pc) =	sbr.abs _section_cstart, $3  }
0xc2: {  	[dreg:$0x1] =	wrdreg $0xFFFFFFFF  }
0xc3: {  	_ =	task.clear_ibuf [dreg:s8], $0x2FFFF;
	_ =	strace $0x9FFFFFFF  }
0xc4: {  	(tm) =	ssettm $0x7FFFFFFF  }
0xc5: {  	_ =	shalt  }
tec
execute0_lowered:
.L_overlay_start_1:
0x0: {  	(tag) =	ssettag $0x1  }
0x1: {  	s0 =	rddreg [dreg:$0x0];
	v0 =	vlaneseq.u32  }
0x2: {  	s1 =	rddreg [dreg:$0x1];
	s6 =	simm.s32 $0x0;
	v1 =	vmul.u32 $0x80, v0  }
0x3: {  	[smem:$0x7FF] =	sst s6;
	v10 =	vmul.u32 $0x2, v0  }
0x4: {  	s2 =	rddreg [dreg:$0x2];
	_ =	strace $0x80000047;
	[tilespmem:$0x1FFD0] =	vst v1  }
0x5: {  	v49 =	vor.u32 $0x1, v1;
	[tilespmem:$0x1FFF0] =	vst v10  }
0x6: {  	v50 =	vor.u32 $0x2, v1;
	[tilespmem:$0x1FEF0] =	vst v49  }
0x7: {  	v51 =	vor.u32 $0x3, v1;
	[tilespmem:$0x1FF00] =	vst v50  }
0x8: {  	v52 =	vor.u32 $0x4, v1;
	[tilespmem:$0x1FF10] =	vst v51  }
0x9: {  	s3 =	srdreg.scid;
	v53 =	vor.u32 $0x5, v1;
	[tilespmem:$0x1FF20] =	vst v52  }
0xa: {  	s4 =	stileid.u32;
	s3 =	sand.u32 $0x1, s3;
	v54 =	vor.u32 $0x6, v1;
	[tilespmem:$0x1FF30] =	vst v53  }
0xb: {  	s4 =	sshll.u32 s4, $0xA;
	s5 =	sshll.u32 s3, $0x9;
	v55 =	vor.u32 $0x7, v1;
	[tilespmem:$0x1FF40] =	vst v54  }
0xc: {  	s1 =	sadd.s32 $0x400, s1;
	s4 =	sor.u32 s5, s4;
	v56 =	vor.u32 $0x8, v1;
	[tilespmem:$0x1FF50] =	vst v55  }
0xd: {  	s3 =	ssub.s32 $0x2, s3;
	[dreg:$0x4] =	wrdreg s1;
	v57 =	vor.u32 $0x9, v1;
	s5 =	sshll.u32 s4, $0x7;
	[tilespmem:$0x1FF60] =	vst v56  }
0xe: {  	s25 =	sshrl.u32 s3, $0x1;
	v58 =	vor.u32 $0xA, v1;
	s29 =	sshrl.u32 s4, $0x3;
	[tilespmem:$0x1FF70] =	vst v57;
	s5 =	sadd.s32 s0, s5  }
0xf: {  	v59 =	vor.u32 $0xB, v1;
	s26 =	ssub.s32 s3, s25;
	[tilespmem:$0x1FF80] =	vst v58;
	s1 =	sadd.s32 s2, s29;
	[dreg:$0x5] =	wrdreg s5  }
0x10: {  	v60 =	vor.u32 $0xC, v1;
	[tilespmem:$0x1FF90] =	vst v59;
	s0 =	smax.u32 s26, $0x1;
	[dreg:$0x9] =	wrdreg s1  }
0x11: {  	v61 =	vor.u32 $0xD, v1;
	[tilespmem:$0x1FFA0] =	vst v60;
	s28 =	sadd.s32 $0x800, s5;
	[dreg:$0xa] =	wrdreg s0  }
0x12: {  	s11 =	simm.s32 $0x8000;
	v62 =	vor.u32 $0xE, v1;
	[tilespmem:$0x1FFB0] =	vst v61;
	s30 =	sadd.s32 $0x1000, s5;
	[dreg:$0x6] =	wrdreg s28  }
0x13: {  	s13 =	simm.s32 $0x8E00;
	v63 =	vor.u32 $0xF, v1;
	[tilespmem:$0x1FFC0] =	vst v62;
	s31 =	sadd.s32 $0x1800, s5;
	[dreg:$0x7] =	wrdreg s30  }
0x14: {  	v12 =	vimm.s32 $0x0;
	[tilespmem:$0x1FFE0] =	vst v63;
	s2 =	simm.s32 $0x3;
	s1 =	simm.s32 $0x0;
	[dreg:$0x8] =	wrdreg s31  }
.LBB2_1:
0x15: {  	[dreg:$0xb] =	wrdreg s1  }
0x16: {  	s0 =	rddreg [dreg:$0x5]  }
0x17: {  	[tilespmem:s6], [sflag:$0x1] =	stream.linear.gather [hbm4b:s0+s6], $0x4000, $0x38;
	[tilespmem:$0x9600] =	vst v63  }
0x18: {  	v0 =	vmov s6;
	s26 =	rddreg [dreg:$0x6];
	s28 =	simm.s32 $0x4000  }
0x19: {  	v0 =	vshll.u32 v0, $0x1;
	[tilespmem:s28], [sflag:$0x2] =	stream.linear.gather [hbm4b:s26+s6], $0x4000, $0x38;
	[tilespmem:$0x9600] =	vst v63  }
0x1a: {  	s29 =	rddreg [dreg:$0x4];
	v0 =	vor.u32 v10, v0  }
0x1b: {  	v1 =	vor.u32 $0x1, v0;
	[tilespmem:s11], [sflag:$0x3] =	stream.linear.gather [hbm4b:s29+s6], $0x800, $0x38;
	[tilespmem:$0x9600] =	vst v63  }
0x1c: {  	_ =	swait.ge [sflag:s2], $0x800  }
0x1d: {  	[sflag:s2] =	ssyncset.done $0x0  }
0x1e: {  	[sflag:s2] =	ssyncadd.s32 $0xFFFFF800  }
0x1f: {  	v0 =	vld.idx.msk [tilespmem:v0+s11+$0x0], $0xffff  }
0x20: {  	v1 =	vld.idx.msk [tilespmem:v1+s11+$0x0], $0xffff;
	_ =	sdelay $0x3  }
0x21: {  	v2 =	vand.u32 $0x7FFFFF, v0  }
0x22: {  	v3 =	vand.u32 $0x7FFFFF, v1;
	v2 =	vor.u32 $0x3F800000, v2  }
0x23: {  	v3 =	vor.u32 $0x3F800000, v3;
	v4 =	vmul.f32 $5.000000000e-01, v2  }
0x24: {  	vm0 =	vge.f32 v2, $1.414213540e+00;
	v5 =	vmul.f32 $5.000000000e-01, v3  }
0x25: {  	vm1 =	vge.f32 v3, $1.414213540e+00;
	v2 =	vsel vm0, v4, v2  }
0x26: {  	v3 =	vsel vm1, v5, v3;
	v2 =	vadd.f32 $-1.000000000e+00, v2  }
0x27: {  	v3 =	vadd.f32 $-1.000000000e+00, v3  }
0x28: {  	v4 =	vadd.f32 $2.000000000e+00, v2  }
0x29: {  	v5 =	vadd.f32 $2.000000000e+00, v3  }
0x2a: {  	(erf) = vrcp.f32 v4  }
0x2b: {  	(erf) = vrcp.f32 v5;
	_ =	sdelay $0x7  }
0x2c: {  	v4 =	vpop (erf)  }
0x2d: {  	v2 =	vmul.f32 v4, v2;
	v4 =	vpop (erf)  }
0x2e: {  	v3 =	vmul.f32 v4, v3;
	_ =	sdelay $0x1  }
0x2f: {  	v4 =	vmul.f32 v2, v2;
	v5 =	vmul.f32 v3, v3;
	_ =	sdelay $0x1  }
0x30: {  	v6 =	vmul.f32 $2.857142980e-01, v4;
	v7 =	vmul.f32 $2.857142980e-01, v5;
	_ =	sdelay $0x1  }
0x31: {  	v6 =	vadd.f32 $4.000000060e-01, v6;
	v7 =	vadd.f32 $4.000000060e-01, v7  }
0x32: {  	v0 =	vshrl.u32 v0, $0x17;
	v1 =	vshrl.u32 v1, $0x17  }
0x33: {  	v0 =	vand.u32 $0xFF, v0;
	v6 =	vmul.f32 v6, v4;
	v7 =	vmul.f32 v7, v5  }
0x34: {  	v1 =	vand.u32 $0xFF, v1;
	v8 =	vsel vm0, $0x1, v12;
	v54 =	vsel vm1, $0x1, v12  }
0x35: {  	v0 =	vadd.s32 v8, v0;
	v6 =	vadd.f32 $6.666666860e-01, v6;
	v7 =	vadd.f32 $6.666666860e-01, v7  }
0x36: {  	v1 =	vadd.s32 v54, v1;
	v0 =	vadd.s32 $0xFFFFFF81, v0  }
0x37: {  	v1 =	vadd.s32 $0xFFFFFF81, v1;
	v4 =	vmul.f32 v6, v4;
	v5 =	vmul.f32 v7, v5  }
0x38: {  	v0 =	vcvt.s32.f32 v0;
	v1 =	vcvt.s32.f32 v1  }
0x39: {  	v4 =	vadd.f32 $2.000000000e+00, v4;
	v5 =	vadd.f32 $2.000000000e+00, v5  }
0x3a: {  	v0 =	vmul.f32 $6.931471820e-01, v0;
	v1 =	vmul.f32 $6.931471820e-01, v1  }
0x3b: {  	v2 =	vmul.f32 v4, v2;
	v3 =	vmul.f32 v5, v3  }
0x3c: {  	s30 =	simm.s32 $0x10  }
0x3d: {  	v4 =	vmov s30;
	v0 =	vadd.f32 v2, v0;
	v1 =	vadd.f32 v3, v1  }
0x3e: {  	v2 =	vshll.u32 v4, $0x1  }
0x3f: {  	v2 =	vor.u32 v10, v2;
	v3 =	vsub.f32 v1, v0  }
0x40: {  	v4 =	vor.u32 $0x1, v2  }
0x41: {  	v3 =	vmul.f32 $5.000000000e-01, v3  }
0x42: {  	s0 =	simm.s32 $0x8800  }
0x43: {  	[tilespmem:s0+$0x0] =	vst v3  }
0x44: {  	v2 =	vld.idx.msk [tilespmem:v2+s11+$0x0], $0xffff  }
0x45: {  	v3 =	vld.idx.msk [tilespmem:v4+s11+$0x0], $0xffff;
	_ =	sdelay $0x3  }
0x46: {  	v4 =	vand.u32 $0x7FFFFF, v2  }
0x47: {  	v5 =	vand.u32 $0x7FFFFF, v3;
	v4 =	vor.u32 $0x3F800000, v4  }
0x48: {  	v5 =	vor.u32 $0x3F800000, v5;
	v55 =	vmul.f32 $5.000000000e-01, v4  }
0x49: {  	vm14 =	vge.f32 v4, $1.414213540e+00;
	v56 =	vmul.f32 $5.000000000e-01, v5  }
0x4a: {  	vm15 =	vge.f32 v5, $1.414213540e+00;
	v4 =	vsel vm14, v55, v4  }
0x4b: {  	v5 =	vsel vm15, v56, v5;
	v4 =	vadd.f32 $-1.000000000e+00, v4  }
0x4c: {  	v5 =	vadd.f32 $-1.000000000e+00, v5  }
0x4d: {  	v57 =	vadd.f32 $2.000000000e+00, v4  }
0x4e: {  	v58 =	vadd.f32 $2.000000000e+00, v5  }
0x4f: {  	(erf) = vrcp.f32 v57  }
0x50: {  	(erf) = vrcp.f32 v58;
	_ =	sdelay $0x7  }
0x51: {  	v6 =	vpop (erf)  }
0x52: {  	v4 =	vmul.f32 v6, v4;
	v59 =	vpop (erf)  }
0x53: {  	v5 =	vmul.f32 v59, v5  }
0x54: {  	v60 =	vmul.f32 v4, v4  }
0x55: {  	v61 =	vmul.f32 v5, v5  }
0x56: {  	v8 =	vmul.f32 $2.857142980e-01, v60  }
0x57: {  	v9 =	vmul.f32 $2.857142980e-01, v61  }
0x58: {  	v8 =	vadd.f32 $4.000000060e-01, v8  }
0x59: {  	v9 =	vadd.f32 $4.000000060e-01, v9  }
0x5a: {  	v8 =	vmul.f32 v8, v60  }
0x5b: {  	v0 =	vadd.f32 v1, v0;
	v1 =	vshrl.u32 v2, $0x17;
	v2 =	vmul.f32 v9, v61  }
0x5c: {  	v3 =	vshrl.u32 v3, $0x17;
	v1 =	vand.u32 $0xFF, v1;
	v8 =	vadd.f32 $6.666666860e-01, v8  }
0x5d: {  	v3 =	vand.u32 $0xFF, v3;
	v9 =	vsel vm14, $0x1, v12;
	v2 =	vadd.f32 $6.666666860e-01, v2  }
0x5e: {  	v1 =	vadd.s32 v9, v1;
	v6 =	vmul.f32 v8, v60;
	v8 =	vsel vm15, $0x1, v12  }
0x5f: {  	v1 =	vadd.s32 $0xFFFFFF81, v1;
	v3 =	vadd.s32 v8, v3;
	v2 =	vmul.f32 v2, v61  }
0x60: {  	v1 =	vcvt.s32.f32 v1;
	v6 =	vadd.f32 $2.000000000e+00, v6;
	v3 =	vadd.s32 $0xFFFFFF81, v3  }
0x61: {  	v0 =	vmul.f32 $5.000000000e-01, v0;
	v2 =	vadd.f32 $2.000000000e+00, v2;
	v3 =	vcvt.s32.f32 v3  }
0x62: {  	v1 =	vmul.f32 $6.931471820e-01, v1;
	v4 =	vmul.f32 v6, v4  }
0x63: {  	v62 =	vimm.f32 $0.0e+00;
	v63 =	vmul.f32 $6.931471820e-01, v3;
	v5 =	vmul.f32 v2, v5  }
0x64: {  	s31 =	simm.s32 $0x20;
	v3 =	vadd.f32 v0, v62  }
0x65: {  	s1 =	simm.s32 $0x30;
	v2 =	vmov s31;
	v0 =	vadd.f32 v4, v1;
	v1 =	vadd.f32 v5, v63  }
.LBB2_2:
0x66: {  	p0 =	sne.s32 s1, $0x3F0;
	v2 =	vshll.u32 v2, $0x1  }
0x67: {  	v2 =	vor.u32 v10, v2;
	v4 =	vsub.f32 v1, v0;
	v0 =	vadd.f32 v1, v0  }
0x68: {  	v1 =	vor.u32 $0x1, v2  }
0x69: {  	v4 =	vmul.f32 $5.000000000e-01, v4;
	v0 =	vmul.f32 $5.000000000e-01, v0  }
0x6a: {  	s0 =	sadd.s32 $0x10, s0  }
0x6b: {  	[tilespmem:s0+$0x0] =	vst v4;
	v3 =	vadd.f32 v0, v3  }
0x6c: {  	v0 =	vld.idx.msk [tilespmem:v2+s11+$0x0], $0xffff  }
0x6d: {  	v1 =	vld.idx.msk [tilespmem:v1+s11+$0x0], $0xffff;
	_ =	sdelay $0x4  }
0x6e: {  	v2 =	vand.u32 $0x7FFFFF, v0  }
0x6f: {  	v2 =	vor.u32 $0x3F800000, v2;
	v4 =	vand.u32 $0x7FFFFF, v1  }
0x70: {  	v5 =	vmul.f32 $5.000000000e-01, v2;
	v4 =	vor.u32 $0x3F800000, v4  }
0x71: {  	vm1 =	vge.f32 v2, $1.414213540e+00;
	v6 =	vmul.f32 $5.000000000e-01, v4  }
0x72: {  	vm0 =	vge.f32 v4, $1.414213540e+00;
	v2 =	vsel vm1, v5, v2  }
0x73: {  	v2 =	vadd.f32 $-1.000000000e+00, v2;
	v4 =	vsel vm0, v6, v4  }
0x74: {  	v4 =	vadd.f32 $-1.000000000e+00, v4  }
0x75: {  	v5 =	vadd.f32 $2.000000000e+00, v2  }
0x76: {  	v6 =	vadd.f32 $2.000000000e+00, v4  }
0x77: {  	(erf) = vrcp.f32 v5  }
0x78: {  	(erf) = vrcp.f32 v6;
	_ =	sdelay $0x7  }
0x79: {  	v5 =	vpop (erf)  }
0x7a: {  	v2 =	vmul.f32 v5, v2;
	v5 =	vpop (erf)  }
0x7b: {  	v4 =	vmul.f32 v5, v4  }
0x7c: {  	v5 =	vmul.f32 v2, v2  }
0x7d: {  	v6 =	vmul.f32 v4, v4  }
0x7e: {  	v7 =	vmul.f32 $2.857142980e-01, v5  }
0x7f: {  	v8 =	vmul.f32 $2.857142980e-01, v6  }
0x80: {  	v7 =	vadd.f32 $4.000000060e-01, v7  }
0x81: {  	v8 =	vadd.f32 $4.000000060e-01, v8  }
0x82: {  	v7 =	vmul.f32 v7, v5  }
0x83: {  	v0 =	vshrl.u32 v0, $0x17;
	v8 =	vmul.f32 v8, v6  }
0x84: {  	v0 =	vand.u32 $0xFF, v0;
	v9 =	vsel vm1, $0x1, v12;
	v7 =	vadd.f32 $6.666666860e-01, v7  }
0x85: {  	v1 =	vshrl.u32 v1, $0x17;
	v0 =	vadd.s32 v9, v0;
	v8 =	vadd.f32 $6.666666860e-01, v8  }
0x86: {  	v1 =	vand.u32 $0xFF, v1;
	v5 =	vmul.f32 v7, v5;
	v7 =	vsel vm0, $0x1, v12  }
0x87: {  	v0 =	vadd.s32 $0xFFFFFF81, v0;
	v1 =	vadd.s32 v7, v1;
	v6 =	vmul.f32 v8, v6  }
0x88: {  	v0 =	vcvt.s32.f32 v0;
	v5 =	vadd.f32 $2.000000000e+00, v5;
	v1 =	vadd.s32 $0xFFFFFF81, v1  }
.Ltmp0:
0x89: {  	v6 =	vadd.f32 $2.000000000e+00, v6;
	v1 =	vcvt.s32.f32 v1;
	(pc) =	sbr.rel @p0 .LBB2_2-.Ltmp0, $3  }
0x8a: {  	v0 =	vmul.f32 $6.931471820e-01, v0;
	v5 =	vmul.f32 v5, v2  }
0x8b: {  	v1 =	vmul.f32 $6.931471820e-01, v1;
	v4 =	vmul.f32 v6, v4;
	_ =	sdelay $0x1  }
0x8c: {  	v2 =	vmov s1;
	s1 =	sadd.s32 $0x10, s1;
	v0 =	vadd.f32 v5, v0;
	v1 =	vadd.f32 v4, v1  }
0x8d: {  	v2 =	vshll.u32 v2, $0x1  }
0x8e: {  	v2 =	vor.u32 v10, v2;
	v4 =	vsub.f32 v1, v0  }
0x8f: {  	v5 =	vor.u32 $0x1, v2  }
0x90: {  	v4 =	vmul.f32 $5.000000000e-01, v4  }
0x91: {  	s0 =	sadd.s32 $0x10, s0  }
0x92: {  	[tilespmem:s0+$0x0] =	vst v4  }
0x93: {  	v2 =	vld.idx.msk [tilespmem:v2+s11+$0x0], $0xffff  }
0x94: {  	v4 =	vld.idx.msk [tilespmem:v5+s11+$0x0], $0xffff;
	_ =	sdelay $0x3  }
0x95: {  	v36 =	vand.u32 $0x7FFFFF, v2  }
0x96: {  	v5 =	vor.u32 $0x3F800000, v36;
	v6 =	vand.u32 $0x7FFFFF, v4  }
0x97: {  	v7 =	vmul.f32 $5.000000000e-01, v5;
	v6 =	vor.u32 $0x3F800000, v6  }
0x98: {  	vm0 =	vge.f32 v5, $1.414213540e+00;
	v8 =	vmul.f32 $5.000000000e-01, v6  }
0x99: {  	vm1 =	vge.f32 v6, $1.414213540e+00;
	v5 =	vsel vm0, v7, v5  }
0x9a: {  	v5 =	vadd.f32 $-1.000000000e+00, v5;
	v6 =	vsel vm1, v8, v6  }
0x9b: {  	v6 =	vadd.f32 $-1.000000000e+00, v6  }
0x9c: {  	v37 =	vadd.f32 $2.000000000e+00, v5  }
0x9d: {  	v38 =	vadd.f32 $2.000000000e+00, v6  }
0x9e: {  	(erf) = vrcp.f32 v37  }
0x9f: {  	(erf) = vrcp.f32 v38;
	_ =	sdelay $0x7  }
0xa0: {  	v7 =	vpop (erf)  }
0xa1: {  	v39 =	vpop (erf)  }
0xa2: {  	v5 =	vmul.f32 v7, v5;
	v6 =	vmul.f32 v39, v6;
	_ =	sdelay $0x1  }
0xa3: {  	v40 =	vmul.f32 v5, v5;
	v41 =	vmul.f32 v6, v6;
	_ =	sdelay $0x1  }
0xa4: {  	v9 =	vmul.f32 $2.857142980e-01, v40;
	v42 =	vmul.f32 $2.857142980e-01, v41;
	_ =	sdelay $0x1  }
0xa5: {  	v2 =	vshrl.u32 v2, $0x17;
	v9 =	vadd.f32 $4.000000060e-01, v9;
	v10 =	vadd.f32 $4.000000060e-01, v42  }
0xa6: {  	v2 =	vand.u32 $0xFF, v2;
	v4 =	vshrl.u32 v4, $0x17  }
0xa7: {  	v11 =	vsel vm0, $0x1, v12;
	v9 =	vmul.f32 v9, v40;
	v10 =	vmul.f32 v10, v41  }
0xa8: {  	v4 =	vand.u32 $0xFF, v4;
	v2 =	vadd.s32 v11, v2  }
0xa9: {  	v43 =	vsel vm1, $0x1, v12;
	v9 =	vadd.f32 $6.666666860e-01, v9;
	v10 =	vadd.f32 $6.666666860e-01, v10  }
0xaa: {  	v4 =	vadd.s32 v43, v4;
	v2 =	vadd.s32 $0xFFFFFF81, v2  }
0xab: {  	v4 =	vadd.s32 $0xFFFFFF81, v4;
	v7 =	vmul.f32 v9, v40;
	v8 =	vmul.f32 v10, v41  }
0xac: {  	v2 =	vcvt.s32.f32 v2;
	v4 =	vcvt.s32.f32 v4  }
0xad: {  	v7 =	vadd.f32 $2.000000000e+00, v7;
	v8 =	vadd.f32 $2.000000000e+00, v8  }
0xae: {  	v2 =	vmul.f32 $6.931471820e-01, v2;
	v4 =	vmul.f32 $6.931471820e-01, v4  }
0xaf: {  	v5 =	vmul.f32 v7, v5;
	v6 =	vmul.f32 v8, v6  }
0xb0: {  	v44 =	vadd.f32 v1, v0  }
0xb1: {  	v45 =	vadd.f32 v5, v2;
	v46 =	vadd.f32 v6, v4;
	_ =	sdelay $0x1  }
0xb2: {  	v0 =	vmul.f32 $5.000000000e-01, v44;
	v4 =	vadd.f32 v46, v45  }
0xb3: {  	v1 =	vsub.f32 v46, v45  }
0xb4: {  	v0 =	vadd.f32 v0, v3;
	v47 =	vmul.f32 $5.000000000e-01, v4  }
0xb5: {  	v1 =	vmul.f32 $5.000000000e-01, v1  }
0xb6: {  	s0 =	sadd.s32 $0x10, s0;
	v0 =	vadd.f32 v47, v0  }
0xb7: {  	[tilespmem:s0+$0x0] =	vst v1  }
0xb8: {  	[tilespmem:$0x8E00] =	vst v0  }
0xb9: {  	[tilespmem:$0x8E80] =	vst v0  }
0xba: {  	[tilespmem:$0x8F00] =	vst v0  }
0xbb: {  	[tilespmem:$0x8F80] =	vst v0  }
0xbc: {  	[tilespmem:$0x9000] =	vst v0  }
0xbd: {  	[tilespmem:$0x9080] =	vst v0  }
0xbe: {  	[tilespmem:$0x9100] =	vst v0  }
0xbf: {  	[tilespmem:$0x9180] =	vst v0  }
0xc0: {  	v48 =	vld [tilespmem:$0x1FFD0];
	[tilespmem:$0x9200] =	vst v0  }
0xc1: {  	[tilespmem:$0x9280] =	vst v0  }
0xc2: {  	v49 =	vld [tilespmem:$0x1FEF0];
	[tilespmem:$0x9300] =	vst v0  }
0xc3: {  	[tilespmem:$0x9380] =	vst v0  }
0xc4: {  	v50 =	vld [tilespmem:$0x1FF00];
	[tilespmem:$0x9400] =	vst v0  }
0xc5: {  	[tilespmem:$0x9480] =	vst v0  }
0xc6: {  	v51 =	vld [tilespmem:$0x1FF10];
	[tilespmem:$0x9500] =	vst v0  }
0xc7: {  	v52 =	vld [tilespmem:$0x1FF20];
	[tilespmem:$0x9580] =	vst v0  }
0xc8: {  	v0 =	vld.idx.msk [tilespmem:v48+s13+$0x0], $0xffff  }
0xc9: {  	v53 =	vld [tilespmem:$0x1FF30]  }
0xca: {  	v1 =	vld.idx.msk [tilespmem:v49+s13+$0x0], $0xffff  }
0xcb: {  	v54 =	vld [tilespmem:$0x1FF40]  }
0xcc: {  	v2 =	vld.idx.msk [tilespmem:v50+s13+$0x0], $0xffff  }
0xcd: {  	v55 =	vld [tilespmem:$0x1FF50];
	v0 =	vadd.f32 $0.0e+00, v0  }
0xce: {  	v3 =	vld.idx.msk [tilespmem:v51+s13+$0x0], $0xffff  }
0xcf: {  	v56 =	vld [tilespmem:$0x1FF60];
	v0 =	vadd.f32 v1, v0  }
0xd0: {  	v1 =	vld.idx.msk [tilespmem:v52+s13+$0x0], $0xffff  }
0xd1: {  	v57 =	vld [tilespmem:$0x1FF70];
	v0 =	vadd.f32 v2, v0  }
0xd2: {  	v2 =	vld.idx.msk [tilespmem:v53+s13+$0x0], $0xffff  }
0xd3: {  	v58 =	vld [tilespmem:$0x1FF80];
	v0 =	vadd.f32 v3, v0  }
0xd4: {  	v3 =	vld.idx.msk [tilespmem:v54+s13+$0x0], $0xffff  }
0xd5: {  	v59 =	vld [tilespmem:$0x1FF90];
	v0 =	vadd.f32 v1, v0  }
0xd6: {  	v1 =	vld.idx.msk [tilespmem:v55+s13+$0x0], $0xffff  }
0xd7: {  	v60 =	vld [tilespmem:$0x1FFA0];
	v0 =	vadd.f32 v2, v0  }
0xd8: {  	v2 =	vld.idx.msk [tilespmem:v56+s13+$0x0], $0xffff  }
0xd9: {  	v61 =	vld [tilespmem:$0x1FFB0];
	v0 =	vadd.f32 v3, v0  }
0xda: {  	v3 =	vld.idx.msk [tilespmem:v57+s13+$0x0], $0xffff  }
0xdb: {  	v62 =	vld [tilespmem:$0x1FFC0];
	v0 =	vadd.f32 v1, v0  }
0xdc: {  	v1 =	vld.idx.msk [tilespmem:v58+s13+$0x0], $0xffff  }
0xdd: {  	v63 =	vld [tilespmem:$0x1FFE0];
	v0 =	vadd.f32 v2, v0  }
0xde: {  	v2 =	vld.idx.msk [tilespmem:v59+s13+$0x0], $0xffff  }
0xdf: {  	v0 =	vadd.f32 v3, v0  }
0xe0: {  	v3 =	vld.idx.msk [tilespmem:v60+s13+$0x0], $0xffff  }
0xe1: {  	v0 =	vadd.f32 v1, v0  }
0xe2: {  	v1 =	vld.idx.msk [tilespmem:v61+s13+$0x0], $0xffff  }
0xe3: {  	v0 =	vadd.f32 v2, v0  }
0xe4: {  	v2 =	vld.idx.msk [tilespmem:v62+s13+$0x0], $0xffff  }
0xe5: {  	v0 =	vadd.f32 v3, v0  }
0xe6: {  	v3 =	vld.idx.msk [tilespmem:v63+s13+$0x0], $0xffff  }
0xe7: {  	v0 =	vadd.f32 v1, v0;
	_ =	sdelay $0x1  }
0xe8: {  	v0 =	vadd.f32 v2, v0;
	_ =	sdelay $0x1  }
0xe9: {  	v0 =	vadd.f32 v3, v0;
	_ =	sdelay $0x1  }
0xea: {  	s19 =	simm.s32 $0x0;
	[tilespmem:$0x1FEE0] =	vst v0  }
.LBB2_4:
0xeb: {  	s0 =	simm.s32 $0x1  }
0xec: {  	_ =	swait.ge [sflag:s0], $0x4000  }
0xed: {  	s20 =	simm.s32 $0x8800;
	s15 =	simm.s32 $0x0;
	[sflag:s0] =	ssyncset.done $0x0  }
0xee: {  	s1 =	sand.u32 $0x40, s15;
	s14 =	sand.u32 $0x1C00, s15;
	[sflag:s0] =	ssyncadd.s32 $0xFFFFC000  }
0xef: {  	s12 =	sor.u32 s1, s14;
	v19 =	vld [tilespmem:s20+$0x0]  }
0xf0: {  	v0 =	vld [tilespmem:s12+$0x0]  }
0xf1: {  	v1 =	vld [tilespmem:s12+$0x80]  }
0xf2: {  	s2 =	sor.u32 s15, s15;
	v2 =	vld [tilespmem:s12+$0x100]  }
0xf3: {  	s2 =	sor.u32 $0x380, s2;
	s0 =	sor.u32 $0x30, s1;
	v3 =	vld [tilespmem:s12+$0x180]  }
0xf4: {  	v4 =	vld [tilespmem:s2+$0x0];
	s16 =	sor.u32 s0, s14  }
0xf5: {  	v5 =	vld [tilespmem:s16+$0x0]  }
0xf6: {  	v6 =	vld [tilespmem:s16+$0x80]  }
0xf7: {  	s10 =	sor.u32 $0x2080, s14;
	v7 =	vld [tilespmem:s16+$0x100]  }
0xf8: {  	s9 =	sor.u32 $0x2100, s14;
	s18 =	sor.u32 s0, s10;
	v8 =	vld [tilespmem:s16+$0x180]  }
0xf9: {  	s8 =	sor.u32 $0x2180, s14;
	s21 =	sor.u32 s0, s9;
	v10 =	vld [tilespmem:s18+$0x0]  }
0xfa: {  	s7 =	sor.u32 $0x2200, s14;
	s22 =	sor.u32 s0, s8;
	v11 =	vld [tilespmem:s21+$0x0]  }
0xfb: {  	s6 =	sor.u32 $0x2280, s14;
	s23 =	sor.u32 s0, s7;
	v12 =	vld [tilespmem:s22+$0x0]  }
0xfc: {  	s5 =	sor.u32 $0x2300, s14;
	s24 =	sor.u32 s0, s6;
	v13 =	vld [tilespmem:s23+$0x0]  }
0xfd: {  	s4 =	sor.u32 $0x2380, s14;
	s3 =	sor.u32 s0, s5;
	v14 =	vld [tilespmem:s24+$0x0]  }
0xfe: {  	s12 =	sor.u32 $0x2000, s14;
	s25 =	sor.u32 s0, s4;
	v15 =	vld [tilespmem:s3+$0x0]  }
0xff: {  	s2 =	sor.u32 $0x20, s1;
	s17 =	sor.u32 s0, s12;
	v16 =	vld [tilespmem:s25+$0x0]  }
0x100: {  	s16 =	sor.u32 s2, s14;
	v9 =	vld [tilespmem:s17+$0x0]  }
0x101: {  	v17 =	vld [tilespmem:s16+$0x0]  }
0x102: {  	v18 =	vld [tilespmem:s16+$0x80]  }
0x103: {  	v22 =	vld [tilespmem:s16+$0x100]  }
0x104: {  	s26 =	sor.u32 s2, s12;
	v23 =	vld [tilespmem:s16+$0x180]  }
0x105: {  	s28 =	sor.u32 s2, s10;
	v24 =	vld [tilespmem:s26+$0x0]  }
0x106: {  	s29 =	sor.u32 s2, s9;
	v25 =	vld [tilespmem:s28+$0x0]  }
0x107: {  	s30 =	sor.u32 s2, s8;
	v26 =	vld [tilespmem:s29+$0x0]  }
0x108: {  	s31 =	sor.u32 s2, s7;
	v27 =	vld [tilespmem:s30+$0x0]  }
0x109: {  	s21 =	sor.u32 s2, s4;
	v28 =	vld [tilespmem:s31+$0x0]  }
0x10a: {  	s16 =	sor.u32 s2, s6;
	v31 =	vld [tilespmem:s21+$0x0]  }
0x10b: {  	s18 =	sor.u32 $0x10, s1;
	s17 =	sor.u32 s2, s5;
	v29 =	vld [tilespmem:s16+$0x0]  }
0x10c: {  	s14 =	sor.u32 s18, s14;
	v30 =	vld [tilespmem:s17+$0x0]  }
0x10d: {  	v32 =	vld [tilespmem:s14+$0x0]  }
0x10e: {  	v33 =	vld [tilespmem:s14+$0x80]  }
0x10f: {  	v34 =	vld [tilespmem:s14+$0x100];
	v0 =	vcvt.s32.f32 v0;
	v1 =	vcvt.s32.f32 v1  }
0x110: {  	s22 =	sor.u32 s18, s12;
	v35 =	vld [tilespmem:s14+$0x180];
	v2 =	vcvt.s32.f32 v2;
	v20 =	vcvt.s32.f32 v3  }
0x111: {  	s23 =	sor.u32 s18, s10;
	v36 =	vld [tilespmem:s22+$0x0];
	v4 =	vcvt.s32.f32 v4;
	v57 =	vcvt.s32.f32 v5  }
0x112: {  	s24 =	sor.u32 s18, s9;
	v37 =	vld [tilespmem:s23+$0x0];
	v58 =	vcvt.s32.f32 v6;
	v7 =	vcvt.s32.f32 v7  }
0x113: {  	s25 =	sor.u32 s18, s8;
	v38 =	vld [tilespmem:s24+$0x0];
	v8 =	vcvt.s32.f32 v8;
	v56 =	vcvt.s32.f32 v10  }
0x114: {  	s29 =	sor.u32 s18, s5;
	v39 =	vld [tilespmem:s25+$0x0];
	v63 =	vcvt.s32.f32 v11;
	v5 =	vcvt.s32.f32 v12  }
0x115: {  	s10 =	sor.u32 s1, s10;
	v40 =	vld [tilespmem:s29+$0x0];
	v6 =	vcvt.s32.f32 v13;
	v60 =	vcvt.s32.f32 v14  }
0x116: {  	s9 =	sor.u32 s1, s9;
	v41 =	vld [tilespmem:s10+$0x0];
	v21 =	vcvt.s32.f32 v15;
	v45 =	vcvt.s32.f32 v16  }
0x117: {  	s8 =	sor.u32 s1, s8;
	v48 =	vld [tilespmem:s9+$0x0];
	v55 =	vcvt.s32.f32 v9;
	v3 =	vcvt.s32.f32 v17  }
0x118: {  	s26 =	sor.u32 s18, s7;
	s7 =	sor.u32 s1, s7;
	v51 =	vld [tilespmem:s8+$0x0];
	v16 =	vcvt.s32.f32 v18;
	v9 =	vcvt.s32.f32 v22  }
0x119: {  	s28 =	sor.u32 s18, s6;
	s6 =	sor.u32 s1, s6;
	v52 =	vld [tilespmem:s7+$0x0];
	v10 =	vcvt.s32.f32 v23;
	v43 =	vcvt.s32.f32 v24  }
0x11a: {  	v54 =	vld [tilespmem:s6+$0x0];
	v25 =	vcvt.s32.f32 v25;
	v26 =	vcvt.s32.f32 v26  }
0x11b: {  	v17 =	vld [tilespmem:s26+$0x0];
	v59 =	vcvt.s32.f32 v27;
	v28 =	vcvt.s32.f32 v28  }
0x11c: {  	s30 =	sor.u32 s18, s4;
	v18 =	vld [tilespmem:s28+$0x0];
	v22 =	vcvt.s32.f32 v31;
	v11 =	vcvt.s32.f32 v38  }
0x11d: {  	s12 =	sor.u32 s1, s12;
	v24 =	vld [tilespmem:s30+$0x0];
	v0 =	vmul.f32 v0, v19;
	v1 =	vmul.f32 v1, v19  }
0x11e: {  	p0 =	por $0x0, $0x0;
	s8 =	simm.s32 $0x1;
	v27 =	vld [tilespmem:s12+$0x0];
	v2 =	vmul.f32 v2, v19;
	[tilespmem:$0x1FE90] =	vst v11;
	v11 =	vcvt.s32.f32 v39  }
0x11f: {  	s8 =	simm.s32 @!p0 $0x0;
	v44 =	vcvt.s32.f32 v29;
	v23 =	vcvt.s32.f32 v30  }
0x120: {  	s5 =	sor.u32 s1, s5;
	s31 =	sshll.u32 s8, $0x6;
	v32 =	vcvt.s32.f32 v32;
	v33 =	vcvt.s32.f32 v33;
	[tilespmem:$0x1FEA0] =	vst v11  }
0x121: {  	s4 =	sor.u32 s1, s4;
	s6 =	sadd.s32 $0x0, s31;
	v34 =	vcvt.s32.f32 v34;
	v11 =	vcvt.s32.f32 v41;
	v38 =	vld [tilespmem:s5+$0x0]  }
0x122: {  	s7 =	sor.u32 $0x200, s6;
	v35 =	vcvt.s32.f32 v35;
	v53 =	vcvt.s32.f32 v17;
	v17 =	vld [tilespmem:s4+$0x0]  }
0x123: {  	s8 =	sand.u32 $0x380, s15;
	s9 =	sor.u32 $0x280, s6;
	v30 =	vcvt.s32.f32 v36;
	v46 =	vcvt.s32.f32 v24;
	v24 =	vld [tilespmem:s7+$0x0];
	[tilespmem:$0x1FED0] =	vst v11  }
0x124: {  	s10 =	sor.u32 $0x300, s6;
	v37 =	vcvt.s32.f32 v37;
	v47 =	vcvt.s32.f32 v40;
	s5 =	sor.u32 $0x8800, s8;
	v39 =	vld [tilespmem:s9+$0x0]  }
0x125: {  	v62 =	vcvt.s32.f32 v48;
	v48 =	vcvt.s32.f32 v52;
	s0 =	sor.u32 s0, s5;
	v52 =	vld [tilespmem:s10+$0x0]  }
0x126: {  	v31 =	vcvt.s32.f32 v27;
	v27 =	vld [tilespmem:s0+$0x0];
	v11 =	vcvt.s32.f32 v38  }
0x127: {  	v61 =	vcvt.s32.f32 v51;
	v49 =	vcvt.s32.f32 v18  }
0x128: {  	v41 =	vcvt.s32.f32 v54;
	[tilespmem:$0x1FEB0] =	vst v11;
	v11 =	vcvt.s32.f32 v17  }
0x129: {  	v38 =	vmul.f32 v4, v19;
	v18 =	vcvt.s32.f32 v24  }
0x12a: {  	s12 =	sor.u32 s2, s5;
	v17 =	vmul.f32 v20, v19;
	v29 =	vcvt.s32.f32 v39;
	[tilespmem:$0x1FEC0] =	vst v11  }
0x12b: {  	v36 =	vcvt.s32.f32 v52;
	v12 =	vmul.f32 v58, v27;
	v39 =	vld [tilespmem:s12+$0x0]  }
0x12c: {  	v13 =	vmul.f32 v7, v27;
	v15 =	vmul.f32 v8, v27  }
0x12d: {  	v40 =	vmul.f32 v55, v27;
	v58 =	vmul.f32 v56, v27  }
0x12e: {  	s14 =	sor.u32 s18, s5;
	v51 =	vmul.f32 v63, v27;
	v56 =	vmul.f32 v5, v27  }
0x12f: {  	v50 =	vmul.f32 v6, v27;
	v52 =	vmul.f32 v60, v27;
	v54 =	vld [tilespmem:s14+$0x0]  }
0x130: {  	s15 =	sadd.s32 $0x30, s6;
	v11 =	vmul.f32 v57, v27;
	v6 =	vmul.f32 v3, v39  }
0x131: {  	s16 =	sor.u32 $0x200, s15;
	v24 =	vimm.f32 $0.0e+00;
	v8 =	vmul.f32 v16, v39;
	v20 =	vmul.f32 v9, v39  }
0x132: {  	s17 =	sor.u32 $0x280, s15;
	v0 =	vadd.f32 v0, v24;
	v14 =	vld [tilespmem:s16+$0x0];
	v42 =	vmul.f32 v10, v39;
	v63 =	vmul.f32 v43, v39  }
0x133: {  	s18 =	sor.u32 $0x300, s15;
	v1 =	vadd.f32 v1, v24;
	v16 =	vld [tilespmem:s17+$0x0];
	v4 =	vmul.f32 v25, v39;
	v3 =	vmul.f32 v26, v39  }
0x134: {  	s21 =	sadd.s32 $0x20, s6;
	s22 =	sor.u32 $0x380, s15;
	v2 =	vadd.f32 v2, v24;
	v9 =	vld [tilespmem:s18+$0x0];
	v26 =	vmul.f32 v32, v54;
	v5 =	vmul.f32 v59, v39  }
0x135: {  	s23 =	sor.u32 $0x200, s21;
	v17 =	vadd.f32 v17, v24;
	v25 =	vld [tilespmem:s22+$0x0];
	v33 =	vmul.f32 v33, v54;
	v34 =	vmul.f32 v34, v54  }
0x136: {  	s24 =	sor.u32 $0x280, s21;
	v32 =	vld [tilespmem:s23+$0x0];
	v59 =	vmul.f32 v28, v39;
	v35 =	vmul.f32 v35, v54;
	v0 =	vadd.f32 v26, v0  }
0x137: {  	s25 =	sor.u32 $0x300, s21;
	v28 =	vld [tilespmem:s24+$0x0];
	v60 =	vmul.f32 v44, v39;
	v7 =	vadd.f32 v33, v1;
	v2 =	vadd.f32 v34, v2  }
0x138: {  	s1 =	sadd.s32 $0x10, s6;
	s26 =	sor.u32 $0x380, s21;
	v43 =	vcvt.s32.f32 v14;
	v26 =	vld [tilespmem:s25+$0x0];
	v17 =	vadd.f32 v35, v17;
	v55 =	vadd.f32 v6, v0  }
0x139: {  	s28 =	sor.u32 $0x200, s1;
	v33 =	vld [tilespmem:s26+$0x0];
	v6 =	vmul.f32 v30, v54;
	v0 =	vmul.f32 v37, v54;
	v57 =	vadd.f32 v8, v7  }
0x13a: {  	s31 =	sor.u32 $0x380, s1;
	v34 =	vld [tilespmem:s28+$0x0];
	v7 =	vmul.f32 v31, v19;
	v17 =	vadd.f32 v42, v17;
	v42 =	vmul.f32 v36, v19  }
0x13b: {  	v1 =	vld [tilespmem:s31+$0x0];
	v16 =	vcvt.s32.f32 v16;
	v44 =	vcvt.s32.f32 v9  }
0x13c: {  	v2 =	vadd.f32 v20, v2;
	v14 =	vcvt.s32.f32 v25;
	v32 =	vcvt.s32.f32 v32  }
0x13d: {  	v10 =	vcvt.s32.f32 v28;
	v31 =	vadd.f32 v11, v55;
	v30 =	vadd.f32 v12, v57  }
0x13e: {  	s29 =	sor.u32 $0x280, s1;
	v8 =	vld [tilespmem:$0x1FED0];
	v12 =	vmul.f32 v18, v19;
	v57 =	vadd.f32 v13, v2;
	v18 =	vmul.f32 v29, v19  }
0x13f: {  	s30 =	sor.u32 $0x300, s1;
	v25 =	vld [tilespmem:s29+$0x0];
	v28 =	vadd.f32 v15, v17;
	v20 =	vcvt.s32.f32 v26;
	v33 =	vcvt.s32.f32 v33  }
0x140: {  	v9 =	vld [tilespmem:s30+$0x0];
	v17 =	vadd.f32 v42, v24;
	v11 =	vcvt.s32.f32 v34;
	v13 =	vcvt.s32.f32 v1  }
0x141: {  	v29 =	vimm.f32 $0.0e+00;
	v1 =	vmul.f32 v43, v27;
	v2 =	vmul.f32 v16, v27  }
0x142: {  	v10 =	vmul.f32 v10, v39;
	v14 =	vmul.f32 v14, v27;
	v12 =	vadd.f32 v12, v24  }
0x143: {  	v16 =	vadd.f32 v18, v24;
	v8 =	vmul.f32 v8, v19;
	v11 =	vmul.f32 v11, v54  }
0x144: {  	v18 =	vadd.f32 v38, v24;
	v13 =	vmul.f32 v13, v54;
	v55 =	vcvt.s32.f32 v25  }
0x145: {  	v9 =	vcvt.s32.f32 v9;
	v25 =	vimm.f32 $0.0e+00;
	v11 =	vadd.f32 v11, v12  }
0x146: {  	v12 =	vmul.f32 v32, v39;
	v18 =	vadd.f32 v13, v18;
	v15 =	vmul.f32 v55, v54  }
0x147: {  	v32 =	vimm.f32 $0.0e+00;
	v9 =	vmul.f32 v9, v54;
	v55 =	vmul.f32 v33, v39  }
0x148: {  	v12 =	vadd.f32 v12, v11;
	v15 =	vadd.f32 v15, v16;
	v16 =	vmul.f32 v20, v39  }
0x149: {  	v17 =	vadd.f32 v9, v17;
	v9 =	vmul.f32 v44, v27;
	v11 =	vadd.f32 v55, v18  }
0x14a: {  	v20 =	vimm.f32 $0.0e+00;
	v18 =	vimm.f32 $0.0e+00;
	v13 =	vadd.f32 v10, v15  }
0x14b: {  	s21 =	simm.s32 $0x0;
	s22 =	simm.s32 $0x200;
	s23 =	simm.s32 $0x40;
	v10 =	vadd.f32 v16, v17;
	v16 =	vimm.f32 $0.0e+00;
	v17 =	vimm.f32 $0.0e+00  }
.LBB2_5:
0x14c: {  	v1 =	vadd.f32 v1, v12  }
0x14d: {  	v9 =	vadd.f32 v9, v10  }
0x14e: {  	[tilespmem:$0x1FDD0] =	vst v1;
	v1 =	vadd.f32 v2, v13;
	v10 =	vadd.f32 v7, v24;
	v7 =	vld [tilespmem:$0x1FE90]  }
0x14f: {  	[tilespmem:$0x1FE10] =	vst v9;
	v9 =	vadd.f32 v14, v11;
	v11 =	vadd.f32 v8, v32;
	v8 =	vld [tilespmem:$0x1FEA0]  }
0x150: {  	s24 =	sand.u32 $0x40, s23;
	s6 =	sand.u32 $0x1C00, s22;
	s20 =	sadd.s32 $0x40, s20  }
0x151: {  	s0 =	sor.u32 s24, s6;
	v2 =	vmul.f32 v61, v19;
	[tilespmem:$0x1FDE0] =	vst v1;
	v1 =	vld [tilespmem:s20+$0x0]  }
0x152: {  	[tilespmem:$0x1FE20] =	vst v9;
	v9 =	vld [tilespmem:s0+$0x0];
	v0 =	vadd.f32 v0, v11  }
0x153: {  	v15 =	vmul.f32 v62, v19;
	v2 =	vadd.f32 v2, v29;
	v6 =	vadd.f32 v6, v10;
	v11 =	vld [tilespmem:s0+$0x180]  }
0x154: {  	s1 =	sor.u32 s22, s23;
	v0 =	vadd.f32 v4, v0;
	v12 =	vmul.f32 v7, v54;
	v7 =	vld [tilespmem:s0+$0x80];
	v14 =	vmul.f32 v8, v54  }
0x155: {  	s1 =	sor.u32 $0x380, s1;
	v13 =	vadd.f32 v15, v16;
	v6 =	vadd.f32 v63, v6;
	v8 =	vld [tilespmem:s0+$0x100];
	s0 =	sor.u32 $0x30, s24  }
0x156: {  	s14 =	sor.u32 s0, s6;
	v0 =	vadd.f32 v58, v0;
	v2 =	vadd.f32 v14, v2;
	v14 =	vld [tilespmem:s1+$0x0]  }
0x157: {  	v6 =	vadd.f32 v40, v6;
	v4 =	vld [tilespmem:s14+$0x0]  }
0x158: {  	v12 =	vadd.f32 v12, v13;
	[tilespmem:$0x1FDF0] =	vst v0;
	v0 =	vld [tilespmem:s14+$0x100]  }
0x159: {  	[tilespmem:$0x1FDB0] =	vst v6;
	v6 =	vld [tilespmem:$0x1FEC0]  }
0x15a: {  	s4 =	sor.u32 $0x2080, s6;
	s1 =	sor.u32 $0x20, s24;
	v3 =	vadd.f32 v3, v12;
	v12 =	vld [tilespmem:$0x1FEB0]  }
0x15b: {  	s5 =	sor.u32 $0x2100, s6;
	s30 =	sor.u32 s1, s4;
	v2 =	vadd.f32 v5, v2;
	v5 =	vld [tilespmem:s14+$0x80]  }
0x15c: {  	[tilespmem:$0x1FD90] =	vst v30;
	s2 =	sor.u32 $0x2000, s6;
	v16 =	vmul.f32 v41, v19;
	s31 =	sor.u32 s1, s5;
	v30 =	vld [tilespmem:s30+$0x0];
	v3 =	vadd.f32 v51, v3  }
0x15d: {  	[tilespmem:$0x1FD80] =	vst v31;
	v15 =	vmul.f32 v48, v19;
	s15 =	sor.u32 s0, s2;
	v31 =	vld [tilespmem:s31+$0x0]  }
0x15e: {  	s8 =	sor.u32 $0x2200, s6;
	v13 =	vmul.f32 v49, v54;
	v2 =	vadd.f32 v56, v2;
	[tilespmem:$0x1FE60] =	vst v3;
	v3 =	vadd.f32 v16, v25;
	v16 =	vld [tilespmem:s15+$0x0]  }
0x15f: {  	v6 =	vmul.f32 v6, v19;
	s15 =	sor.u32 s1, s8;
	v12 =	vmul.f32 v12, v19;
	v19 =	vmov v1;
	v1 =	vld [tilespmem:s14+$0x180]  }
0x160: {  	v10 =	vmul.f32 v53, v54;
	s17 =	sor.u32 s0, s5;
	[tilespmem:$0x1FE00] =	vst v2;
	v2 =	vadd.f32 v15, v20;
	v38 =	vld [tilespmem:s15+$0x0]  }
0x161: {  	s14 =	sor.u32 s1, s6;
	v3 =	vadd.f32 v13, v3;
	v13 =	vld [tilespmem:s17+$0x0]  }
0x162: {  	s9 =	sor.u32 $0x2300, s6;
	s16 =	sor.u32 s0, s4;
	v2 =	vadd.f32 v10, v2;
	v10 =	vmul.f32 v23, v39;
	v23 =	vld [tilespmem:s14+$0x180]  }
0x163: {  	s7 =	sor.u32 $0x2180, s6;
	v6 =	vadd.f32 v6, v17;
	v17 =	vmul.f32 v46, v54;
	s17 =	sor.u32 s1, s9;
	v12 =	vadd.f32 v12, v18;
	v18 =	vld [tilespmem:s16+$0x0]  }
0x164: {  	s12 =	sor.u32 $0x2280, s6;
	s18 =	sor.u32 s0, s7;
	v46 =	vld [tilespmem:s17+$0x0]  }
0x165: {  	v15 =	vmul.f32 v47, v54;
	s16 =	sor.u32 s1, s12;
	v6 =	vadd.f32 v17, v6;
	v17 =	vld [tilespmem:s18+$0x0]  }
0x166: {  	s10 =	sor.u32 $0x2380, s6;
	s25 =	sor.u32 s0, s8;
	v41 =	vld [tilespmem:s16+$0x0]  }
0x167: {  	s18 =	sor.u32 s1, s10;
	v12 =	vadd.f32 v15, v12;
	v15 =	vmul.f32 v22, v39;
	v22 =	vld [tilespmem:s25+$0x0]  }
0x168: {  	v2 =	vadd.f32 v59, v2;
	s16 =	sor.u32 s24, s4;
	v47 =	vld [tilespmem:s18+$0x0]  }
0x169: {  	v61 =	vld [tilespmem:s16+$0x0];
	s18 =	sor.u32 s24, s7  }
0x16a: {  	s26 =	sor.u32 s0, s12;
	v3 =	vadd.f32 v60, v3;
	v2 =	vadd.f32 v50, v2;
	v32 =	vld [tilespmem:s18+$0x0]  }
0x16b: {  	v21 =	vmul.f32 v21, v27;
	s29 =	sor.u32 s1, s2;
	v10 =	vadd.f32 v10, v12;
	v6 =	vadd.f32 v15, v6;
	v15 =	vld [tilespmem:s26+$0x0]  }
0x16c: {  	v12 =	vmul.f32 v45, v27;
	v27 =	vld [tilespmem:s29+$0x0];
	[tilespmem:$0x1FE40] =	vst v2;
	v2 =	vadd.f32 v52, v3  }
0x16d: {  	s3 =	sor.u32 s0, s9;
	v3 =	vadd.f32 v21, v10;
	v10 =	vld [tilespmem:s14+$0x80]  }
0x16e: {  	[tilespmem:$0x1FE30] =	vst v2;
	v2 =	vld [tilespmem:s3+$0x0]  }
0x16f: {  	[tilespmem:$0x1FE70] =	vst v3;
	v3 =	vadd.f32 v12, v6;
	v6 =	vld [tilespmem:s14+$0x0]  }
0x170: {  	v9 =	vcvt.s32.f32 v9;
	v11 =	vcvt.s32.f32 v11;
	s3 =	sor.u32 $0x10, s24;
	v12 =	vld [tilespmem:s14+$0x100];
	s14 =	sor.u32 s1, s7  }
0x171: {  	v7 =	vcvt.s32.f32 v7;
	v8 =	vcvt.s32.f32 v8;
	s6 =	sor.u32 s3, s6;
	v39 =	vld [tilespmem:s14+$0x0]  }
0x172: {  	v14 =	vcvt.s32.f32 v14;
	v4 =	vcvt.s32.f32 v4;
	v48 =	vld [tilespmem:s6+$0x0]  }
0x173: {  	v0 =	vcvt.s32.f32 v0;
	v5 =	vcvt.s32.f32 v5;
	v49 =	vld [tilespmem:s6+$0x80]  }
0x174: {  	v20 =	vcvt.s32.f32 v30;
	v42 =	vcvt.s32.f32 v31;
	v33 =	vld [tilespmem:s6+$0x100]  }
0x175: {  	v31 =	vmul.f32 v8, v19;
	v11 =	vmul.f32 v11, v19;
	s25 =	sor.u32 s3, s2;
	v51 =	vld [tilespmem:s6+$0x180]  }
0x176: {  	v16 =	vcvt.s32.f32 v16;
	v1 =	vcvt.s32.f32 v1;
	s26 =	sor.u32 s3, s4;
	v34 =	vld [tilespmem:s25+$0x0]  }
0x177: {  	v44 =	vcvt.s32.f32 v38;
	v13 =	vcvt.s32.f32 v13;
	s29 =	sor.u32 s3, s7;
	v53 =	vld [tilespmem:s26+$0x0]  }
0x178: {  	v60 =	vcvt.s32.f32 v23;
	v18 =	vcvt.s32.f32 v18;
	s15 =	sor.u32 s3, s10;
	v55 =	vld [tilespmem:s29+$0x0]  }
0x179: {  	v17 =	vcvt.s32.f32 v17;
	s2 =	sor.u32 s24, s2;
	v63 =	vcvt.s32.f32 v27;
	v27 =	vld [tilespmem:s15+$0x0]  }
0x17a: {  	s28 =	sor.u32 s0, s10;
	v45 =	vcvt.s32.f32 v41;
	v21 =	vcvt.s32.f32 v46;
	v30 =	vld [tilespmem:s2+$0x0]  }
0x17b: {  	v59 =	vcvt.s32.f32 v22;
	v22 =	vcvt.s32.f32 v47;
	s14 =	sor.u32 s3, s9;
	s29 =	sand.u32 $0x380, s23;
	[tilespmem:$0x1FE80] =	vst v3;
	v3 =	vld [tilespmem:s28+$0x0]  }
0x17c: {  	s17 =	sor.u32 s24, s5;
	v15 =	vcvt.s32.f32 v15;
	s28 =	sor.u32 s3, s5;
	v56 =	vld [tilespmem:s14+$0x0];
	s5 =	sor.u32 $0x8800, s29;
	v10 =	vcvt.s32.f32 v10  }
0x17d: {  	[tilespmem:$0x1FDA0] =	vst v21;
	v35 =	vld [tilespmem:s28+$0x0];
	s28 =	sor.u32 s24, s9;
	s9 =	sor.u32 s3, s5;
	v2 =	vcvt.s32.f32 v2;
	v6 =	vcvt.s32.f32 v6  }
0x17e: {  	s30 =	sor.u32 s3, s8;
	[tilespmem:$0x1FE50] =	vst v22;
	v54 =	vld [tilespmem:s9+$0x0];
	v12 =	vcvt.s32.f32 v12;
	v43 =	vcvt.s32.f32 v39  }
0x17f: {  	s25 =	sor.u32 s24, s8;
	[tilespmem:$0x1FDC0] =	vst v2;
	v2 =	vld [tilespmem:s30+$0x0];
	v21 =	vcvt.s32.f32 v48;
	v22 =	vcvt.s32.f32 v49  }
0x180: {  	s26 =	sor.u32 s24, s12;
	v23 =	vcvt.s32.f32 v33;
	v33 =	vld [tilespmem:s25+$0x0];
	v24 =	vcvt.s32.f32 v51  }
0x181: {  	p0 =	por !p0, !p0;
	s4 =	simm.s32 $0x1;
	s0 =	sor.u32 s0, s5;
	v25 =	vcvt.s32.f32 v34;
	v34 =	vld [tilespmem:s26+$0x0];
	v26 =	vcvt.s32.f32 v53  }
0x182: {  	s4 =	simm.s32 @!p0 $0x0;
	s8 =	sor.u32 s1, s5;
	v46 =	vcvt.s32.f32 v27;
	v27 =	vld [tilespmem:s0+$0x0];
	v3 =	vcvt.s32.f32 v3  }
0x183: {  	s31 =	sor.u32 s3, s12;
	s4 =	sshll.u32 s4, $0x6;
	v49 =	vmov v28;
	v28 =	vcvt.s32.f32 v30;
	v39 =	vld [tilespmem:s8+$0x0];
	v29 =	vcvt.s32.f32 v35  }
0x184: {  	s30 =	sor.u32 s24, s10;
	v47 =	vcvt.s32.f32 v56;
	[tilespmem:$0x1FD70] =	vst v3;
	v3 =	vld [tilespmem:s31+$0x0];
	s31 =	sadd.s32 s4, s22;
	v22 =	vmul.f32 v22, v54  }
0x185: {  	[tilespmem:$0x1FE90] =	vst v29;
	v29 =	vcvt.s32.f32 v55;
	s7 =	sor.u32 $0x300, s31;
	s10 =	sadd.s32 $0x30, s31;
	v55 =	vcvt.s32.f32 v2;
	v2 =	vld [tilespmem:s30+$0x0]  }
0x186: {  	v23 =	vmul.f32 v23, v54;
	v24 =	vmul.f32 v24, v54;
	s16 =	sadd.s32 $0x20, s31;
	v58 =	vld [tilespmem:s7+$0x0];
	s12 =	sor.u32 $0x200, s10  }
0x187: {  	s26 =	sadd.s32 $0x10, s31;
	v48 =	vcvt.s32.f32 v33;
	v36 =	vmul.f32 v0, v27;
	s18 =	sor.u32 $0x200, s16;
	v0 =	vld [tilespmem:s12+$0x0]  }
0x188: {  	v41 =	vcvt.s32.f32 v34;
	v34 =	vmul.f32 v4, v27;
	s30 =	sor.u32 $0x300, s26;
	v8 =	vld [tilespmem:s18+$0x0]  }
0x189: {  	v37 =	vmul.f32 v1, v27;
	v40 =	vmul.f32 v16, v27;
	v38 =	vld [tilespmem:s30+$0x0]  }
0x18a: {  	v35 =	vld [tilespmem:s28+$0x0];
	v51 =	vmul.f32 v13, v27;
	v50 =	vmul.f32 v59, v27  }
0x18b: {  	[tilespmem:$0x1FEA0] =	vst v29;
	v29 =	vcvt.s32.f32 v61;
	v33 =	vcvt.s32.f32 v58  }
0x18c: {  	v58 =	vmul.f32 v18, v27;
	v18 =	vcvt.s32.f32 v0  }
0x18d: {  	v0 =	vmul.f32 v26, v54;
	v26 =	vcvt.s32.f32 v8  }
0x18e: {  	v8 =	vmul.f32 v29, v19;
	v29 =	vcvt.s32.f32 v38;
	v38 =	vld [tilespmem:$0x1FD80]  }
0x18f: {  	v13 =	vmul.f32 v6, v39;
	v30 =	vcvt.s32.f32 v35  }
0x190: {  	v62 =	vld [tilespmem:s17+$0x0];
	s6 =	sor.u32 $0x280, s31;
	v52 =	vmul.f32 v15, v27;
	v10 =	vmul.f32 v10, v39  }
0x191: {  	s4 =	sor.u32 $0x200, s31;
	v56 =	vld [tilespmem:s6+$0x0];
	v12 =	vmul.f32 v12, v39;
	[tilespmem:$0x1FEB0] =	vst v30;
	v30 =	vmul.f32 v9, v19  }
0x192: {  	v15 =	vmul.f32 v60, v39;
	v53 =	vcvt.s32.f32 v3;
	v3 =	vld [tilespmem:s4+$0x0]  }
0x193: {  	s14 =	sor.u32 $0x280, s10;
	v4 =	vmul.f32 v20, v39;
	v59 =	vmul.f32 v44, v39;
	v30 =	vadd.f32 v30, v38;
	v38 =	vld [tilespmem:$0x1FD90]  }
0x194: {  	s15 =	sor.u32 $0x300, s10;
	v60 =	vmul.f32 v45, v39;
	v1 =	vld [tilespmem:s14+$0x0];
	v2 =	vcvt.s32.f32 v2  }
0x195: {  	v11 =	vadd.f32 v11, v49;
	s17 =	sor.u32 $0x380, s10;
	v61 =	vcvt.s32.f32 v32;
	v6 =	vld [tilespmem:s15+$0x0];
	v35 =	vmul.f32 v5, v27  }
0x196: {  	v31 =	vadd.f32 v31, v57;
	s29 =	sor.u32 $0x280, s26;
	v5 =	vmul.f32 v43, v39;
	[tilespmem:$0x1FEC0] =	vst v2;
	v2 =	vmul.f32 v7, v19;
	v7 =	vld [tilespmem:s17+$0x0]  }
0x197: {  	v11 =	vadd.f32 v24, v11;
	v45 =	vld [tilespmem:s29+$0x0];
	v9 =	vmul.f32 v14, v19;
	v32 =	vcvt.s32.f32 v56  }
0x198: {  	s24 =	sor.u32 $0x280, s16;
	v24 =	vld [tilespmem:$0x1FDB0];
	v14 =	vcvt.s32.f32 v3;
	v3 =	vmul.f32 v42, v39;
	v2 =	vadd.f32 v2, v38  }
0x199: {  	s28 =	sor.u32 $0x380, s16;
	v16 =	vld [tilespmem:s24+$0x0];
	v11 =	vadd.f32 v15, v11;
	v42 =	vcvt.s32.f32 v1;
	v1 =	vmul.f32 v21, v54  }
0x19a: {  	s25 =	sor.u32 $0x300, s16;
	v20 =	vld [tilespmem:s28+$0x0];
	v56 =	vmul.f32 v17, v27;
	v43 =	vcvt.s32.f32 v6;
	v22 =	vadd.f32 v22, v2  }
0x19b: {  	s31 =	sor.u32 $0x380, s26;
	v17 =	vld [tilespmem:s25+$0x0];
	v6 =	vmul.f32 v25, v54;
	v44 =	vcvt.s32.f32 v7;
	v30 =	vadd.f32 v1, v30  }
0x19c: {  	s2 =	sor.u32 $0x200, s26;
	v25 =	vld [tilespmem:s31+$0x0];
	v7 =	vmul.f32 v28, v19;
	v28 =	vcvt.s32.f32 v45;
	v10 =	vadd.f32 v10, v22  }
0x19d: {  	v21 =	vld [tilespmem:s2+$0x0];
	v1 =	vmul.f32 v18, v27;
	v18 =	vadd.f32 v23, v31;
	v13 =	vadd.f32 v13, v30  }
0x19e: {  	v30 =	vadd.f32 v35, v10;
	v10 =	vmul.f32 v28, v54;
	v28 =	vadd.f32 v37, v11;
	v11 =	vld [tilespmem:$0x1FDD0]  }
0x19f: {  	v45 =	vld [tilespmem:$0x1FD70]  }
0x1a0: {  	v16 =	vcvt.s32.f32 v16;
	v23 =	vld [tilespmem:$0x1FDA0];
	v12 =	vadd.f32 v12, v18  }
0x1a1: {  	v20 =	vcvt.s32.f32 v20;
	v14 =	vmul.f32 v14, v19;
	v18 =	vld [tilespmem:$0x1FE20]  }
0x1a2: {  	v32 =	vmul.f32 v32, v19;
	v21 =	vcvt.s32.f32 v21;
	v57 =	vadd.f32 v36, v12;
	v12 =	vld [tilespmem:$0x1FDE0]  }
0x1a3: {  	v33 =	vmul.f32 v33, v19;
	v15 =	vmul.f32 v16, v39;
	v11 =	vadd.f32 v14, v11;
	v14 =	vld [tilespmem:$0x1FE10]  }
0x1a4: {  	v25 =	vcvt.s32.f32 v25;
	v16 =	vmul.f32 v21, v54;
	v21 =	vld [tilespmem:$0x1FDC0]  }
0x1a5: {  	v17 =	vcvt.s32.f32 v17;
	v31 =	vadd.f32 v34, v13;
	v13 =	vmul.f32 v29, v54;
	v29 =	vld [tilespmem:$0x1FE00]  }
0x1a6: {  	s21 =	sadd.s32 $0x4, s21;
	v22 =	vmul.f32 v26, v39;
	v9 =	vadd.f32 v9, v18;
	v18 =	vmul.f32 v25, v54;
	v25 =	vld [tilespmem:$0x1FE30]  }
0x1a7: {  	p1 =	slt.u32 s21, $0x3C;
	v12 =	vadd.f32 v32, v12;
	v32 =	vld [tilespmem:$0x1FDF0];
	v11 =	vadd.f32 v16, v11;
	v16 =	vmul.f32 v17, v39  }
.Ltmp1:
0x1a8: {  	v17 =	vadd.f32 v18, v9;
	v18 =	vmul.f32 v20, v39;
	v20 =	vld [tilespmem:$0x1FE40];
	v14 =	vadd.f32 v33, v14;
	(pc) =	sbr.rel @p1 .LBB2_5-.Ltmp1, $4  }
0x1a9: {  	v62 =	vcvt.s32.f32 v62;
	v10 =	vadd.f32 v10, v12;
	v12 =	vadd.f32 v22, v11;
	v22 =	vld [tilespmem:$0x1FE50]  }
0x1aa: {  	v63 =	vmul.f32 v63, v39;
	v11 =	vadd.f32 v18, v17;
	v18 =	vld [tilespmem:$0x1FE70];
	v14 =	vadd.f32 v13, v14  }
0x1ab: {  	v49 =	vmov v53;
	v2 =	vmul.f32 v42, v27;
	v9 =	vmul.f32 v43, v27;
	v17 =	vld [tilespmem:$0x1FE80]  }
0x1ac: {  	s23 =	sadd.s32 $0x40, s23;
	s22 =	sadd.s32 $0x200, s22;
	v53 =	vmovc v55;
	v13 =	vadd.f32 v15, v10;
	v10 =	vadd.f32 v16, v14;
	v16 =	vld [tilespmem:$0x1FE60];
	v14 =	vmul.f32 v44, v27  }
0x1ad: {  	_ = 	snop  }
0x1ae: {  	v9 =	vadd.f32 v9, v10;
	v10 =	vadd.f32 v14, v11;
	v11 =	vld [tilespmem:$0x1FE90]  }
0x1af: {  	v14 =	vld [tilespmem:$0x1FEA0];
	_ =	sdelay $0x1  }
0x1b0: {  	v1 =	vadd.f32 v1, v12;
	v12 =	vmul.f32 v61, v19  }
0x1b1: {  	v15 =	vmul.f32 v62, v19;
	v8 =	vadd.f32 v8, v32  }
0x1b2: {  	v2 =	vadd.f32 v2, v13;
	v12 =	vadd.f32 v12, v29  }
0x1b3: {  	v13 =	vadd.f32 v15, v16;
	v11 =	vmul.f32 v11, v54;
	v14 =	vmul.f32 v14, v54  }
0x1b4: {  	v0 =	vadd.f32 v0, v8  }
0x1b5: {  	v8 =	vadd.f32 v11, v13;
	v11 =	vadd.f32 v14, v12;
	_ =	sdelay $0x1  }
0x1b6: {  	v5 =	vadd.f32 v5, v11;
	v11 =	vld [tilespmem:$0x1FEB0];
	_ =	sdelay $0x2  }
0x1b7: {  	s20 =	sshll.u32 s19, $0xC;
	p0 =	seq.s32 s19, $0xF;
	s0 =	rddreg [dreg:$0x7]  }
0x1b8: {  	v7 =	vadd.f32 v7, v24;
	s0 =	sadd.s32 @!p0 s20, s0;
	s1 =	simm.s32 @!p0 $0x0  }
0x1b9: {  	[tilespmem:s1], [sflag:$0x1] =	stream.linear.gather @!p0 [hbm4b:s0+s1], $0x4000, $0x38;
	v11 =	vmul.f32 v11, v19;
	[tilespmem:$0x9600] =	vst v63  }
0x1ba: {  	v6 =	vadd.f32 v6, v7;
	[tilespmem:$0x9000] =	vst v1;
	v1 =	vld [tilespmem:$0x1FEC0]  }
0x1bb: {  	[tilespmem:$0x9080] =	vst v2;
	v2 =	vmul.f32 v47, v54;
	v0 =	vadd.f32 v4, v0;
	v11 =	vadd.f32 v11, v18  }
0x1bc: {  	v6 =	vadd.f32 v63, v6;
	v4 =	vmul.f32 v48, v19  }
0x1bd: {  	[tilespmem:$0x9100] =	vst v9;
	v9 =	vmul.f32 v23, v39;
	v0 =	vadd.f32 v58, v0;
	v2 =	vadd.f32 v2, v11  }
0x1be: {  	v7 =	vmul.f32 v53, v54;
	[tilespmem:$0x8E00] =	vst v31;
	v6 =	vadd.f32 v40, v6;
	v4 =	vadd.f32 v4, v20  }
0x1bf: {  	v1 =	vmul.f32 v1, v19;
	[tilespmem:$0x9280] =	vst v0;
	v0 =	vmul.f32 v21, v27;
	v2 =	vadd.f32 v9, v2  }
0x1c0: {  	[tilespmem:$0x8E80] =	vst v30;
	v4 =	vadd.f32 v7, v4;
	v3 =	vadd.f32 v3, v8;
	v8 =	vmul.f32 v41, v19  }
0x1c1: {  	[tilespmem:$0x8F00] =	vst v57;
	v7 =	vmul.f32 v46, v54;
	v1 =	vadd.f32 v1, v17;
	v0 =	vadd.f32 v0, v2  }
0x1c2: {  	v12 =	vmul.f32 v49, v54;
	[tilespmem:$0x9200] =	vst v6;
	v8 =	vadd.f32 v8, v25  }
0x1c3: {  	v6 =	vmul.f32 v22, v39;
	v3 =	vadd.f32 v51, v3;
	v1 =	vadd.f32 v7, v1;
	[tilespmem:$0x9500] =	vst v0;
	v0 =	vld [tilespmem:$0x1FFD0]  }
0x1c4: {  	[tilespmem:$0x8F80] =	vst v28;
	v4 =	vadd.f32 v59, v4;
	v8 =	vadd.f32 v12, v8  }
0x1c5: {  	v5 =	vadd.f32 v56, v5;
	[tilespmem:$0x9300] =	vst v3;
	v1 =	vadd.f32 v6, v1;
	v3 =	vmul.f32 v45, v27  }
0x1c6: {  	[tilespmem:$0x9180] =	vst v10;
	v4 =	vadd.f32 v50, v4;
	v7 =	vadd.f32 v60, v8  }
0x1c7: {  	[tilespmem:$0x9380] =	vst v5;
	v1 =	vadd.f32 v3, v1  }
0x1c8: {  	[tilespmem:$0x9400] =	vst v4;
	v6 =	vadd.f32 v52, v7  }
0x1c9: {  	[tilespmem:$0x9580] =	vst v1  }
0x1ca: {  	v3 =	vld [tilespmem:$0x1FEE0];
	[tilespmem:$0x9480] =	vst v6  }
0x1cb: {  	v0 =	vld.idx.msk [tilespmem:v0+s13+$0x0], $0xffff  }
0x1cc: {  	v1 =	vld [tilespmem:$0x1FEF0];
	_ =	sdelay $0x1  }
0x1cd: {  	v2 =	vld [tilespmem:$0x1FF00];
	_ =	sdelay $0x1  }
0x1ce: {  	v0 =	vadd.f32 v0, v3;
	v3 =	vld [tilespmem:$0x1FF10];
	_ =	sdelay $0x3  }
0x1cf: {  	v1 =	vld.idx.msk [tilespmem:v1+s13+$0x0], $0xffff;
	_ =	sdelay $0x1  }
0x1d0: {  	v2 =	vld.idx.msk [tilespmem:v2+s13+$0x0], $0xffff;
	_ =	sdelay $0x1  }
0x1d1: {  	v3 =	vld.idx.msk [tilespmem:v3+s13+$0x0], $0xffff  }
0x1d2: {  	v0 =	vadd.f32 v1, v0;
	v1 =	vld [tilespmem:$0x1FF20];
	_ =	sdelay $0x1  }
0x1d3: {  	v0 =	vadd.f32 v2, v0;
	v2 =	vld [tilespmem:$0x1FF30];
	_ =	sdelay $0x1  }
0x1d4: {  	v0 =	vadd.f32 v3, v0;
	v3 =	vld [tilespmem:$0x1FF40];
	_ =	sdelay $0x3  }
0x1d5: {  	v1 =	vld.idx.msk [tilespmem:v1+s13+$0x0], $0xffff;
	_ =	sdelay $0x1  }
0x1d6: {  	v2 =	vld.idx.msk [tilespmem:v2+s13+$0x0], $0xffff;
	_ =	sdelay $0x1  }
0x1d7: {  	v3 =	vld.idx.msk [tilespmem:v3+s13+$0x0], $0xffff  }
0x1d8: {  	v0 =	vadd.f32 v1, v0;
	v1 =	vld [tilespmem:$0x1FF50];
	_ =	sdelay $0x1  }
0x1d9: {  	v0 =	vadd.f32 v2, v0;
	v2 =	vld [tilespmem:$0x1FF60];
	_ =	sdelay $0x1  }
0x1da: {  	v0 =	vadd.f32 v3, v0;
	v3 =	vld [tilespmem:$0x1FF70];
	_ =	sdelay $0x3  }
0x1db: {  	v1 =	vld.idx.msk [tilespmem:v1+s13+$0x0], $0xffff;
	_ =	sdelay $0x1  }
0x1dc: {  	v2 =	vld.idx.msk [tilespmem:v2+s13+$0x0], $0xffff;
	_ =	sdelay $0x1  }
0x1dd: {  	v3 =	vld.idx.msk [tilespmem:v3+s13+$0x0], $0xffff  }
0x1de: {  	v0 =	vadd.f32 v1, v0;
	v1 =	vld [tilespmem:$0x1FF80];
	_ =	sdelay $0x1  }
0x1df: {  	v0 =	vadd.f32 v2, v0;
	v2 =	vld [tilespmem:$0x1FF90];
	_ =	sdelay $0x1  }
0x1e0: {  	v0 =	vadd.f32 v3, v0;
	v3 =	vld [tilespmem:$0x1FFA0];
	_ =	sdelay $0x3  }
0x1e1: {  	v1 =	vld.idx.msk [tilespmem:v1+s13+$0x0], $0xffff;
	_ =	sdelay $0x1  }
0x1e2: {  	v2 =	vld.idx.msk [tilespmem:v2+s13+$0x0], $0xffff;
	_ =	sdelay $0x1  }
0x1e3: {  	v3 =	vld.idx.msk [tilespmem:v3+s13+$0x0], $0xffff  }
0x1e4: {  	v0 =	vadd.f32 v1, v0;
	v1 =	vld [tilespmem:$0x1FFB0];
	_ =	sdelay $0x1  }
0x1e5: {  	v0 =	vadd.f32 v2, v0;
	v2 =	vld [tilespmem:$0x1FFC0];
	_ =	sdelay $0x1  }
0x1e6: {  	v0 =	vadd.f32 v3, v0;
	v3 =	vld [tilespmem:$0x1FFE0];
	_ =	sdelay $0x3  }
0x1e7: {  	v1 =	vld.idx.msk [tilespmem:v1+s13+$0x0], $0xffff;
	_ =	sdelay $0x1  }
0x1e8: {  	v2 =	vld.idx.msk [tilespmem:v2+s13+$0x0], $0xffff;
	_ =	sdelay $0x1  }
0x1e9: {  	v3 =	vld.idx.msk [tilespmem:v3+s13+$0x0], $0xffff  }
0x1ea: {  	v0 =	vadd.f32 v1, v0;
	_ =	sdelay $0x1  }
0x1eb: {  	v0 =	vadd.f32 v2, v0;
	_ =	sdelay $0x1  }
0x1ec: {  	s7 =	sshll.u32 s19, $0x5;
	v0 =	vadd.f32 v3, v0  }
0x1ed: {  	s21 =	sand.u32 $0x3FFFFFE0, s7  }
0x1ee: {  	s2 =	simm.s32 $0x0;
	s4 =	simm.s32 $0x2;
	[tilespmem:s21+$0x8C00] =	vst v0  }
0x1ef: {  	s3 =	sand.u32 $0x1C00, s2;
	s0 =	sand.u32 $0x40, s2;
	_ =	swait.ge [sflag:s4], $0x4000  }
0x1f0: {  	s26 =	sor.u32 $0x4000, s3;
	s1 =	sor.u32 $0x30, s0;
	[sflag:s4] =	ssyncset.done $0x0  }
0x1f1: {  	s25 =	sor.u32 $0x4080, s3;
	s8 =	sor.u32 s1, s26;
	[sflag:s4] =	ssyncadd.s32 $0xFFFFC000  }
0x1f2: {  	s24 =	sor.u32 $0x4100, s3;
	s9 =	sor.u32 s1, s25;
	v0 =	vld [tilespmem:s8+$0x0]  }
0x1f3: {  	s23 =	sor.u32 $0x4180, s3;
	s10 =	sor.u32 s1, s24;
	v1 =	vld [tilespmem:s9+$0x0]  }
0x1f4: {  	s22 =	sor.u32 $0x4200, s3;
	s12 =	sor.u32 s1, s23;
	v2 =	vld [tilespmem:s10+$0x0]  }
0x1f5: {  	s17 =	sor.u32 $0x4280, s3;
	s14 =	sor.u32 s1, s22;
	v3 =	vld [tilespmem:s12+$0x0]  }
0x1f6: {  	s16 =	sor.u32 $0x4300, s3;
	s15 =	sor.u32 s1, s17;
	v4 =	vld [tilespmem:s14+$0x0]  }
0x1f7: {  	s18 =	sor.u32 s1, s16;
	s4 =	sor.u32 $0x6300, s3;
	v5 =	vld [tilespmem:s15+$0x0]  }
0x1f8: {  	s14 =	sor.u32 $0x4380, s3;
	v6 =	vld [tilespmem:s18+$0x0];
	s15 =	sor.u32 s1, s4  }
0x1f9: {  	s12 =	sor.u32 $0x6000, s3;
	s28 =	sor.u32 s1, s14;
	v16 =	vld [tilespmem:s15+$0x0]  }
0x1fa: {  	s10 =	sor.u32 $0x6080, s3;
	s29 =	sor.u32 s1, s12;
	v9 =	vld [tilespmem:s28+$0x0]  }
0x1fb: {  	s9 =	sor.u32 $0x6100, s3;
	s30 =	sor.u32 s1, s10;
	v10 =	vld [tilespmem:s29+$0x0]  }
0x1fc: {  	s8 =	sor.u32 $0x6180, s3;
	s31 =	sor.u32 s1, s9;
	v11 =	vld [tilespmem:s30+$0x0]  }
0x1fd: {  	s7 =	sor.u32 $0x6200, s3;
	s5 =	sor.u32 s1, s8;
	v12 =	vld [tilespmem:s31+$0x0]  }
0x1fe: {  	s6 =	sor.u32 $0x6280, s3;
	v13 =	vld [tilespmem:s5+$0x0];
	s5 =	sor.u32 s1, s7  }
0x1ff: {  	s28 =	sor.u32 s1, s6;
	v14 =	vld [tilespmem:s5+$0x0];
	s5 =	sor.u32 $0x6380, s3  }
0x200: {  	v15 =	vld [tilespmem:s28+$0x0];
	s3 =	sor.u32 $0x20, s0;
	s18 =	sor.u32 s1, s5  }
0x201: {  	s29 =	sor.u32 s3, s26;
	v17 =	vld [tilespmem:s18+$0x0]  }
0x202: {  	s30 =	sor.u32 s3, s24;
	v18 =	vld [tilespmem:s29+$0x0]  }
0x203: {  	s31 =	sor.u32 s3, s23;
	v21 =	vld [tilespmem:s30+$0x0]  }
0x204: {  	s15 =	sor.u32 s3, s22;
	v26 =	vld [tilespmem:s31+$0x0]  }
0x205: {  	s29 =	sor.u32 s3, s25;
	v27 =	vld [tilespmem:s15+$0x0]  }
0x206: {  	s18 =	sor.u32 s3, s17;
	v19 =	vld [tilespmem:s29+$0x0]  }
0x207: {  	s30 =	sor.u32 s3, s14;
	v29 =	vld [tilespmem:s18+$0x0]  }
0x208: {  	s31 =	sor.u32 s3, s12;
	v31 =	vld [tilespmem:s30+$0x0]  }
0x209: {  	s15 =	sor.u32 s3, s10;
	v32 =	vld [tilespmem:s31+$0x0]  }
0x20a: {  	s29 =	sor.u32 s3, s16;
	v33 =	vld [tilespmem:s15+$0x0]  }
0x20b: {  	s18 =	sor.u32 s3, s9;
	v30 =	vld [tilespmem:s29+$0x0]  }
0x20c: {  	s30 =	sor.u32 s3, s7;
	v34 =	vld [tilespmem:s18+$0x0]  }
0x20d: {  	s31 =	sor.u32 s3, s6;
	v36 =	vld [tilespmem:s30+$0x0]  }
0x20e: {  	s15 =	sor.u32 s3, s4;
	v7 =	vld [tilespmem:s31+$0x0]  }
0x20f: {  	s29 =	sor.u32 s3, s8;
	v39 =	vld [tilespmem:s15+$0x0]  }
0x210: {  	s28 =	sor.u32 $0x10, s0;
	s18 =	sor.u32 s3, s5;
	v35 =	vld [tilespmem:s29+$0x0]  }
0x211: {  	s30 =	sor.u32 s28, s26;
	v40 =	vld [tilespmem:s18+$0x0]  }
0x212: {  	s31 =	sor.u32 s28, s25;
	v41 =	vld [tilespmem:s30+$0x0]  }
0x213: {  	s15 =	sor.u32 s28, s24;
	v42 =	vld [tilespmem:s31+$0x0]  }
0x214: {  	v43 =	vld [tilespmem:s15+$0x0];
	s18 =	sor.u32 s28, s23  }
0x215: {  	s30 =	sor.u32 s28, s22;
	v44 =	vld [tilespmem:s18+$0x0]  }
0x216: {  	v25 =	vcvt.s32.f32 v0;
	s31 =	sor.u32 s28, s17;
	v45 =	vld [tilespmem:s30+$0x0]  }
0x217: {  	v0 =	vcvt.s32.f32 v1;
	v1 =	vcvt.s32.f32 v6;
	s15 =	sor.u32 s28, s16;
	v46 =	vld [tilespmem:s31+$0x0]  }
0x218: {  	v47 =	vld [tilespmem:s15+$0x0];
	s18 =	sor.u32 s28, s14  }
0x219: {  	v48 =	vld [tilespmem:s18+$0x0];
	[tilespmem:$0x1FCD0] =	vst v1;
	v1 =	vcvt.s32.f32 v9  }
0x21a: {  	s30 =	sor.u32 s28, s12  }
0x21b: {  	v49 =	vld [tilespmem:s30+$0x0];
	[tilespmem:$0x1FCE0] =	vst v1;
	v1 =	vcvt.s32.f32 v10;
	_ =	sdelay $0x1  }
0x21c: {  	[tilespmem:$0x1FCF0] =	vst v1;
	v1 =	vcvt.s32.f32 v11  }
0x21d: {  	s31 =	sor.u32 s28, s10  }
0x21e: {  	v50 =	vld [tilespmem:s31+$0x0];
	[tilespmem:$0x1FD00] =	vst v1;
	v1 =	vcvt.s32.f32 v12;
	_ =	sdelay $0x1  }
0x21f: {  	[tilespmem:$0x1FD10] =	vst v1;
	v1 =	vcvt.s32.f32 v13  }
0x220: {  	s15 =	sor.u32 s28, s9  }
0x221: {  	v51 =	vld [tilespmem:s15+$0x0];
	[tilespmem:$0x1FD20] =	vst v1;
	v1 =	vcvt.s32.f32 v14;
	_ =	sdelay $0x1  }
0x222: {  	s18 =	sor.u32 s28, s8;
	[tilespmem:$0x1FD30] =	vst v1  }
0x223: {  	s30 =	sor.u32 s28, s7;
	v52 =	vld [tilespmem:s18+$0x0]  }
0x224: {  	v63 =	vcvt.s32.f32 v16;
	v22 =	vcvt.s32.f32 v15;
	s31 =	sor.u32 s28, s6;
	v15 =	vld [tilespmem:s30+$0x0]  }
0x225: {  	v38 =	vcvt.s32.f32 v17;
	v16 =	vcvt.s32.f32 v18;
	s15 =	sor.u32 s28, s4;
	v17 =	vld [tilespmem:s31+$0x0]  }
0x226: {  	s26 =	sor.u32 s0, s26;
	v18 =	vcvt.s32.f32 v19;
	v19 =	vcvt.s32.f32 v21;
	v21 =	vld [tilespmem:s15+$0x0]  }
0x227: {  	s25 =	sor.u32 s0, s25;
	v14 =	vcvt.s32.f32 v30;
	v30 =	vld [tilespmem:s26+$0x0]  }
0x228: {  	s24 =	sor.u32 s0, s24;
	v6 =	vcvt.s32.f32 v32;
	v1 =	vcvt.s32.f32 v36;
	v32 =	vld [tilespmem:s25+$0x0]  }
0x229: {  	v13 =	vcvt.s32.f32 v33;
	s18 =	sor.u32 s28, s5;
	v33 =	vld [tilespmem:s24+$0x0]  }
0x22a: {  	v53 =	vld [tilespmem:s18+$0x0];
	[tilespmem:$0x1FD50] =	vst v1;
	v1 =	vcvt.s32.f32 v7  }
0x22b: {  	s23 =	sor.u32 s0, s23  }
0x22c: {  	s22 =	sor.u32 s0, s22;
	v61 =	vcvt.s32.f32 v29;
	v29 =	vcvt.s32.f32 v34;
	v34 =	vld [tilespmem:s23+$0x0];
	[tilespmem:$0x1FD60] =	vst v1  }
0x22d: {  	v24 =	vcvt.s32.f32 v2;
	s17 =	sor.u32 s0, s17;
	v28 =	vcvt.s32.f32 v35;
	v35 =	vld [tilespmem:s22+$0x0]  }
0x22e: {  	v23 =	vcvt.s32.f32 v3;
	v3 =	vcvt.s32.f32 v5;
	s16 =	sor.u32 s0, s16;
	v1 =	vld [tilespmem:s17+$0x0]  }
0x22f: {  	s14 =	sor.u32 s0, s14;
	v55 =	vcvt.s32.f32 v26;
	v26 =	vcvt.s32.f32 v40;
	v40 =	vld [tilespmem:s16+$0x0]  }
0x230: {  	s2 =	sand.u32 $0x380, s2;
	s12 =	sor.u32 s0, s12;
	v56 =	vcvt.s32.f32 v42;
	v60 =	vcvt.s32.f32 v44;
	v44 =	vld [tilespmem:s14+$0x0]  }
0x231: {  	s2 =	sor.u32 $0x8800, s2;
	s9 =	sor.u32 s0, s9;
	v57 =	vcvt.s32.f32 v43;
	v62 =	vcvt.s32.f32 v45;
	v54 =	vld [tilespmem:s12+$0x0]  }
0x232: {  	v20 =	vcvt.s32.f32 v46;
	v5 =	vcvt.s32.f32 v47;
	s30 =	sor.u32 s28, s2;
	v58 =	vld [tilespmem:s9+$0x0]  }
0x233: {  	s8 =	sor.u32 s0, s8;
	v36 =	vcvt.s32.f32 v41;
	v47 =	vcvt.s32.f32 v51;
	v46 =	vld [tilespmem:s30+$0x0]  }
0x234: {  	s22 =	simm.s32 $0x8800;
	v45 =	vcvt.s32.f32 v52;
	v43 =	vcvt.s32.f32 v15;
	v15 =	vld [tilespmem:s8+$0x0]  }
0x235: {  	s7 =	sor.u32 s0, s7;
	v42 =	vcvt.s32.f32 v17;
	v41 =	vcvt.s32.f32 v21;
	v52 =	vld [tilespmem:s22+$0x0]  }
0x236: {  	s4 =	sor.u32 s0, s4;
	v17 =	vld [tilespmem:s7+$0x0];
	v21 =	vcvt.s32.f32 v30;
	v30 =	vcvt.s32.f32 v32  }
0x237: {  	v32 =	vcvt.s32.f32 v33;
	v2 =	vcvt.s32.f32 v44;
	v44 =	vld [tilespmem:s4+$0x0]  }
0x238: {  	v37 =	vcvt.s32.f32 v1;
	v1 =	vcvt.s32.f32 v40  }
0x239: {  	s6 =	sor.u32 s0, s6;
	v7 =	vcvt.s32.f32 v54;
	v9 =	vcvt.s32.f32 v58  }
0x23a: {  	s1 =	sor.u32 s1, s2;
	v33 =	vld [tilespmem:s6+$0x0];
	v58 =	vcvt.s32.f32 v15;
	v15 =	vmul.f32 v21, v52  }
0x23b: {  	s31 =	sor.u32 s3, s2;
	v40 =	vld [tilespmem:s1+$0x0];
	v54 =	vcvt.s32.f32 v17;
	v17 =	vmul.f32 v30, v52;
	v21 =	vimm.f32 $0.0e+00  }
0x23c: {  	v30 =	vmul.f32 v36, v46;
	v15 =	vadd.f32 v15, v21;
	v51 =	vcvt.s32.f32 v44;
	v44 =	vld [tilespmem:s31+$0x0]  }
0x23d: {  	v4 =	vcvt.s32.f32 v4;
	v59 =	vcvt.s32.f32 v27  }
0x23e: {  	v27 =	vcvt.s32.f32 v39;
	v15 =	vadd.f32 v30, v15;
	v30 =	vmul.f32 v32, v52  }
0x23f: {  	v39 =	vcvt.s32.f32 v53;
	v53 =	vcvt.s32.f32 v33  }
0x240: {  	v33 =	vmul.f32 v0, v40;
	v0 =	vmul.f32 v57, v46;
	v30 =	vadd.f32 v30, v21  }
0x241: {  	v32 =	vmul.f32 v4, v40;
	v4 =	vmul.f32 v18, v44  }
0x242: {  	v30 =	vadd.f32 v0, v30;
	v18 =	vmul.f32 v3, v40;
	v3 =	vmul.f32 v19, v44;
	_ =	sdelay $0x1  }
0x243: {  	v19 =	vadd.f32 v3, v30;
	v3 =	vld [tilespmem:$0x1FCE0];
	_ =	sdelay $0x3  }
0x244: {  	v34 =	vcvt.s32.f32 v34  }
0x245: {  	v57 =	vmul.f32 v60, v46;
	v60 =	vmul.f32 v3, v40;
	v3 =	vld [tilespmem:$0x1FCF0]  }
0x246: {  	v36 =	vmul.f32 v56, v46;
	v56 =	vmul.f32 v34, v52;
	_ =	sdelay $0x1  }
0x247: {  	v34 =	vmul.f32 v24, v40;
	v24 =	vadd.f32 v56, v21;
	_ =	sdelay $0x1  }
0x248: {  	s10 =	sor.u32 s0, s10;
	v0 =	vmul.f32 v16, v44;
	v16 =	vadd.f32 v57, v24;
	v57 =	vmul.f32 v3, v40;
	v3 =	vld [tilespmem:$0x1FD00]  }
0x249: {  	v10 =	vcvt.s32.f32 v48;
	v48 =	vld [tilespmem:s10+$0x0];
	_ =	sdelay $0x2  }
0x24a: {  	v31 =	vcvt.s32.f32 v31;
	v12 =	vcvt.s32.f32 v49;
	v17 =	vadd.f32 v17, v21  }
0x24b: {  	s0 =	sor.u32 s0, s5;
	v11 =	vcvt.s32.f32 v50;
	v56 =	vmul.f32 v3, v40;
	v3 =	vld [tilespmem:$0x1FD10]  }
0x24c: {  	v35 =	vcvt.s32.f32 v35;
	v8 =	vcvt.s32.f32 v48;
	v48 =	vld [tilespmem:s0+$0x0];
	v17 =	vadd.f32 v36, v17  }
0x24d: {  	v5 =	vmul.f32 v5, v46;
	v10 =	vmul.f32 v10, v46  }
0x24e: {  	v1 =	vmul.f32 v1, v52;
	v17 =	vadd.f32 v4, v17;
	v4 =	vmul.f32 v55, v44  }
0x24f: {  	v2 =	vmul.f32 v2, v52;
	v7 =	vmul.f32 v7, v52  }
0x250: {  	v8 =	vmul.f32 v8, v52;
	v16 =	vadd.f32 v4, v16;
	v4 =	vmul.f32 v3, v40;
	v3 =	vld [tilespmem:$0x1FD20]  }
0x251: {  	v9 =	vmul.f32 v9, v52;
	v50 =	vcvt.s32.f32 v48  }
0x252: {  	v1 =	vadd.f32 v1, v21;
	v25 =	vmul.f32 v25, v40;
	v36 =	vmul.f32 v23, v40  }
0x253: {  	v2 =	vadd.f32 v2, v21;
	v49 =	vmul.f32 v22, v40;
	v14 =	vmul.f32 v14, v44  }
0x254: {  	v6 =	vmul.f32 v6, v44;
	v15 =	vadd.f32 v0, v15;
	v30 =	vmul.f32 v31, v44  }
0x255: {  	v22 =	vadd.f32 v36, v16;
	v16 =	vmul.f32 v37, v52;
	v48 =	vmul.f32 v3, v40;
	v3 =	vld [tilespmem:$0x1FD30]  }
0x256: {  	v23 =	vadd.f32 v25, v15;
	v25 =	vadd.f32 v34, v19;
	v19 =	vmul.f32 v35, v52  }
0x257: {  	v0 =	vld [tilespmem:$0x1FCD0];
	v15 =	vmul.f32 v59, v44;
	v59 =	vmul.f32 v20, v46;
	v16 =	vadd.f32 v16, v21  }
0x258: {  	v31 =	vmul.f32 v62, v46;
	v24 =	vadd.f32 v33, v17;
	v19 =	vadd.f32 v19, v21  }
0x259: {  	v62 =	vmul.f32 v13, v44;
	v13 =	vadd.f32 v59, v16;
	v16 =	vadd.f32 v5, v1;
	v1 =	vld [tilespmem:$0x1FD60]  }
0x25a: {  	v17 =	vmul.f32 v61, v44;
	v19 =	vadd.f32 v31, v19;
	v3 =	vmul.f32 v3, v40  }
0x25b: {  	v61 =	vmul.f32 v28, v44;
	v20 =	vimm.f32 $0.0e+00;
	v28 =	vimm.f32 $0.0e+00  }
0x25c: {  	v0 =	vmul.f32 v0, v40;
	v59 =	vmul.f32 v29, v44;
	v15 =	vadd.f32 v15, v19;
	[tilespmem:$0x1FD40] =	vst v3;
	v3 =	vld [tilespmem:$0x1FD50]  }
0x25d: {  	v19 =	vimm.f32 $0.0e+00;
	v13 =	vadd.f32 v17, v13;
	v17 =	vimm.f32 $0.0e+00  }
0x25e: {  	v5 =	vmul.f32 v1, v44;
	v1 =	vmul.f32 v12, v46;
	v12 =	vadd.f32 v10, v2  }
0x25f: {  	v2 =	vmul.f32 v11, v46;
	v10 =	vadd.f32 v14, v16;
	v14 =	vadd.f32 v18, v13  }
0x260: {  	v13 =	vimm.f32 $0.0e+00;
	v18 =	vimm.f32 $0.0e+00;
	v16 =	vimm.f32 $0.0e+00  }
0x261: {  	s24 =	simm.s32 $0x200;
	s25 =	simm.s32 $0x40;
	s23 =	simm.s32 $0x0;
	v11 =	vadd.f32 v30, v12;
	v55 =	vmul.f32 v3, v44;
	v3 =	vadd.f32 v32, v15  }
.LBB2_7:
0x262: {  	v0 =	vadd.f32 v0, v10  }
0x263: {  	v7 =	vadd.f32 v7, v21  }
0x264: {  	s26 =	sand.u32 $0x40, s25;
	s0 =	sand.u32 $0x1C00, s24;
	v12 =	vmul.f32 v58, v52;
	[tilespmem:$0x1FBE0] =	vst v0;
	v0 =	vadd.f32 v60, v11  }
0x265: {  	s28 =	sor.u32 $0x30, s26;
	s30 =	sor.u32 $0x4080, s0;
	v8 =	vadd.f32 v8, v13;
	v10 =	vmul.f32 v47, v46;
	v1 =	vadd.f32 v1, v7  }
0x266: {  	s29 =	sor.u32 $0x4000, s0;
	s2 =	sor.u32 s28, s30;
	v9 =	vadd.f32 v9, v20;
	v11 =	vadd.f32 v12, v28;
	v12 =	vmul.f32 v45, v46  }
0x267: {  	s31 =	sor.u32 $0x4100, s0;
	s1 =	sor.u32 s28, s29;
	v13 =	vmul.f32 v43, v46;
	v43 =	vld [tilespmem:s2+$0x0];
	v2 =	vadd.f32 v2, v8;
	v1 =	vadd.f32 v6, v1  }
0x268: {  	s12 =	sor.u32 s28, s31;
	[tilespmem:$0x1FC00] =	vst v0;
	v0 =	vld [tilespmem:s1+$0x0];
	s1 =	sor.u32 $0x4180, s0;
	v7 =	vadd.f32 v10, v9;
	v8 =	vadd.f32 v12, v11  }
0x269: {  	s10 =	sor.u32 $0x4200, s0;
	v12 =	vmul.f32 v42, v46;
	v42 =	vld [tilespmem:s12+$0x0];
	s14 =	sor.u32 s28, s1;
	v2 =	vadd.f32 v62, v2;
	v1 =	vadd.f32 v57, v1  }
0x26a: {  	[tilespmem:$0x1FBA0] =	vst v3;
	s16 =	sor.u32 $0x4280, s0;
	s15 =	sor.u32 s28, s10;
	v6 =	vld [tilespmem:s14+$0x0];
	v9 =	vadd.f32 v59, v7  }
0x26b: {  	s8 =	sor.u32 $0x6000, s0;
	s17 =	sor.u32 s28, s16;
	v11 =	vmul.f32 v53, v52;
	v7 =	vld [tilespmem:s15+$0x0];
	[tilespmem:$0x1FB90] =	vst v1;
	v1 =	vadd.f32 v56, v2  }
0x26c: {  	[tilespmem:$0x1FBC0] =	vst v14;
	s3 =	sor.u32 $0x4300, s0;
	s6 =	sor.u32 s28, s8;
	v14 =	vadd.f32 v61, v8;
	v8 =	vld [tilespmem:s17+$0x0];
	v2 =	vadd.f32 v4, v9  }
0x26d: {  	v15 =	vmul.f32 v51, v52;
	s18 =	sor.u32 s28, s3;
	v3 =	vadd.f32 v11, v19;
	v11 =	vld [tilespmem:s6+$0x0];
	[tilespmem:$0x1FCA0] =	vst v1;
	v1 =	vmul.f32 v50, v52  }
0x26e: {  	s5 =	sor.u32 $0x4380, s0;
	v10 =	vmul.f32 v54, v52;
	v9 =	vld [tilespmem:s18+$0x0];
	v4 =	vmul.f32 v41, v46;
	[tilespmem:$0x1FC90] =	vst v2;
	v2 =	vadd.f32 v48, v14  }
0x26f: {  	s4 =	sor.u32 s28, s5;
	s2 =	sor.u32 $0x6180, s0;
	v14 =	vadd.f32 v15, v17;
	v15 =	vmul.f32 v39, v46;
	v17 =	vld [tilespmem:$0x1FD40];
	v1 =	vadd.f32 v1, v16  }
0x270: {  	s14 =	sor.u32 s28, s2;
	v3 =	vadd.f32 v12, v3;
	v12 =	vmul.f32 v27, v44;
	[tilespmem:$0x1FB80] =	vst v2;
	v2 =	vadd.f32 v10, v18;
	v10 =	vld [tilespmem:s4+$0x0];
	s4 =	sor.u32 $0x6100, s0  }
0x271: {  	s12 =	sor.u32 $0x6200, s0;
	v4 =	vadd.f32 v4, v14;
	v14 =	vmul.f32 v26, v44;
	v16 =	vld [tilespmem:s14+$0x0];
	s7 =	sor.u32 s28, s4;
	v1 =	vadd.f32 v15, v1  }
0x272: {  	s9 =	sor.u32 $0x6080, s0;
	v2 =	vadd.f32 v13, v2;
	v15 =	vld [tilespmem:s7+$0x0];
	s7 =	sor.u32 s28, s12  }
0x273: {  	s6 =	sor.u32 s28, s9;
	s17 =	sor.u32 $0x6280, s0;
	v4 =	vadd.f32 v12, v4;
	v12 =	vmul.f32 v38, v40;
	v1 =	vadd.f32 v14, v1;
	v14 =	vld [tilespmem:s7+$0x0];
	s7 =	sor.u32 $0x6380, s0  }
0x274: {  	v13 =	vld [tilespmem:s6+$0x0];
	s6 =	sor.u32 $0x6300, s0;
	s0 =	sor.u32 $0x20, s26;
	s18 =	sor.u32 s28, s7  }
0x275: {  	v2 =	vadd.f32 v55, v2;
	v1 =	vadd.f32 v12, v1;
	v12 =	vld [tilespmem:s18+$0x0];
	s18 =	sor.u32 s0, s31  }
0x276: {  	s15 =	sor.u32 s28, s6;
	v19 =	vld [tilespmem:s18+$0x0]  }
0x277: {  	v3 =	vadd.f32 v5, v3;
	v2 =	vadd.f32 v17, v2;
	s18 =	sor.u32 s0, s10;
	[tilespmem:$0x1FC70] =	vst v1;
	v1 =	vld [tilespmem:s15+$0x0]  }
0x278: {  	s15 =	sor.u32 s0, s29;
	v27 =	vld [tilespmem:s18+$0x0]  }
0x279: {  	[tilespmem:$0x1FBF0] =	vst v2;
	v2 =	vadd.f32 v49, v3;
	s18 =	sor.u32 s0, s3;
	v17 =	vld [tilespmem:s15+$0x0]  }
0x27a: {  	v5 =	vmul.f32 v63, v40;
	s14 =	sor.u32 s28, s17;
	v40 =	vld [tilespmem:s18+$0x0]  }
0x27b: {  	s15 =	sor.u32 s0, s30;
	[tilespmem:$0x1FC20] =	vst v2;
	v2 =	vld [tilespmem:s14+$0x0]  }
0x27c: {  	s18 =	sor.u32 s0, s8;
	v18 =	vld [tilespmem:s15+$0x0]  }
0x27d: {  	s15 =	sor.u32 s0, s1;
	v44 =	vld [tilespmem:s18+$0x0]  }
0x27e: {  	s18 =	sor.u32 s0, s4;
	v26 =	vld [tilespmem:s15+$0x0]  }
0x27f: {  	s15 =	sor.u32 s0, s16;
	v47 =	vld [tilespmem:s18+$0x0]  }
0x280: {  	s18 =	sor.u32 s0, s12;
	v39 =	vld [tilespmem:s15+$0x0]  }
0x281: {  	s15 =	sor.u32 s0, s5;
	v32 =	vld [tilespmem:s18+$0x0]  }
0x282: {  	s18 =	sor.u32 s0, s6;
	v41 =	vld [tilespmem:s15+$0x0]  }
0x283: {  	s14 =	sor.u32 $0x10, s26;
	s15 =	sor.u32 s0, s9;
	v33 =	vld [tilespmem:s18+$0x0]  }
0x284: {  	s18 =	sor.u32 s14, s29;
	v45 =	vld [tilespmem:s15+$0x0]  }
0x285: {  	s29 =	sor.u32 s26, s29;
	v35 =	vld [tilespmem:s18+$0x0]  }
0x286: {  	v59 =	vcvt.s32.f32 v15;
	v15 =	vcvt.s32.f32 v27;
	s15 =	sor.u32 s0, s2;
	v27 =	vld [tilespmem:s29+$0x0]  }
0x287: {  	s18 =	sor.u32 s14, s30;
	v50 =	vld [tilespmem:s15+$0x0]  }
0x288: {  	v52 =	vcvt.s32.f32 v11;
	s30 =	sor.u32 s26, s30;
	v58 =	vld [tilespmem:s18+$0x0]  }
0x289: {  	v11 =	vcvt.s32.f32 v17;
	v17 =	vcvt.s32.f32 v40;
	s29 =	sor.u32 s26, s10;
	v40 =	vld [tilespmem:s30+$0x0]  }
0x28a: {  	s15 =	sor.u32 s0, s17;
	v51 =	vld [tilespmem:s29+$0x0]  }
0x28b: {  	s18 =	sor.u32 s14, s31;
	v53 =	vld [tilespmem:s15+$0x0]  }
0x28c: {  	s15 =	sor.u32 s0, s7;
	v60 =	vld [tilespmem:s18+$0x0]  }
0x28d: {  	s18 =	sor.u32 s14, s1;
	v34 =	vld [tilespmem:s15+$0x0]  }
0x28e: {  	v46 =	vcvt.s32.f32 v8;
	v63 =	vld [tilespmem:s18+$0x0];
	s18 =	sor.u32 s14, s10  }
0x28f: {  	v48 =	vcvt.s32.f32 v9;
	v61 =	vcvt.s32.f32 v16;
	v37 =	vld [tilespmem:s18+$0x0];
	s18 =	sor.u32 s14, s16  }
0x290: {  	v49 =	vcvt.s32.f32 v0;
	v0 =	vcvt.s32.f32 v43;
	v38 =	vld [tilespmem:s18+$0x0];
	s18 =	sor.u32 s14, s3  }
0x291: {  	v55 =	vcvt.s32.f32 v13;
	v3 =	vadd.f32 v5, v4;
	v5 =	vcvt.s32.f32 v6;
	v43 =	vld [tilespmem:s18+$0x0];
	s18 =	sor.u32 s14, s5  }
0x292: {  	v6 =	vcvt.s32.f32 v7;
	[tilespmem:$0x1FB20] =	vst v0;
	v0 =	vcvt.s32.f32 v42;
	v42 =	vld [tilespmem:s18+$0x0];
	s18 =	sor.u32 s14, s8  }
0x293: {  	[tilespmem:$0x1FB40] =	vst v24;
	v4 =	vcvt.s32.f32 v10;
	v1 =	vcvt.s32.f32 v1;
	v8 =	vld [tilespmem:s18+$0x0];
	s18 =	sor.u32 s14, s9  }
0x294: {  	[tilespmem:$0x1FB60] =	vst v22;
	v62 =	vcvt.s32.f32 v14;
	v13 =	vcvt.s32.f32 v19;
	v20 =	vld [tilespmem:s18+$0x0];
	s18 =	sor.u32 s14, s4  }
0x295: {  	v10 =	vcvt.s32.f32 v2;
	[tilespmem:$0x1FCB0] =	vst v1;
	v1 =	vcvt.s32.f32 v12;
	v21 =	vld [tilespmem:s18+$0x0];
	s18 =	sor.u32 s14, s2  }
0x296: {  	[tilespmem:$0x1FC80] =	vst v3;
	v12 =	vcvt.s32.f32 v18;
	v22 =	vld [tilespmem:s18+$0x0];
	s18 =	sor.u32 s14, s12;
	v3 =	vcvt.s32.f32 v43  }
0x297: {  	[tilespmem:$0x1FB30] =	vst v23;
	v2 =	vcvt.s32.f32 v44;
	v14 =	vcvt.s32.f32 v26;
	v23 =	vld [tilespmem:s18+$0x0];
	s18 =	sor.u32 s14, s17  }
0x298: {  	v28 =	vcvt.s32.f32 v47;
	v24 =	vld [tilespmem:s18+$0x0];
	s18 =	sor.u32 s14, s6;
	[tilespmem:$0x1FBD0] =	vst v3;
	v3 =	vcvt.s32.f32 v42  }
0x299: {  	[tilespmem:$0x1FB50] =	vst v25;
	v16 =	vcvt.s32.f32 v39;
	v30 =	vcvt.s32.f32 v32;
	v25 =	vld [tilespmem:s18+$0x0];
	s18 =	sor.u32 s14, s7  }
0x29a: {  	s30 =	sor.u32 s26, s16;
	s10 =	sor.u32 s26, s2;
	v18 =	vcvt.s32.f32 v41;
	v26 =	vld [tilespmem:s18+$0x0];
	s18 =	sor.u32 s26, s31;
	[tilespmem:$0x1FC10] =	vst v3;
	v3 =	vcvt.s32.f32 v8  }
0x29b: {  	[tilespmem:$0x1FC50] =	vst v1;
	v1 =	vcvt.s32.f32 v33;
	v19 =	vcvt.s32.f32 v45;
	s31 =	sor.u32 s26, s3;
	s3 =	sor.u32 s26, s5;
	v44 =	vld [tilespmem:s18+$0x0];
	s18 =	sand.u32 $0x380, s25  }
0x29c: {  	v41 =	vld [tilespmem:s30+$0x0];
	v32 =	vcvt.s32.f32 v35;
	s5 =	sor.u32 s26, s8;
	s8 =	sor.u32 s26, s9;
	[tilespmem:$0x1FC30] =	vst v3;
	v3 =	vcvt.s32.f32 v20;
	s2 =	sor.u32 $0x8800, s18  }
0x29d: {  	v29 =	vcvt.s32.f32 v50;
	v57 =	vld [tilespmem:s8+$0x0];
	v8 =	vcvt.s32.f32 v24;
	s30 =	sor.u32 s28, s2  }
0x29e: {  	s29 =	sor.u32 s26, s7;
	v24 =	vcvt.s32.f32 v40;
	[tilespmem:$0x1FC40] =	vst v3;
	v3 =	vcvt.s32.f32 v21;
	v40 =	vld [tilespmem:s30+$0x0]  }
0x29f: {  	v33 =	vcvt.s32.f32 v58;
	v35 =	vcvt.s32.f32 v63;
	v63 =	vld [tilespmem:s29+$0x0]  }
0x2a0: {  	s1 =	sor.u32 s26, s1;
	v36 =	vcvt.s32.f32 v51;
	[tilespmem:$0x1FCC0] =	vst v3;
	v3 =	vcvt.s32.f32 v23  }
0x2a1: {  	v47 =	vld [tilespmem:s1+$0x0];
	[tilespmem:$0x1FB70] =	vst v1;
	v1 =	vcvt.s32.f32 v34;
	v34 =	vcvt.s32.f32 v60;
	s0 =	sor.u32 s0, s2  }
0x2a2: {  	s22 =	sadd.s32 $0x40, s22;
	[tilespmem:$0x1FC60] =	vst v3;
	v3 =	vcvt.s32.f32 v26;
	v26 =	vcvt.s32.f32 v44;
	v44 =	vld [tilespmem:s0+$0x0]  }
0x2a3: {  	s16 =	sor.u32 s26, s17;
	s17 =	sor.u32 s26, s6;
	v43 =	vcvt.s32.f32 v57;
	v57 =	vmul.f32 v52, v40;
	v52 =	vld [tilespmem:s22+$0x0]  }
0x2a4: {  	v39 =	vcvt.s32.f32 v41;
	v60 =	vld [tilespmem:s17+$0x0];
	v50 =	vcvt.s32.f32 v63  }
0x2a5: {  	v9 =	vcvt.s32.f32 v22;
	v21 =	vld [tilespmem:s10+$0x0];
	v23 =	vcvt.s32.f32 v27  }
0x2a6: {  	v27 =	vcvt.s32.f32 v47;
	v45 =	vmul.f32 v5, v40  }
0x2a7: {  	v5 =	vmul.f32 v62, v40;
	v62 =	vmul.f32 v19, v44  }
0x2a8: {  	v19 =	vmul.f32 v23, v52;
	v23 =	vmul.f32 v24, v52  }
0x2a9: {  	v24 =	vmul.f32 v26, v52;
	v26 =	vmul.f32 v27, v52;
	v27 =	vld [tilespmem:$0x1FB30]  }
0x2aa: {  	v51 =	vcvt.s32.f32 v60;
	v58 =	vcvt.s32.f32 v21  }
0x2ab: {  	v54 =	vld [tilespmem:s31+$0x0];
	v21 =	vmul.f32 v49, v40;
	v60 =	vmul.f32 v4, v40  }
0x2ac: {  	s31 =	sor.u32 s14, s2;
	v4 =	vmul.f32 v59, v40;
	v59 =	vmul.f32 v28, v44;
	v28 =	vld [tilespmem:$0x1FB50]  }
0x2ad: {  	v63 =	vmul.f32 v6, v40;
	v47 =	vmul.f32 v46, v40;
	v46 =	vld [tilespmem:s31+$0x0]  }
0x2ae: {  	v49 =	vmul.f32 v10, v40;
	v10 =	vmul.f32 v11, v44;
	v19 =	vadd.f32 v19, v27;
	v27 =	vld [tilespmem:$0x1FB40]  }
0x2af: {  	s15 =	sor.u32 s26, s12;
	v11 =	vmul.f32 v12, v44;
	v12 =	vmul.f32 v13, v44  }
0x2b0: {  	v22 =	vld [tilespmem:s15+$0x0];
	v13 =	vmul.f32 v14, v44;
	v14 =	vmul.f32 v15, v44  }
0x2b1: {  	v15 =	vmul.f32 v16, v44;
	v16 =	vmul.f32 v17, v44;
	v24 =	vadd.f32 v24, v28;
	v28 =	vld [tilespmem:$0x1FB60]  }
0x2b2: {  	v6 =	vmul.f32 v2, v44;
	v2 =	vmul.f32 v32, v46  }
0x2b3: {  	v17 =	vmul.f32 v18, v44;
	v18 =	vmul.f32 v33, v46;
	v23 =	vadd.f32 v23, v27  }
0x2b4: {  	v2 =	vadd.f32 v2, v19  }
0x2b5: {  	v41 =	vcvt.s32.f32 v54;
	v54 =	vcvt.s32.f32 v22;
	v22 =	vld [tilespmem:$0x1FB20];
	v18 =	vadd.f32 v18, v23  }
0x2b6: {  	v26 =	vadd.f32 v26, v28;
	v28 =	vmul.f32 v35, v46;
	v2 =	vadd.f32 v10, v2  }
0x2b7: {  	v27 =	vmul.f32 v34, v46;
	v10 =	vadd.f32 v11, v18;
	v11 =	vmul.f32 v39, v52;
	v39 =	vmovc v3;
	v3 =	vld [tilespmem:$0x1FBA0];
	_ =	sdelay $0x1  }
0x2b8: {  	v23 =	vadd.f32 v27, v24;
	v24 =	vadd.f32 v28, v26  }
0x2b9: {  	v56 =	vld [tilespmem:s3+$0x0];
	v22 =	vmul.f32 v22, v40;
	v26 =	vmul.f32 v36, v52  }
0x2ba: {  	[tilespmem:$0x1FBB0] =	vst v1;
	v1 =	vcvt.s32.f32 v38;
	v38 =	vld [tilespmem:s5+$0x0];
	v13 =	vadd.f32 v13, v24  }
0x2bb: {  	v24 =	vadd.f32 v22, v10;
	v10 =	vadd.f32 v26, v3;
	v3 =	vld [tilespmem:$0x1FBC0]  }
0x2bc: {  	s9 =	sor.u32 s26, s4;
	v7 =	vcvt.s32.f32 v25;
	v25 =	vld [tilespmem:s16+$0x0]  }
0x2bd: {  	v20 =	vld [tilespmem:s9+$0x0]  }
0x2be: {  	v27 =	vld [tilespmem:$0x1FB70]  }
0x2bf: {  	v42 =	vcvt.s32.f32 v56;
	v18 =	vmul.f32 v41, v52;
	v41 =	vmov v7;
	v7 =	vld [tilespmem:$0x1FBE0]  }
0x2c0: {  	v31 =	vcvt.s32.f32 v53;
	v37 =	vcvt.s32.f32 v37;
	v11 =	vadd.f32 v11, v3;
	v3 =	vld [tilespmem:$0x1FBD0]  }
0x2c1: {  	v53 =	vcvt.s32.f32 v25;
	v25 =	vmul.f32 v0, v40;
	v28 =	vld [tilespmem:$0x1FB80]  }
0x2c2: {  	v1 =	vmul.f32 v1, v46;
	v12 =	vadd.f32 v12, v23;
	v23 =	vadd.f32 v21, v2;
	v21 =	vld [tilespmem:$0x1FB90]  }
0x2c3: {  	v2 =	vmul.f32 v42, v52;
	v42 =	vmov v8;
	v8 =	vmul.f32 v43, v52;
	v43 =	vld [tilespmem:$0x1FC60]  }
0x2c4: {  	v19 =	vmul.f32 v37, v46;
	v25 =	vadd.f32 v25, v12;
	v12 =	vadd.f32 v18, v7;
	v7 =	vld [tilespmem:$0x1FC00]  }
0x2c5: {  	v22 =	vadd.f32 v45, v13;
	v45 =	vmov v9;
	v9 =	vmul.f32 v3, v46;
	v3 =	vld [tilespmem:$0x1FC10]  }
0x2c6: {  	v26 =	vld [tilespmem:$0x1FBB0];
	v10 =	vadd.f32 v19, v10;
	v11 =	vadd.f32 v1, v11  }
0x2c7: {  	v18 =	vld [tilespmem:$0x1FBF0]  }
0x2c8: {  	v19 =	vld [tilespmem:$0x1FC20];
	v13 =	vadd.f32 v14, v10;
	v14 =	vadd.f32 v15, v11  }
0x2c9: {  	v1 =	vld [tilespmem:$0x1FC30];
	v9 =	vadd.f32 v9, v12  }
0x2ca: {  	v2 =	vadd.f32 v2, v7;
	v14 =	vadd.f32 v47, v14;
	v47 =	vld [tilespmem:$0x1FCC0];
	v7 =	vmul.f32 v3, v46  }
0x2cb: {  	s23 =	sadd.s32 $0x4, s23;
	v20 =	vcvt.s32.f32 v20;
	v10 =	vadd.f32 v16, v9;
	v16 =	vld [tilespmem:$0x1FC70]  }
0x2cc: {  	p1 =	slt.u32 s23, $0x3C;
	v38 =	vcvt.s32.f32 v38;
	v12 =	vadd.f32 v7, v2;
	v2 =	vld [tilespmem:$0x1FC40]  }
.Ltmp2:
0x2cd: {  	v0 =	vmul.f32 v48, v40;
	v9 =	vmul.f32 v20, v52;
	v20 =	vld [tilespmem:$0x1FC90];
	(pc) =	sbr.rel @p1 .LBB2_7-.Ltmp2, $4  }
0x2ce: {  	v56 =	vmul.f32 v55, v40;
	v48 =	vmul.f32 v61, v40;
	v3 =	vadd.f32 v63, v13;
	v13 =	vld [tilespmem:$0x1FCA0]  }
0x2cf: {  	v61 =	vmul.f32 v29, v44;
	v55 =	vmul.f32 v30, v44;
	v63 =	vld [tilespmem:$0x1FCB0]  }
0x2d0: {  	[tilespmem:$0x1FD40] =	vst v5;
	v5 =	vmul.f32 v31, v44;
	v7 =	vmul.f32 v38, v52;
	v38 =	vld [tilespmem:$0x1FC50]  }
0x2d1: {  	s24 =	sadd.s32 $0x200, s24;
	s25 =	sadd.s32 $0x40, s25;
	v1 =	vmul.f32 v1, v46;
	v11 =	vadd.f32 v17, v12;
	v17 =	vld [tilespmem:$0x1FC80];
	v2 =	vmul.f32 v2, v46  }
0x2d2: {  	v0 =	vadd.f32 v0, v10;
	v7 =	vadd.f32 v7, v21;
	v58 =	vmul.f32 v58, v52  }
0x2d3: {  	v9 =	vadd.f32 v9, v20;
	v12 =	vmul.f32 v47, v46;
	v29 =	vmul.f32 v50, v52  }
0x2d4: {  	s0 =	rddreg [dreg:$0x8];
	v31 =	vmul.f32 v43, v46;
	v10 =	vadd.f32 v60, v11;
	v8 =	vadd.f32 v8, v13  }
0x2d5: {  	s1 =	simm.s32 @!p0 $0x0;
	s2 =	simm.s32 @!p0 $0x4000;
	v60 =	vmul.f32 v45, v46;
	s0 =	sadd.s32 @!p0 s20, s0;
	v11 =	vadd.f32 v58, v28;
	v1 =	vadd.f32 v1, v7  }
0x2d6: {  	v37 =	vmul.f32 v39, v46;
	v15 =	vadd.f32 v12, v9;
	[tilespmem:s2], [sflag:$0x2] =	stream.linear.gather @!p0 [hbm4b:s0+s1], $0x4000, $0x38;
	v36 =	vadd.f32 v29, v16;
	[tilespmem:$0x9600] =	vst v63  }
0x2d7: {  	v28 =	vmul.f32 v51, v52;
	v2 =	vadd.f32 v2, v8;
	[tilespmem:$0x8E00] =	vst v23;
	v20 =	vadd.f32 v60, v11  }
0x2d8: {  	[tilespmem:$0x8E80] =	vst v24;
	v24 =	vmul.f32 v54, v52;
	v1 =	vadd.f32 v6, v1;
	v21 =	vadd.f32 v59, v15  }
0x2d9: {  	[tilespmem:$0x8F00] =	vst v25;
	v25 =	vmul.f32 v53, v52;
	v11 =	vadd.f32 v28, v17;
	v8 =	vadd.f32 v37, v36  }
0x2da: {  	v35 =	vmul.f32 v41, v46;
	[tilespmem:$0x8F80] =	vst v22;
	v2 =	vadd.f32 v62, v2;
	v30 =	vadd.f32 v24, v18  }
0x2db: {  	v41 =	vmul.f32 v26, v44;
	[tilespmem:$0x9000] =	vst v3;
	v33 =	vadd.f32 v25, v19;
	v23 =	vadd.f32 v61, v20  }
0x2dc: {  	v34 =	vmul.f32 v42, v46;
	[tilespmem:$0x9080] =	vst v14;
	v1 =	vadd.f32 v57, v1;
	v4 =	vadd.f32 v4, v21  }
0x2dd: {  	v39 =	vmul.f32 v27, v44;
	[tilespmem:$0x9100] =	vst v0;
	v0 =	vadd.f32 v35, v11;
	v44 =	vadd.f32 v41, v8  }
0x2de: {  	v42 =	vld [tilespmem:$0x1FD40];
	[tilespmem:$0x9180] =	vst v10;
	v45 =	vmul.f32 v38, v40;
	v2 =	vadd.f32 v56, v2;
	v6 =	vadd.f32 v31, v30  }
0x2df: {  	v47 =	vld [tilespmem:$0x1FFD0];
	v7 =	vadd.f32 v34, v33;
	v32 =	vadd.f32 v48, v23;
	[tilespmem:$0x9200] =	vst v1  }
0x2e0: {  	v43 =	vmul.f32 v63, v40;
	v0 =	vadd.f32 v39, v0;
	[tilespmem:$0x9300] =	vst v4;
	v46 =	vadd.f32 v45, v44  }
0x2e1: {  	v48 =	vld [tilespmem:$0x1FEF0];
	v6 =	vadd.f32 v55, v6;
	v5 =	vadd.f32 v5, v7;
	[tilespmem:$0x9280] =	vst v2  }
0x2e2: {  	[tilespmem:$0x9380] =	vst v32;
	v0 =	vadd.f32 v43, v0  }
0x2e3: {  	[tilespmem:$0x9580] =	vst v46;
	v1 =	vadd.f32 v42, v6;
	v5 =	vadd.f32 v49, v5;
	v49 =	vld [tilespmem:$0x1FF00]  }
0x2e4: {  	v50 =	vld [tilespmem:$0x1FEE0];
	[tilespmem:$0x9500] =	vst v0  }
0x2e5: {  	v51 =	vld [tilespmem:$0x1FF10];
	[tilespmem:$0x9400] =	vst v1  }
0x2e6: {  	v52 =	vld [tilespmem:$0x1FF20];
	[tilespmem:$0x9480] =	vst v5  }
0x2e7: {  	v0 =	vld.idx.msk [tilespmem:v47+s13+$0x0], $0xffff  }
0x2e8: {  	v53 =	vld [tilespmem:$0x1FF30]  }
0x2e9: {  	v1 =	vld.idx.msk [tilespmem:v48+s13+$0x0], $0xffff  }
0x2ea: {  	v54 =	vld [tilespmem:$0x1FF40]  }
0x2eb: {  	v2 =	vld.idx.msk [tilespmem:v49+s13+$0x0], $0xffff  }
0x2ec: {  	v55 =	vld [tilespmem:$0x1FF50];
	v0 =	vadd.f32 v0, v50  }
0x2ed: {  	v3 =	vld.idx.msk [tilespmem:v51+s13+$0x0], $0xffff  }
0x2ee: {  	v56 =	vld [tilespmem:$0x1FF60];
	v0 =	vadd.f32 v1, v0  }
0x2ef: {  	v1 =	vld.idx.msk [tilespmem:v52+s13+$0x0], $0xffff  }
0x2f0: {  	v57 =	vld [tilespmem:$0x1FF70];
	v0 =	vadd.f32 v2, v0  }
0x2f1: {  	v2 =	vld.idx.msk [tilespmem:v53+s13+$0x0], $0xffff  }
0x2f2: {  	v58 =	vld [tilespmem:$0x1FF80];
	v0 =	vadd.f32 v3, v0  }
0x2f3: {  	v3 =	vld.idx.msk [tilespmem:v54+s13+$0x0], $0xffff  }
0x2f4: {  	v59 =	vld [tilespmem:$0x1FF90];
	v0 =	vadd.f32 v1, v0  }
0x2f5: {  	v1 =	vld.idx.msk [tilespmem:v55+s13+$0x0], $0xffff  }
0x2f6: {  	v60 =	vld [tilespmem:$0x1FFA0];
	v0 =	vadd.f32 v2, v0  }
0x2f7: {  	v2 =	vld.idx.msk [tilespmem:v56+s13+$0x0], $0xffff  }
0x2f8: {  	v61 =	vld [tilespmem:$0x1FFB0];
	v0 =	vadd.f32 v3, v0  }
0x2f9: {  	v3 =	vld.idx.msk [tilespmem:v57+s13+$0x0], $0xffff  }
0x2fa: {  	v62 =	vld [tilespmem:$0x1FFC0];
	v0 =	vadd.f32 v1, v0  }
0x2fb: {  	v1 =	vld.idx.msk [tilespmem:v58+s13+$0x0], $0xffff  }
0x2fc: {  	v63 =	vld [tilespmem:$0x1FFE0];
	v0 =	vadd.f32 v2, v0  }
0x2fd: {  	v2 =	vld.idx.msk [tilespmem:v59+s13+$0x0], $0xffff  }
0x2fe: {  	v0 =	vadd.f32 v3, v0  }
0x2ff: {  	v3 =	vld.idx.msk [tilespmem:v60+s13+$0x0], $0xffff  }
0x300: {  	v0 =	vadd.f32 v1, v0  }
0x301: {  	v1 =	vld.idx.msk [tilespmem:v61+s13+$0x0], $0xffff  }
0x302: {  	v0 =	vadd.f32 v2, v0  }
0x303: {  	v2 =	vld.idx.msk [tilespmem:v62+s13+$0x0], $0xffff  }
0x304: {  	v0 =	vadd.f32 v3, v0  }
0x305: {  	v3 =	vld.idx.msk [tilespmem:v63+s13+$0x0], $0xffff  }
0x306: {  	s19 =	sadd.s32 $0x1, s19;
	v0 =	vadd.f32 v1, v0  }
0x307: {  	p0 =	sne.s32 s19, $0x10  }
.Ltmp3:
0x308: {  	v0 =	vadd.f32 v2, v0;
	(pc) =	sbr.rel @p0 .LBB2_4-.Ltmp3, $3  }
0x309: {  	_ = 	snop  }
0x30a: {  	v0 =	vadd.f32 v3, v0;
	_ =	sdelay $0x1  }
0x30b: {  	[tilespmem:s21+$0x8C10] =	vst v0  }
0x30c: {  	s6 =	simm.s32 $0x0  }
0x30d: {  	s0 =	rddreg [dreg:$0x9];
	s1 =	simm.s32 $0x8C00;
	s2 =	simm.s32 $0x3  }
0x30e: {  	[hbm4b:s0+s6] =	stream.linear.scatter [tilespmem:s1], [sflag:$0x3], $0x200, $0x38;
	[tilespmem:$0x9600] =	vst v63  }
0x30f: {  	_ =	swait.ge [sflag:s2], $0x200  }
0x310: {  	s30 =	rddreg [dreg:$0xb]  }
0x311: {  	s31 =	rddreg [dreg:$0xa];
	s1 =	sadd.s32 $0x1, s30  }
0x312: {  	p0 =	sne.s32 s1, s31  }
.Ltmp4:
0x313: {  	_ = 	snop;
	(pc) =	sbr.rel @p0 .LBB2_1-.Ltmp4, $3  }
0x314: {  	v10 =	vld [tilespmem:$0x1FFF0];
	_ =	sdelay $0x1  }
0x315: {  	[sflag:s2] =	ssyncset.done $0x0  }
0x316: {  	v12 =	vimm.s32 $0x0;
	[sflag:s2] =	ssyncadd.s32 $0xFFFFFE00  }
0x317: {  	_ =	sfence.sel $0x180000  }
0x318: {  	[bflag:$0x0] =	sbarrier.arrive $0xFFFF  }
0x319: {  	_ =	strace $0x90000047  }
0x31a: {  	s0 =	stileid.u32;
	[bflag:$0x2] =	sbarrier.arrive $0xFFFF  }
0x31b: {  	p0 =	sne.s32 s0, $0x0;
	s0 =	rddreg [dreg:$0x3]  }
0x31c: {  	s0 =	sadd.s32 @!p0 $0x100000, s0  }
0x31d: {  	[sflag:s0] =	ssyncadd.tile.s32 @!p0 $0x1;
	_ =	shalt  }
.Lfunc_end2:
_tile_overlayer_lowered:
.L_overlay_start_2:
0x31e: {  	(tag) =	ssettag $0x2  }
0x31f: {  	s0 =	rddreg [dreg:$0x0];
	s2 =	stileid.u32  }
0x320: {  	s1 =	rddreg [dreg:$0x1];
	p0 =	sne.s32 s2, $0x0  }
0x321: {  	s3 =	rddreg [dreg:$0x2];
	[bflag:$0x3] =	sbarrier.arrive $0xFFFF;
	s2 =	simm.s32 @!p0 $0x1C03  }
0x322: {  	[timem:s3], [sflag:s2] =	dma.local @!p0 [hbm:s0], s1  }
0x323: {  	s0 =	simm.s32 @!p0 $0x3  }
0x324: {  	_ =	swait.ge @!p0 [sflag:s0], s1  }
0x325: {  	s1 =	ssub.s32 @!p0 $0x0, s1;
	[sflag:s0] =	ssyncset.done @!p0 $0x0  }
0x326: {  	[sflag:s0] =	ssyncadd.s32 @!p0 s1  }
0x327: {  	[bflag:$0x3] =	sbarrier.arrive $0xFFFF  }
0x328: {  	_ =	shalt  }

</sc_bundles>
